<compile_context>
chip_gen: v7x
topology: tpu7x:2x2x1
jax: 0.10.2.dev20260603
libtpu: 0.0.44.dev20260713+nightly
codegen_flags: <defaults>
</compile_context>

<pallas_src>
import functools

import jax
import jax.numpy as jnp
from jax import lax
from jax.experimental import pallas as pl
from jax.experimental.pallas import tpu as pltpu
from jax.experimental.pallas import tpu_sc as plsc

N = 10000
E = 320000
D1 = 128
D2 = 64
D3 = 32
C = 10
G = 64

NC = 2
NS = 16
NW = NC * NS
K = 125
NCHUNK = E // K // NW
EPW = K * NCHUNK
GSZ = 8
NGRP = NCHUNK // GSZ
DDEPTH = 16
NPAD = 10240
RPT = NPAD // NS

BN = 2000
NB = N // BN


def _sc_agg_body(m_hbm, src_hbm, dst_hbm, zD_hbm,
                 out_agg,
                 src_v, dst_v, rows_v, sh_agg,
                 gsem0, gsem1, ssem0, ssem1):
    cid = lax.axis_index("c")
    sid = lax.axis_index("s")
    base_n = sid * RPT
    pltpu.sync_copy(zD_hbm.at[pl.ds(base_n, RPT)],
                    sh_agg.at[pl.ds(base_n, RPT)])
    wid = cid * NS + sid
    pltpu.sync_copy(dst_hbm.at[pl.ds(wid * NCHUNK, NCHUNK)], dst_v)
    pltpu.sync_copy(src_hbm.at[pl.ds(wid * NGRP, 1)],
                    src_v.at[pl.ds(0, 1)])
    plsc.subcore_barrier()

    gsems = (gsem0, gsem1)
    ssems = (ssem0, ssem1)
    for b in range(2):
        pltpu.async_copy(m_hbm.at[src_v.at[0].at[b]], rows_v.at[b],
                         gsems[b])

    def group(j, carry):
        jm = j % 2
        nxt = (j + 1) % 2
        cur_g = src_v.at[pl.ds(jm, 1)].at[0]
        nxt_g = src_v.at[pl.ds(nxt, 1)].at[0]

        @pl.when(j + 1 < NGRP)
        def _load_next_src():
            pltpu.async_copy(
                src_hbm.at[pl.ds(wid * NGRP + j + 1, 1)],
                src_v.at[pl.ds(nxt, 1)], ssems[0])

        for t in range(GSZ):
            i = j * GSZ + t
            pltpu.make_async_copy(m_hbm.at[src_v.at[0].at[0]],
                                  rows_v.at[t % 2], gsems[t % 2]).wait()
            pltpu.sync_copy(rows_v.at[t % 2], sh_agg.at[dst_v.at[i]],
                            add=True)
            if t == GSZ - 2:
                @pl.when(j + 1 < NGRP)
                def _wait_next_src():
                    pltpu.make_async_copy(
                        src_hbm.at[pl.ds(0, 1)],
                        src_v.at[pl.ds(nxt, 1)], ssems[0]).wait()

            @pl.when(i + 2 < NCHUNK)
            def _prefetch():
                if t < GSZ - 2:
                    idx = cur_g.at[t + 2]
                else:
                    idx = nxt_g.at[t + 2 - GSZ]
                pltpu.async_copy(m_hbm.at[idx], rows_v.at[t % 2],
                                 gsems[t % 2])
        return carry

    lax.fori_loop(0, NGRP, group, 0)
    plsc.subcore_barrier()
    base_o = cid * NPAD + base_n
    pltpu.sync_copy(sh_agg.at[pl.ds(base_n, RPT)],
                    out_agg.at[pl.ds(base_o, RPT)])


@functools.lru_cache(maxsize=None)
def _sc_agg():
    mesh = plsc.VectorSubcoreMesh(core_axis_name="c", subcore_axis_name="s")
    return pl.kernel(
        _sc_agg_body,
        mesh=mesh,
        out_type=jax.ShapeDtypeStruct((NC * NPAD, D1), jnp.float32),
        scratch_types=[
            pltpu.VMEM((2, GSZ, K), jnp.int32),
            pltpu.VMEM((NCHUNK, K), jnp.int32),
            pltpu.VMEM((2, K, D1), jnp.float32),
            pltpu.VMEM_SHARED((NPAD, D1), jnp.float32),
            pltpu.SemaphoreType.DMA,
            pltpu.SemaphoreType.DMA,
            pltpu.SemaphoreType.DMA,
            pltpu.SemaphoreType.DMA,
        ],
    )


def _sc_aggregate(m, src2, dst2, zD):
    return _sc_agg()(m, src2, dst2, zD).reshape(NC, NPAD, D1)


def _sc_agg_deg_body(m_hbm, src_hbm, dst_hbm, zD_hbm, ones_hbm,
                     out_agg, out_deg,
                     src_v, dst_v, rows_v, sh_agg,
                     gsem0, gsem1, ssem0, ssem1, dsem):
    cid = lax.axis_index("c")
    sid = lax.axis_index("s")
    base_n = sid * RPT
    pltpu.sync_copy(zD_hbm.at[pl.ds(base_n, RPT)],
                    sh_agg.at[pl.ds(base_n, RPT)])
    wid = cid * NS + sid
    pltpu.sync_copy(dst_hbm.at[pl.ds(wid * NCHUNK, NCHUNK)], dst_v)
    pltpu.sync_copy(src_hbm.at[pl.ds(wid * NGRP, 1)],
                    src_v.at[pl.ds(0, 1)])
    plsc.subcore_barrier()

    gsems = (gsem0, gsem1)
    for b in range(2):
        pltpu.async_copy(m_hbm.at[src_v.at[0].at[b]], rows_v.at[b],
                         gsems[b])

    def group(j, carry):
        jm = j % 2
        nxt = (j + 1) % 2
        cur_g = src_v.at[pl.ds(jm, 1)].at[0]
        nxt_g = src_v.at[pl.ds(nxt, 1)].at[0]

        @pl.when(j + 1 < NGRP)
        def _load_next_src():
            pltpu.async_copy(
                src_hbm.at[pl.ds(wid * NGRP + j + 1, 1)],
                src_v.at[pl.ds(nxt, 1)], ssem0)

        for t in range(GSZ):
            i = j * GSZ + t
            pltpu.make_async_copy(m_hbm.at[src_v.at[0].at[0]],
                                  rows_v.at[t % 2], gsems[t % 2]).wait()
            pltpu.sync_copy(rows_v.at[t % 2], sh_agg.at[dst_v.at[i]],
                            add=True)
            if t == GSZ - 2:
                @pl.when(j + 1 < NGRP)
                def _wait_next_src():
                    pltpu.make_async_copy(
                        src_hbm.at[pl.ds(0, 1)],
                        src_v.at[pl.ds(nxt, 1)], ssem0).wait()

            @pl.when(i + 2 < NCHUNK)
            def _prefetch():
                if t < GSZ - 2:
                    idx = cur_g.at[t + 2]
                else:
                    idx = nxt_g.at[t + 2 - GSZ]
                pltpu.async_copy(m_hbm.at[idx], rows_v.at[t % 2],
                                 gsems[t % 2])
        return carry

    lax.fori_loop(0, NGRP, group, 0)
    plsc.subcore_barrier()
    base_o = cid * NPAD + base_n
    pltpu.sync_copy(sh_agg.at[pl.ds(base_n, RPT)],
                    out_agg.at[pl.ds(base_o, RPT)])
    plsc.subcore_barrier()
    pltpu.sync_copy(zD_hbm.at[pl.ds(base_n, RPT)],
                    sh_agg.at[pl.ds(base_n, RPT)])
    ones_v = rows_v.at[0]
    pltpu.sync_copy(ones_hbm, ones_v)
    plsc.subcore_barrier()

    def chunk(i, carry):
        pltpu.async_copy(ones_v, sh_agg.at[dst_v.at[i]], dsem, add=True)

        @pl.when(i >= DDEPTH)
        def _drain_one():
            pltpu.make_async_copy(ones_v, sh_agg.at[dst_v.at[0]],
                                  dsem).wait()
        return carry

    lax.fori_loop(0, NCHUNK, chunk, 0)

    def drain(i, carry):
        pltpu.make_async_copy(ones_v, sh_agg.at[dst_v.at[0]], dsem).wait()
        return carry

    lax.fori_loop(0, DDEPTH, drain, 0)
    plsc.subcore_barrier()
    pltpu.sync_copy(sh_agg.at[pl.ds(base_n, RPT)],
                    out_deg.at[pl.ds(base_o, RPT)])


@functools.lru_cache(maxsize=None)
def _sc_agg_deg():
    mesh = plsc.VectorSubcoreMesh(core_axis_name="c", subcore_axis_name="s")
    return pl.kernel(
        _sc_agg_deg_body,
        mesh=mesh,
        out_type=(jax.ShapeDtypeStruct((NC * NPAD, D1), jnp.float32),
                  jax.ShapeDtypeStruct((NC * NPAD, D1), jnp.float32)),
        scratch_types=[
            pltpu.VMEM((2, GSZ, K), jnp.int32),
            pltpu.VMEM((NCHUNK, K), jnp.int32),
            pltpu.VMEM((2, K, D1), jnp.float32),
            pltpu.VMEM_SHARED((NPAD, D1), jnp.float32),
            pltpu.SemaphoreType.DMA,
            pltpu.SemaphoreType.DMA,
            pltpu.SemaphoreType.DMA,
            pltpu.SemaphoreType.DMA,
            pltpu.SemaphoreType.DMA,
        ],
    )


def _sc_aggregate_deg(m, src3, dst2, zD, ones):
    a, d = _sc_agg_deg()(m, src3, dst2, zD, ones)
    return a.reshape(NC, NPAD, D1), d.reshape(NC, NPAD, D1)



def _gru_math(h, p0, p1, d0, d1, w, wih, whh, bih, bhh):
    deg = jnp.maximum(d0[:, :1] + d1[:, :1], 1.0)
    agg = jnp.dot(p0 + p1, w, preferred_element_type=jnp.float32) / deg
    gi = jnp.dot(agg, wih, preferred_element_type=jnp.float32) + bih
    gh = jnp.dot(h, whh, preferred_element_type=jnp.float32) + bhh
    r = jax.nn.sigmoid(gi[:, :D1] + gh[:, :D1])
    z = jax.nn.sigmoid(gi[:, D1:2 * D1] + gh[:, D1:2 * D1])
    n = jnp.tanh(gi[:, 2 * D1:] + r * gh[:, 2 * D1:])
    return (1.0 - z) * n + z * h


def _gru_mid_body(h_ref, p0_ref, p1_ref, d0_ref, d1_ref,
                  w_ref, wih_ref, whh_ref, bih_ref, bhh_ref,
                  h1_ref):
    h1 = _gru_math(h_ref[...], p0_ref[...], p1_ref[...],
                   d0_ref[...], d1_ref[...], w_ref[...],
                   wih_ref[...], whh_ref[...], bih_ref[...], bhh_ref[...])
    h1_ref[...] = h1


def _gru_mid(h, p0, p1, d0, d1, w, wih, whh, bih, bhh):
    return pl.pallas_call(
        _gru_mid_body,
        grid=(NB,),
        in_specs=[
            pl.BlockSpec((BN, D1), lambda i: (i, 0)),
            pl.BlockSpec((BN, D1), lambda i: (i, 0)),
            pl.BlockSpec((BN, D1), lambda i: (i, 0)),
            pl.BlockSpec((BN, D1), lambda i: (i, 0)),
            pl.BlockSpec((BN, D1), lambda i: (i, 0)),
            pl.BlockSpec((D1, D1), lambda i: (0, 0)),
            pl.BlockSpec((D1, 3 * D1), lambda i: (0, 0)),
            pl.BlockSpec((D1, 3 * D1), lambda i: (0, 0)),
            pl.BlockSpec((1, 3 * D1), lambda i: (0, 0)),
            pl.BlockSpec((1, 3 * D1), lambda i: (0, 0)),
        ],
        out_specs=pl.BlockSpec((BN, D1), lambda i: (i, 0)),
        out_shape=jax.ShapeDtypeStruct((N, D1), jnp.float32),
    )(h, p0, p1, d0, d1, w, wih, whh, bih, bhh)


def _gru_pool_body(h_ref, p0_ref, p1_ref, d0_ref, d1_ref,
                   w_ref, wih_ref, whh_ref, bih_ref, bhh_ref, b_ref,
                   f1_ref, b1_ref, g1_ref, be1_ref,
                   f2_ref, b2_ref, g2_ref, be2_ref,
                   f3_ref, b3_ref,
                   o_ref, pool_ref, cnt_ref):
    h2 = _gru_math(h_ref[...], p0_ref[...], p1_ref[...],
                   d0_ref[...], d1_ref[...], w_ref[...],
                   wih_ref[...], whh_ref[...], bih_ref[...], bhh_ref[...])
    hr = jnp.maximum(h2, 0.0)
    b = b_ref[0, 0, :]
    oh = (b[:, None] == lax.broadcasted_iota(jnp.int32, (BN, G), 1)
          ).astype(jnp.float32)
    pool_part = lax.dot_general(oh, hr, (((0,), (0,)), ((), ())),
                                preferred_element_type=jnp.float32)
    cnt_part = jnp.sum(oh, axis=0)[:, None] * jnp.ones((1, D1), jnp.float32)

    @pl.when(pl.program_id(0) == 0)
    def _init():
        pool_ref[...] = jnp.zeros_like(pool_ref)
        cnt_ref[...] = jnp.zeros_like(cnt_ref)

    pool_ref[...] += pool_part
    cnt_ref[...] += cnt_part

    @pl.when(pl.program_id(0) == NB - 1)
    def _mlp_tail():
        p = pool_ref[...] / jnp.maximum(cnt_ref[...], 1.0)
        y = jnp.dot(p, f1_ref[...],
                    preferred_element_type=jnp.float32) + b1_ref[...]
        y = _bn_relu(y, g1_ref[...], be1_ref[...])
        y = jnp.dot(y, f2_ref[...],
                    preferred_element_type=jnp.float32) + b2_ref[...]
        y = _bn_relu(y, g2_ref[...], be2_ref[...])
        y = jnp.dot(y, f3_ref[...],
                    preferred_element_type=jnp.float32) + b3_ref[...]
        mx = jnp.max(y, axis=1, keepdims=True)
        lse = jnp.log(jnp.sum(jnp.exp(y - mx), axis=1, keepdims=True)) + mx
        o_ref[...] = y - lse


def _gru_pool(h, p0, p1, d0, d1, w, wih, whh, bih, bhh, batch3,
              f1t, b1, g1, be1, f2t, b2, g2, be2, f3t, b3):
    full = lambda i: (0, 0)
    return pl.pallas_call(
        _gru_pool_body,
        grid=(NB,),
        in_specs=[
            pl.BlockSpec((BN, D1), lambda i: (i, 0)),
            pl.BlockSpec((BN, D1), lambda i: (i, 0)),
            pl.BlockSpec((BN, D1), lambda i: (i, 0)),
            pl.BlockSpec((BN, D1), lambda i: (i, 0)),
            pl.BlockSpec((BN, D1), lambda i: (i, 0)),
            pl.BlockSpec((D1, D1), full),
            pl.BlockSpec((D1, 3 * D1), full),
            pl.BlockSpec((D1, 3 * D1), full),
            pl.BlockSpec((1, 3 * D1), full),
            pl.BlockSpec((1, 3 * D1), full),
            pl.BlockSpec((1, 1, BN), lambda i: (i, 0, 0)),
            pl.BlockSpec((D1, D2), full), pl.BlockSpec((1, D2), full),
            pl.BlockSpec((1, D2), full), pl.BlockSpec((1, D2), full),
            pl.BlockSpec((D2, D3), full), pl.BlockSpec((1, D3), full),
            pl.BlockSpec((1, D3), full), pl.BlockSpec((1, D3), full),
            pl.BlockSpec((D3, C), full), pl.BlockSpec((1, C), full),
        ],
        out_specs=pl.BlockSpec((G, C), full),
        out_shape=jax.ShapeDtypeStruct((G, C), jnp.float32),
        scratch_shapes=[pltpu.VMEM((G, D1), jnp.float32),
                        pltpu.VMEM((G, D1), jnp.float32)],
    )(h, p0, p1, d0, d1, w, wih, whh, bih, bhh, batch3,
      f1t, b1, g1, be1, f2t, b2, g2, be2, f3t, b3)


def _bn_relu(y, g, b):
    mu = jnp.mean(y, axis=0, keepdims=True)
    var = jnp.mean((y - mu) * (y - mu), axis=0, keepdims=True)
    return jnp.maximum((y - mu) / jnp.sqrt(var + 1e-5) * g + b, 0.0)



def kernel(x, edge_index, batch, W, w_ih, w_hh, b_ih, b_hh,
           fc1_w, fc1_b, bn1_g, bn1_b, fc2_w, fc2_b, bn2_g, bn2_b,
           fc3_w, fc3_b):
    src = edge_index[0].reshape(NW * NGRP, GSZ, K)
    dst = edge_index[1].reshape(NW * NCHUNK, K)
    zD = jnp.zeros((NPAD, D1), jnp.float32)
    ones = jnp.ones((K, D1), jnp.float32)
    wih_t = w_ih.T
    whh_t = w_hh.T
    bih2 = b_ih[None, :]
    bhh2 = b_hh[None, :]
    batch3 = batch.reshape(NB, 1, BN)

    a0, dg = _sc_aggregate_deg(x, src, dst, zD, ones)
    h1 = _gru_mid(x, a0[0], a0[1], dg[0], dg[1],
                  W[0], wih_t, whh_t, bih2, bhh2)
    a1 = _sc_aggregate(h1, src, dst, zD)
    return _gru_pool(h1, a1[0], a1[1], dg[0], dg[1],
                     W[1], wih_t, whh_t, bih2, bhh2, batch3,
                     fc1_w.T, fc1_b[None, :], bn1_g[None, :], bn1_b[None, :],
                     fc2_w.T, fc2_b[None, :], bn2_g[None, :], bn2_b[None, :],
                     fc3_w.T, fc3_b[None, :])

# --- scband reference (transcript-rebuilt; emitter-appended) ---
"""Pipeline reference for scband-ggnn3-77764677862203 (READ-ONLY COPY).

The authoritative reference and input builder live on the scoring server;
editing this copy changes nothing except your own understanding.
"""

import jax, jax.numpy as jnp
import numpy as np

N = 10000
E = 320000
D1 = 128
D2 = 64
D3 = 32
C = 10
L = 2
G = 64


def setup_inputs(seed: int = 0) -> dict:
    key = jax.random.key(seed)
    ks = jax.random.split(key, 24)
    x = jax.random.normal(ks[0], (N, D1), dtype=jnp.float32)
    edge_index = jax.random.randint(ks[1], (2, E), 0, N, dtype=jnp.int32)
    batch = jnp.sort(jax.random.randint(ks[2], (N,), 0, G, dtype=jnp.int32))
    s1 = 1.0 / np.sqrt(D1)
    W = jax.random.uniform(ks[3], (L, D1, D1), jnp.float32, -s1, s1)
    w_ih = jax.random.uniform(ks[4], (3 * D1, D1), jnp.float32, -s1, s1)
    w_hh = jax.random.uniform(ks[5], (3 * D1, D1), jnp.float32, -s1, s1)
    b_ih = jax.random.uniform(ks[6], (3 * D1,), jnp.float32, -s1, s1)
    b_hh = jax.random.uniform(ks[7], (3 * D1,), jnp.float32, -s1, s1)
    fc1_w = jax.random.uniform(ks[8], (D2, D1), jnp.float32, -s1, s1)
    fc1_b = jax.random.uniform(ks[9], (D2,), jnp.float32, -s1, s1)
    s2 = 1.0 / np.sqrt(D2)
    fc2_w = jax.random.uniform(ks[10], (D3, D2), jnp.float32, -s2, s2)
    fc2_b = jax.random.uniform(ks[11], (D3,), jnp.float32, -s2, s2)
    s3 = 1.0 / np.sqrt(D3)
    fc3_w = jax.random.uniform(ks[12], (C, D3), jnp.float32, -s3, s3)
    fc3_b = jax.random.uniform(ks[13], (C,), jnp.float32, -s3, s3)
    bn1_g = jnp.ones((D2,), jnp.float32)
    bn1_b = jnp.zeros((D2,), jnp.float32)
    bn2_g = jnp.ones((D3,), jnp.float32)
    bn2_b = jnp.zeros((D3,), jnp.float32)
    return {"x": x, "edge_index": edge_index, "batch": batch, "W": W,
            "w_ih": w_ih, "w_hh": w_hh, "b_ih": b_ih, "b_hh": b_hh,
            "fc1_w": fc1_w, "fc1_b": fc1_b, "bn1_g": bn1_g, "bn1_b": bn1_b,
            "fc2_w": fc2_w, "fc2_b": fc2_b, "bn2_g": bn2_g, "bn2_b": bn2_b,
            "fc3_w": fc3_w, "fc3_b": fc3_b}


def _bn(y, g, b):
    mu = jnp.mean(y, axis=0)
    var = jnp.var(y, axis=0)
    return (y - mu) / jnp.sqrt(var + 1e-5) * g + b


def reference(x, edge_index, batch, W, w_ih, w_hh, b_ih, b_hh,
              fc1_w, fc1_b, bn1_g, bn1_b, fc2_w, fc2_b, bn2_g, bn2_b,
              fc3_w, fc3_b):
    src = edge_index[0]
    dst = edge_index[1]
    deg = jnp.maximum(jax.ops.segment_sum(jnp.ones((E,), jnp.float32), dst, num_segments=N), 1.0)
    h = x
    for i in range(L):
        m = h @ W[i]
        agg = jax.ops.segment_sum(jnp.take(m, src, axis=0), dst, num_segments=N) / deg[:, None]
        gi = agg @ w_ih.T + b_ih
        gh = h @ w_hh.T + b_hh
        i_r, i_z, i_n = jnp.split(gi, 3, axis=1)
        h_r, h_z, h_n = jnp.split(gh, 3, axis=1)
        r = jax.nn.sigmoid(i_r + h_r)
        z = jax.nn.sigmoid(i_z + h_z)
        n = jnp.tanh(i_n + r * h_n)
        h = (1.0 - z) * n + z * h
    h = jax.nn.relu(h)
    # dropout: identity in eval mode
    cnt = jnp.maximum(jax.ops.segment_sum(jnp.ones((N,), jnp.float32), batch, num_segments=G), 1.0)
    p = jax.ops.segment_sum(h, batch, num_segments=G) / cnt[:, None]
    y = jax.nn.relu(_bn(p @ fc1_w.T + fc1_b, bn1_g, bn1_b))
    y = jax.nn.relu(_bn(y @ fc2_w.T + fc2_b, bn2_g, bn2_b))
    y = y @ fc3_w.T + fc3_b
    return jax.nn.log_softmax(y, axis=1)

if __name__ == "__main__":
    import jax
    _d = setup_inputs()
    print(jax.jit(kernel)(*tuple(_d.values())))

</pallas_src>

<mosaic_0001>
#map = affine_map<(d0, d1) -> (0, 0)>
#map1 = affine_map<(d0, d1) -> (0, 0, 0)>
module attributes {stable_mosaic.version = 14 : i64} {
  func.func @_sc_agg_deg_body(%arg0: i32, %arg1: i32, %arg2: memref<10000x128xf32, #tpu.memory_space<hbm>>, %arg3: memref<320x8x125xi32, #tpu.memory_space<hbm>>, %arg4: memref<2560x125xi32, #tpu.memory_space<hbm>>, %arg5: memref<10240x128xf32, #tpu.memory_space<hbm>>, %arg6: memref<125x128xf32, #tpu.memory_space<hbm>>, %arg7: memref<20480x128xf32, #tpu.memory_space<hbm>>, %arg8: memref<20480x128xf32, #tpu.memory_space<hbm>>, %arg9: memref<2x8x125xi32, #tpu.memory_space<vmem>>, %arg10: memref<80x125xi32, #tpu.memory_space<vmem>>, %arg11: memref<2x125x128xf32, #tpu.memory_space<vmem>>, %arg12: memref<10240x128xf32, #tpu.memory_space<vmem_shared>>, %arg13: memref<!tpu.dma_semaphore, #tpu.memory_space<semaphore_mem>>, %arg14: memref<!tpu.dma_semaphore, #tpu.memory_space<semaphore_mem>>, %arg15: memref<!tpu.dma_semaphore, #tpu.memory_space<semaphore_mem>>, %arg16: memref<!tpu.dma_semaphore, #tpu.memory_space<semaphore_mem>>, %arg17: memref<!tpu.dma_semaphore, #tpu.memory_space<semaphore_mem>>) attributes {dimension_semantics = [#tpu.dimension_semantics<core_parallel>, #tpu.dimension_semantics<subcore_parallel>], iteration_bounds = array<i64: 2, 16>, scalar_prefetch = 0 : i64, scratch_operands = 9 : i64, tpu.core_type = #tpu.core_type<sc_vector_subcore>, window_params = [{transform_indices = #map}, {transform_indices = #map1}, {transform_indices = #map}, {transform_indices = #map}, {transform_indices = #map}, {transform_indices = #map}, {transform_indices = #map}]} {
    %mul3A = arith.constant 640 : i32
    %mul3A_0 = arith.muli %arg1, %mul3A : i32
    "tpu.region"() ({
      %run_scoped3A_66 = tpu.sem_alloc : memref<!tpu.dma_semaphore, #tpu.memory_space<semaphore_mem>>
      %dma_start3A_67 = arith.constant 0 : i32
      %dma_start3A_68 = tpu.memref_slice %arg12[%mul3A_0, %dma_start3A_67] : memref<10240x128xf32, #tpu.memory_space<vmem_shared>> -> memref<640x128xf32, #tpu.memory_space<vmem_shared>>
      %dma_start3A_69 = arith.constant 0 : i32
      %dma_start3A_70 = tpu.memref_slice %arg5[%mul3A_0, %dma_start3A_69] : memref<10240x128xf32, #tpu.memory_space<hbm>> -> memref<640x128xf32, #tpu.memory_space<hbm>>
      tpu.enqueue_dma source(%dma_start3A_70 : memref<640x128xf32, #tpu.memory_space<hbm>>) target(%dma_start3A_68 : memref<640x128xf32, #tpu.memory_space<vmem_shared>>) target_semaphore(%run_scoped3A_66 : memref<!tpu.dma_semaphore, #tpu.memory_space<semaphore_mem>>)
      %dma_wait3A = arith.constant 0 : i32
      %dma_wait3A_71 = tpu.memref_slice %arg12[%mul3A_0, %dma_wait3A] : memref<10240x128xf32, #tpu.memory_space<vmem_shared>> -> memref<640x128xf32, #tpu.memory_space<vmem_shared>>
      %dma_wait3A_72 = arith.constant 0 : i32
      %dma_wait3A_73 = tpu.memref_slice %arg5[%mul3A_0, %dma_wait3A_72] : memref<10240x128xf32, #tpu.memory_space<hbm>> -> memref<640x128xf32, #tpu.memory_space<hbm>>
      tpu.wait_dma2 semaphore(%run_scoped3A_66 : memref<!tpu.dma_semaphore, #tpu.memory_space<semaphore_mem>>) src(%dma_wait3A_73 : memref<640x128xf32, #tpu.memory_space<hbm>>) dst(%dma_wait3A_71 : memref<640x128xf32, #tpu.memory_space<vmem_shared>>)
      tpu.yield
    }) : () -> ()
    %mul3A_1 = arith.constant 16 : i32
    %mul3A_2 = arith.muli %arg0, %mul3A_1 : i32
    %add3A = arith.addi %mul3A_2, %arg1 : i32
    %mul3A_3 = arith.constant 80 : i32
    %mul3A_4 = arith.muli %add3A, %mul3A_3 : i32
    "tpu.region"() ({
      %run_scoped3A_66 = tpu.sem_alloc : memref<!tpu.dma_semaphore, #tpu.memory_space<semaphore_mem>>
      %dma_start3A_67 = arith.constant 0 : i32
      %dma_start3A_68 = tpu.memref_slice %arg4[%mul3A_4, %dma_start3A_67] : memref<2560x125xi32, #tpu.memory_space<hbm>> -> memref<80x125xi32, #tpu.memory_space<hbm>>
      %dma_start3A_69 = arith.constant 0 : i32
      %dma_start3A_70 = tpu.memref_slice %arg4[%mul3A_4, %dma_start3A_69] : memref<2560x125xi32, #tpu.memory_space<hbm>> -> memref<80x125xi32, #tpu.memory_space<hbm>>
      tpu.enqueue_dma source(%dma_start3A_70 : memref<80x125xi32, #tpu.memory_space<hbm>>) target(%arg10 : memref<80x125xi32, #tpu.memory_space<vmem>>) target_semaphore(%run_scoped3A_66 : memref<!tpu.dma_semaphore, #tpu.memory_space<semaphore_mem>>)
      %dma_wait3A = arith.constant 0 : i32
      %dma_wait3A_71 = tpu.memref_slice %arg4[%mul3A_4, %dma_wait3A] : memref<2560x125xi32, #tpu.memory_space<hbm>> -> memref<80x125xi32, #tpu.memory_space<hbm>>
      %dma_wait3A_72 = arith.constant 0 : i32
      %dma_wait3A_73 = tpu.memref_slice %arg4[%mul3A_4, %dma_wait3A_72] : memref<2560x125xi32, #tpu.memory_space<hbm>> -> memref<80x125xi32, #tpu.memory_space<hbm>>
      tpu.wait_dma2 semaphore(%run_scoped3A_66 : memref<!tpu.dma_semaphore, #tpu.memory_space<semaphore_mem>>) src(%dma_wait3A_73 : memref<80x125xi32, #tpu.memory_space<hbm>>) dst(%arg10 : memref<80x125xi32, #tpu.memory_space<vmem>>)
      tpu.yield
    }) : () -> ()
    %mul3A_5 = arith.constant 10 : i32
    %mul3A_6 = arith.muli %add3A, %mul3A_5 : i32
    "tpu.region"() ({
      %run_scoped3A_66 = tpu.sem_alloc : memref<!tpu.dma_semaphore, #tpu.memory_space<semaphore_mem>>
      %dma_start3A_67 = arith.constant 0 : i32
      %dma_start3A_68 = arith.constant 0 : i32
      %dma_start3A_69 = arith.constant 0 : i32
      %dma_start3A_70 = tpu.memref_slice %arg9[%dma_start3A_67, %dma_start3A_68, %dma_start3A_69] : memref<2x8x125xi32, #tpu.memory_space<vmem>> -> memref<1x8x125xi32, #tpu.memory_space<vmem>>
      %dma_start3A_71 = arith.constant 0 : i32
      %dma_start3A_72 = arith.constant 0 : i32
      %dma_start3A_73 = tpu.memref_slice %arg3[%mul3A_6, %dma_start3A_71, %dma_start3A_72] : memref<320x8x125xi32, #tpu.memory_space<hbm>> -> memref<1x8x125xi32, #tpu.memory_space<hbm>>
      %dma_start3A_74 = arith.constant 0 : i32
      %dma_start3A_75 = arith.constant 0 : i32
      %dma_start3A_76 = arith.constant 0 : i32
      %dma_start3A_77 = tpu.memref_slice %arg9[%dma_start3A_74, %dma_start3A_75, %dma_start3A_76] : memref<2x8x125xi32, #tpu.memory_space<vmem>> -> memref<1x8x125xi32, #tpu.memory_space<vmem>>
      %dma_start3A_78 = arith.constant 0 : i32
      %dma_start3A_79 = arith.constant 0 : i32
      %dma_start3A_80 = tpu.memref_slice %arg3[%mul3A_6, %dma_start3A_78, %dma_start3A_79] : memref<320x8x125xi32, #tpu.memory_space<hbm>> -> memref<1x8x125xi32, #tpu.memory_space<hbm>>
      tpu.enqueue_dma source(%dma_start3A_80 : memref<1x8x125xi32, #tpu.memory_space<hbm>>) target(%dma_start3A_77 : memref<1x8x125xi32, #tpu.memory_space<vmem>>) target_semaphore(%run_scoped3A_66 : memref<!tpu.dma_semaphore, #tpu.memory_space<semaphore_mem>>)
      %dma_wait3A = arith.constant 0 : i32
      %dma_wait3A_81 = arith.constant 0 : i32
      %dma_wait3A_82 = arith.constant 0 : i32
      %dma_wait3A_83 = tpu.memref_slice %arg9[%dma_wait3A, %dma_wait3A_81, %dma_wait3A_82] : memref<2x8x125xi32, #tpu.memory_space<vmem>> -> memref<1x8x125xi32, #tpu.memory_space<vmem>>
      %dma_wait3A_84 = arith.constant 0 : i32
      %dma_wait3A_85 = arith.constant 0 : i32
      %dma_wait3A_86 = tpu.memref_slice %arg3[%mul3A_6, %dma_wait3A_84, %dma_wait3A_85] : memref<320x8x125xi32, #tpu.memory_space<hbm>> -> memref<1x8x125xi32, #tpu.memory_space<hbm>>
      %dma_wait3A_87 = arith.constant 0 : i32
      %dma_wait3A_88 = arith.constant 0 : i32
      %dma_wait3A_89 = arith.constant 0 : i32
      %dma_wait3A_90 = tpu.memref_slice %arg9[%dma_wait3A_87, %dma_wait3A_88, %dma_wait3A_89] : memref<2x8x125xi32, #tpu.memory_space<vmem>> -> memref<1x8x125xi32, #tpu.memory_space<vmem>>
      %dma_wait3A_91 = arith.constant 0 : i32
      %dma_wait3A_92 = arith.constant 0 : i32
      %dma_wait3A_93 = tpu.memref_slice %arg3[%mul3A_6, %dma_wait3A_91, %dma_wait3A_92] : memref<320x8x125xi32, #tpu.memory_space<hbm>> -> memref<1x8x125xi32, #tpu.memory_space<hbm>>
      tpu.wait_dma2 semaphore(%run_scoped3A_66 : memref<!tpu.dma_semaphore, #tpu.memory_space<semaphore_mem>>) src(%dma_wait3A_93 : memref<1x8x125xi32, #tpu.memory_space<hbm>>) dst(%dma_wait3A_90 : memref<1x8x125xi32, #tpu.memory_space<vmem>>)
      tpu.yield
    }) : () -> ()
    %barrier3A = arith.constant 0 : index
    tpu.barrier barrier_id(%barrier3A)
    %dma_start3A = arith.constant 0 : i32
    %dma_start3A_7 = arith.constant 0 : i32
    %dma_start3A_8 = arith.constant 0 : i32
    %dma_start3A_9 = arith.constant 0 : i32
    %dma_start3A_10 = arith.constant 0 : i32
    %dma_start3A_11 = tpu.memref_slice %arg11[%dma_start3A_8, %dma_start3A_9, %dma_start3A_10] : memref<2x125x128xf32, #tpu.memory_space<vmem>> -> memref<1x125x128xf32, #tpu.memory_space<vmem>>
    %dma_start3A_12 = tpu.memref_squeeze %dma_start3A_11 : memref<1x125x128xf32, #tpu.memory_space<vmem>> -> memref<125x128xf32, #tpu.memory_space<vmem>>
    %dma_start3A_13 = arith.constant 0 : i32
    %dma_start3A_14 = arith.constant 0 : i32
    %dma_start3A_15 = tpu.memref_slice %arg9[%dma_start3A, %dma_start3A_13, %dma_start3A_14] : memref<2x8x125xi32, #tpu.memory_space<vmem>> -> memref<1x8x125xi32, #tpu.memory_space<vmem>>
    %dma_start3A_16 = tpu.memref_squeeze %dma_start3A_15 : memref<1x8x125xi32, #tpu.memory_space<vmem>> -> memref<8x125xi32, #tpu.memory_space<vmem>>
    %dma_start3A_17 = arith.constant 0 : i32
    %dma_start3A_18 = tpu.memref_slice %dma_start3A_16[%dma_start3A_7, %dma_start3A_17] : memref<8x125xi32, #tpu.memory_space<vmem>> -> memref<1x125xi32, #tpu.memory_space<vmem>>
    %dma_start3A_19 = tpu.memref_squeeze %dma_start3A_18 : memref<1x125xi32, #tpu.memory_space<vmem>> -> memref<125xi32, #tpu.memory_space<vmem>>
    %dma_start3A_20 = arith.constant 0 : i32
    %dma_start3A_21 = arith.constant 0 : i32
    %dma_start3A_22 = tpu.memref_slice %arg2[%dma_start3A_20, %dma_start3A_21] : memref<10000x128xf32, #tpu.memory_space<hbm>> -> memref<10000x128xf32, #tpu.memory_space<hbm>>
    tpu.enqueue_indirect_dma source(%dma_start3A_22 : memref<10000x128xf32, #tpu.memory_space<hbm>>) target(%dma_start3A_12 : memref<125x128xf32, #tpu.memory_space<vmem>>) offsets(%dma_start3A_19 : memref<125xi32, #tpu.memory_space<vmem>>) semaphore(%arg13 : memref<!tpu.dma_semaphore, #tpu.memory_space<semaphore_mem>>)
    %dma_start3A_23 = arith.constant 0 : i32
    %dma_start3A_24 = arith.constant 1 : i32
    %dma_start3A_25 = arith.constant 1 : i32
    %dma_start3A_26 = arith.constant 0 : i32
    %dma_start3A_27 = arith.constant 0 : i32
    %dma_start3A_28 = tpu.memref_slice %arg11[%dma_start3A_25, %dma_start3A_26, %dma_start3A_27] : memref<2x125x128xf32, #tpu.memory_space<vmem>> -> memref<1x125x128xf32, #tpu.memory_space<vmem>>
    %dma_start3A_29 = tpu.memref_squeeze %dma_start3A_28 : memref<1x125x128xf32, #tpu.memory_space<vmem>> -> memref<125x128xf32, #tpu.memory_space<vmem>>
    %dma_start3A_30 = arith.constant 0 : i32
    %dma_start3A_31 = arith.constant 0 : i32
    %dma_start3A_32 = tpu.memref_slice %arg9[%dma_start3A_23, %dma_start3A_30, %dma_start3A_31] : memref<2x8x125xi32, #tpu.memory_space<vmem>> -> memref<1x8x125xi32, #tpu.memory_space<vmem>>
    %dma_start3A_33 = tpu.memref_squeeze %dma_start3A_32 : memref<1x8x125xi32, #tpu.memory_space<vmem>> -> memref<8x125xi32, #tpu.memory_space<vmem>>
    %dma_start3A_34 = arith.constant 0 : i32
    %dma_start3A_35 = tpu.memref_slice %dma_start3A_33[%dma_start3A_24, %dma_start3A_34] : memref<8x125xi32, #tpu.memory_space<vmem>> -> memref<1x125xi32, #tpu.memory_space<vmem>>
    %dma_start3A_36 = tpu.memref_squeeze %dma_start3A_35 : memref<1x125xi32, #tpu.memory_space<vmem>> -> memref<125xi32, #tpu.memory_space<vmem>>
    %dma_start3A_37 = arith.constant 0 : i32
    %dma_start3A_38 = arith.constant 0 : i32
    %dma_start3A_39 = tpu.memref_slice %arg2[%dma_start3A_37, %dma_start3A_38] : memref<10000x128xf32, #tpu.memory_space<hbm>> -> memref<10000x128xf32, #tpu.memory_space<hbm>>
    tpu.enqueue_indirect_dma source(%dma_start3A_39 : memref<10000x128xf32, #tpu.memory_space<hbm>>) target(%dma_start3A_29 : memref<125x128xf32, #tpu.memory_space<vmem>>) offsets(%dma_start3A_36 : memref<125xi32, #tpu.memory_space<vmem>>) semaphore(%arg14 : memref<!tpu.dma_semaphore, #tpu.memory_space<semaphore_mem>>)
    %scan3A = arith.constant 0 : i32
    %scan3A_40 = arith.constant 0 : i32
    %scan3A_41 = arith.constant 10 : i32
    %scan3A_42 = arith.addi %scan3A_40, %scan3A_41 : i32
    %scan3A_43 = arith.constant 1 : i32
    scf.for %scan3A_66 = %scan3A_40 to %scan3A_42 step %scan3A_43  : i32 {
      %jit3A = arith.constant 2 : i32
      %eq3A = arith.constant 0 : i32
      %eq3A_67 = arith.cmpi eq, %jit3A, %eq3A : i32
      %jit3A_68 = arith.constant 1 : i32
      %select_n3A = arith.select %eq3A_67, %jit3A_68, %jit3A : i32
      %rem3A = arith.remsi %scan3A_66, %select_n3A : i32
      %ne3A = arith.constant 0 : i32
      %ne3A_69 = arith.cmpi ne, %rem3A, %ne3A : i32
      %lt3A = arith.constant 0 : i32
      %lt3A_70 = arith.cmpi slt, %rem3A, %lt3A : i32
      %lt3A_71 = arith.constant 0 : i32
      %lt3A_72 = arith.cmpi slt, %select_n3A, %lt3A_71 : i32
      %ne3A_73 = arith.xori %lt3A_70, %lt3A_72 : i1
      %and3A = arith.andi %ne3A_73, %ne3A_69 : i1
      %add3A_74 = arith.addi %rem3A, %select_n3A : i32
      %select_n3A_75 = arith.select %and3A, %add3A_74, %rem3A : i32
      %add3A_76 = arith.constant 1 : i32
      %add3A_77 = arith.addi %scan3A_66, %add3A_76 : i32
      %jit3A_78 = arith.constant 2 : i32
      %eq3A_79 = arith.constant 0 : i32
      %eq3A_80 = arith.cmpi eq, %jit3A_78, %eq3A_79 : i32
      %jit3A_81 = arith.constant 1 : i32
      %select_n3A_82 = arith.select %eq3A_80, %jit3A_81, %jit3A_78 : i32
      %rem3A_83 = arith.remsi %add3A_77, %select_n3A_82 : i32
      %ne3A_84 = arith.constant 0 : i32
      %ne3A_85 = arith.cmpi ne, %rem3A_83, %ne3A_84 : i32
      %lt3A_86 = arith.constant 0 : i32
      %lt3A_87 = arith.cmpi slt, %rem3A_83, %lt3A_86 : i32
      %lt3A_88 = arith.constant 0 : i32
      %lt3A_89 = arith.cmpi slt, %select_n3A_82, %lt3A_88 : i32
      %ne3A_90 = arith.xori %lt3A_87, %lt3A_89 : i1
      %and3A_91 = arith.andi %ne3A_90, %ne3A_85 : i1
      %add3A_92 = arith.addi %rem3A_83, %select_n3A_82 : i32
      %select_n3A_93 = arith.select %and3A_91, %add3A_92, %rem3A_83 : i32
      %add3A_94 = arith.constant 1 : i32
      %add3A_95 = arith.addi %scan3A_66, %add3A_94 : i32
      %lt3A_96 = arith.constant 10 : i32
      %lt3A_97 = arith.cmpi slt, %add3A_95, %lt3A_96 : i32
      %convert_element_type3A = arith.extui %lt3A_97 : i1 to i32
      %cond3A = arith.constant 0 : i32
      %cond3A_98 = arith.cmpi ne, %convert_element_type3A, %cond3A : i32
      scf.if %cond3A_98 {
        %mul3A_345 = arith.constant 10 : i32
        %mul3A_346 = arith.muli %add3A, %mul3A_345 : i32
        %add3A_347 = arith.addi %mul3A_346, %scan3A_66 : i32
        %add3A_348 = arith.constant 1 : i32
        %add3A_349 = arith.addi %add3A_347, %add3A_348 : i32
        %dma_start3A_350 = arith.constant 0 : i32
        %dma_start3A_351 = arith.constant 0 : i32
        %dma_start3A_352 = tpu.memref_slice %arg9[%select_n3A_93, %dma_start3A_350, %dma_start3A_351] : memref<2x8x125xi32, #tpu.memory_space<vmem>> -> memref<1x8x125xi32, #tpu.memory_space<vmem>>
        %dma_start3A_353 = arith.constant 0 : i32
        %dma_start3A_354 = arith.constant 0 : i32
        %dma_start3A_355 = tpu.memref_slice %arg3[%add3A_349, %dma_start3A_353, %dma_start3A_354] : memref<320x8x125xi32, #tpu.memory_space<hbm>> -> memref<1x8x125xi32, #tpu.memory_space<hbm>>
        %dma_start3A_356 = arith.constant 0 : i32
        %dma_start3A_357 = arith.constant 0 : i32
        %dma_start3A_358 = tpu.memref_slice %arg9[%select_n3A_93, %dma_start3A_356, %dma_start3A_357] : memref<2x8x125xi32, #tpu.memory_space<vmem>> -> memref<1x8x125xi32, #tpu.memory_space<vmem>>
        %dma_start3A_359 = arith.constant 0 : i32
        %dma_start3A_360 = arith.constant 0 : i32
        %dma_start3A_361 = tpu.memref_slice %arg3[%add3A_349, %dma_start3A_359, %dma_start3A_360] : memref<320x8x125xi32, #tpu.memory_space<hbm>> -> memref<1x8x125xi32, #tpu.memory_space<hbm>>
        tpu.enqueue_dma source(%dma_start3A_361 : memref<1x8x125xi32, #tpu.memory_space<hbm>>) target(%dma_start3A_358 : memref<1x8x125xi32, #tpu.memory_space<vmem>>) target_semaphore(%arg15 : memref<!tpu.dma_semaphore, #tpu.memory_space<semaphore_mem>>)
      } else {
      }
      %mul3A_99 = arith.constant 8 : i32
      %mul3A_100 = arith.muli %scan3A_66, %mul3A_99 : i32
      %add3A_101 = arith.constant 0 : i32
      %add3A_102 = arith.addi %mul3A_100, %add3A_101 : i32
      %dma_wait3A = arith.constant 0 : i32
      %dma_wait3A_103 = arith.constant 0 : i32
      %dma_wait3A_104 = arith.constant 0 : i32
      %dma_wait3A_105 = arith.constant 0 : i32
      %dma_wait3A_106 = arith.constant 0 : i32
      %dma_wait3A_107 = tpu.memref_slice %arg11[%dma_wait3A_104, %dma_wait3A_105, %dma_wait3A_106] : memref<2x125x128xf32, #tpu.memory_space<vmem>> -> memref<1x125x128xf32, #tpu.memory_space<vmem>>
      %dma_wait3A_108 = tpu.memref_squeeze %dma_wait3A_107 : memref<1x125x128xf32, #tpu.memory_space<vmem>> -> memref<125x128xf32, #tpu.memory_space<vmem>>
      %dma_wait3A_109 = arith.constant 0 : i32
      %dma_wait3A_110 = arith.constant 0 : i32
      %dma_wait3A_111 = tpu.memref_slice %arg9[%dma_wait3A, %dma_wait3A_109, %dma_wait3A_110] : memref<2x8x125xi32, #tpu.memory_space<vmem>> -> memref<1x8x125xi32, #tpu.memory_space<vmem>>
      %dma_wait3A_112 = tpu.memref_squeeze %dma_wait3A_111 : memref<1x8x125xi32, #tpu.memory_space<vmem>> -> memref<8x125xi32, #tpu.memory_space<vmem>>
      %dma_wait3A_113 = arith.constant 0 : i32
      %dma_wait3A_114 = tpu.memref_slice %dma_wait3A_112[%dma_wait3A_103, %dma_wait3A_113] : memref<8x125xi32, #tpu.memory_space<vmem>> -> memref<1x125xi32, #tpu.memory_space<vmem>>
      %dma_wait3A_115 = tpu.memref_squeeze %dma_wait3A_114 : memref<1x125xi32, #tpu.memory_space<vmem>> -> memref<125xi32, #tpu.memory_space<vmem>>
      %dma_wait3A_116 = arith.constant 0 : i32
      %dma_wait3A_117 = arith.constant 0 : i32
      %dma_wait3A_118 = tpu.memref_slice %arg2[%dma_wait3A_116, %dma_wait3A_117] : memref<10000x128xf32, #tpu.memory_space<hbm>> -> memref<10000x128xf32, #tpu.memory_space<hbm>>
      tpu.wait_indirect_dma semaphore(%arg13 : memref<!tpu.dma_semaphore, #tpu.memory_space<semaphore_mem>>) src(%dma_wait3A_118 : memref<10000x128xf32, #tpu.memory_space<hbm>>) dst(%dma_wait3A_108 : memref<125x128xf32, #tpu.memory_space<vmem>>)
      %run_scoped3A_119 = arith.constant 0 : i32
      "tpu.region"() ({
        %run_scoped3A_345 = tpu.sem_alloc : memref<!tpu.dma_semaphore, #tpu.memory_space<semaphore_mem>>
        %dma_start3A_346 = arith.constant 0 : i32
        %dma_start3A_347 = arith.constant 0 : i32
        %dma_start3A_348 = tpu.memref_slice %arg11[%run_scoped3A_119, %dma_start3A_346, %dma_start3A_347] : memref<2x125x128xf32, #tpu.memory_space<vmem>> -> memref<1x125x128xf32, #tpu.memory_space<vmem>>
        %dma_start3A_349 = tpu.memref_squeeze %dma_start3A_348 : memref<1x125x128xf32, #tpu.memory_space<vmem>> -> memref<125x128xf32, #tpu.memory_space<vmem>>
        %dma_start3A_350 = arith.constant 0 : i32
        %dma_start3A_351 = tpu.memref_slice %arg10[%add3A_102, %dma_start3A_350] : memref<80x125xi32, #tpu.memory_space<vmem>> -> memref<1x125xi32, #tpu.memory_space<vmem>>
        %dma_start3A_352 = tpu.memref_squeeze %dma_start3A_351 : memref<1x125xi32, #tpu.memory_space<vmem>> -> memref<125xi32, #tpu.memory_space<vmem>>
        %dma_start3A_353 = arith.constant 0 : i32
        %dma_start3A_354 = arith.constant 0 : i32
        %dma_start3A_355 = tpu.memref_slice %arg12[%dma_start3A_353, %dma_start3A_354] : memref<10240x128xf32, #tpu.memory_space<vmem_shared>> -> memref<10240x128xf32, #tpu.memory_space<vmem_shared>>
        tpu.enqueue_indirect_dma source(%dma_start3A_349 : memref<125x128xf32, #tpu.memory_space<vmem>>) target(%dma_start3A_355 : memref<10240x128xf32, #tpu.memory_space<vmem_shared>>) offsets(%dma_start3A_352 : memref<125xi32, #tpu.memory_space<vmem>>) semaphore(%run_scoped3A_345 : memref<!tpu.dma_semaphore, #tpu.memory_space<semaphore_mem>>) {add = true}
        %dma_wait3A_356 = arith.constant 0 : i32
        %dma_wait3A_357 = arith.constant 0 : i32
        %dma_wait3A_358 = tpu.memref_slice %arg11[%run_scoped3A_119, %dma_wait3A_356, %dma_wait3A_357] : memref<2x125x128xf32, #tpu.memory_space<vmem>> -> memref<1x125x128xf32, #tpu.memory_space<vmem>>
        %dma_wait3A_359 = tpu.memref_squeeze %dma_wait3A_358 : memref<1x125x128xf32, #tpu.memory_space<vmem>> -> memref<125x128xf32, #tpu.memory_space<vmem>>
        %dma_wait3A_360 = arith.constant 0 : i32
        %dma_wait3A_361 = tpu.memref_slice %arg10[%add3A_102, %dma_wait3A_360] : memref<80x125xi32, #tpu.memory_space<vmem>> -> memref<1x125xi32, #tpu.memory_space<vmem>>
        %dma_wait3A_362 = tpu.memref_squeeze %dma_wait3A_361 : memref<1x125xi32, #tpu.memory_space<vmem>> -> memref<125xi32, #tpu.memory_space<vmem>>
        %dma_wait3A_363 = arith.constant 0 : i32
        %dma_wait3A_364 = arith.constant 0 : i32
        %dma_wait3A_365 = tpu.memref_slice %arg12[%dma_wait3A_363, %dma_wait3A_364] : memref<10240x128xf32, #tpu.memory_space<vmem_shared>> -> memref<10240x128xf32, #tpu.memory_space<vmem_shared>>
        tpu.wait_indirect_dma semaphore(%run_scoped3A_345 : memref<!tpu.dma_semaphore, #tpu.memory_space<semaphore_mem>>) src(%dma_wait3A_359 : memref<125x128xf32, #tpu.memory_space<vmem>>) dst(%dma_wait3A_365 : memref<10240x128xf32, #tpu.memory_space<vmem_shared>>)
        tpu.yield
      }) : () -> ()
      %add3A_120 = arith.constant 2 : i32
      %add3A_121 = arith.addi %add3A_102, %add3A_120 : i32
      %lt3A_122 = arith.constant 80 : i32
      %lt3A_123 = arith.cmpi slt, %add3A_121, %lt3A_122 : i32
      %convert_element_type3A_124 = arith.extui %lt3A_123 : i1 to i32
      %cond3A_125 = arith.constant 0 : i32
      %cond3A_126 = arith.constant 0 : i32
      %cond3A_127 = arith.cmpi ne, %convert_element_type3A_124, %cond3A_126 : i32
      scf.if %cond3A_127 {
        %dma_start3A_345 = arith.constant 2 : i32
        %dma_start3A_346 = arith.constant 0 : i32
        %dma_start3A_347 = arith.constant 0 : i32
        %dma_start3A_348 = arith.constant 0 : i32
        %dma_start3A_349 = tpu.memref_slice %arg11[%dma_start3A_346, %dma_start3A_347, %dma_start3A_348] : memref<2x125x128xf32, #tpu.memory_space<vmem>> -> memref<1x125x128xf32, #tpu.memory_space<vmem>>
        %dma_start3A_350 = tpu.memref_squeeze %dma_start3A_349 : memref<1x125x128xf32, #tpu.memory_space<vmem>> -> memref<125x128xf32, #tpu.memory_space<vmem>>
        %dma_start3A_351 = arith.constant 0 : i32
        %dma_start3A_352 = arith.constant 0 : i32
        %dma_start3A_353 = tpu.memref_slice %arg9[%select_n3A_75, %dma_start3A_351, %dma_start3A_352] : memref<2x8x125xi32, #tpu.memory_space<vmem>> -> memref<1x8x125xi32, #tpu.memory_space<vmem>>
        %dma_start3A_354 = arith.constant 0 : i32
        %dma_start3A_355 = arith.constant 0 : i32
        %dma_start3A_356 = tpu.memref_slice %dma_start3A_353[%cond3A_125, %dma_start3A_354, %dma_start3A_355] : memref<1x8x125xi32, #tpu.memory_space<vmem>> -> memref<1x8x125xi32, #tpu.memory_space<vmem>>
        %dma_start3A_357 = tpu.memref_squeeze %dma_start3A_356 : memref<1x8x125xi32, #tpu.memory_space<vmem>> -> memref<8x125xi32, #tpu.memory_space<vmem>>
        %dma_start3A_358 = arith.constant 0 : i32
        %dma_start3A_359 = tpu.memref_slice %dma_start3A_357[%dma_start3A_345, %dma_start3A_358] : memref<8x125xi32, #tpu.memory_space<vmem>> -> memref<1x125xi32, #tpu.memory_space<vmem>>
        %dma_start3A_360 = tpu.memref_squeeze %dma_start3A_359 : memref<1x125xi32, #tpu.memory_space<vmem>> -> memref<125xi32, #tpu.memory_space<vmem>>
        %dma_start3A_361 = arith.constant 0 : i32
        %dma_start3A_362 = arith.constant 0 : i32
        %dma_start3A_363 = tpu.memref_slice %arg2[%dma_start3A_361, %dma_start3A_362] : memref<10000x128xf32, #tpu.memory_space<hbm>> -> memref<10000x128xf32, #tpu.memory_space<hbm>>
        tpu.enqueue_indirect_dma source(%dma_start3A_363 : memref<10000x128xf32, #tpu.memory_space<hbm>>) target(%dma_start3A_350 : memref<125x128xf32, #tpu.memory_space<vmem>>) offsets(%dma_start3A_360 : memref<125xi32, #tpu.memory_space<vmem>>) semaphore(%arg13 : memref<!tpu.dma_semaphore, #tpu.memory_space<semaphore_mem>>)
      } else {
      }
      %mul3A_128 = arith.constant 8 : i32
      %mul3A_129 = arith.muli %scan3A_66, %mul3A_128 : i32
      %add3A_130 = arith.constant 1 : i32
      %add3A_131 = arith.addi %mul3A_129, %add3A_130 : i32
      %dma_wait3A_132 = arith.constant 0 : i32
      %dma_wait3A_133 = arith.constant 0 : i32
      %dma_wait3A_134 = arith.constant 1 : i32
      %dma_wait3A_135 = arith.constant 0 : i32
      %dma_wait3A_136 = arith.constant 0 : i32
      %dma_wait3A_137 = tpu.memref_slice %arg11[%dma_wait3A_134, %dma_wait3A_135, %dma_wait3A_136] : memref<2x125x128xf32, #tpu.memory_space<vmem>> -> memref<1x125x128xf32, #tpu.memory_space<vmem>>
      %dma_wait3A_138 = tpu.memref_squeeze %dma_wait3A_137 : memref<1x125x128xf32, #tpu.memory_space<vmem>> -> memref<125x128xf32, #tpu.memory_space<vmem>>
      %dma_wait3A_139 = arith.constant 0 : i32
      %dma_wait3A_140 = arith.constant 0 : i32
      %dma_wait3A_141 = tpu.memref_slice %arg9[%dma_wait3A_132, %dma_wait3A_139, %dma_wait3A_140] : memref<2x8x125xi32, #tpu.memory_space<vmem>> -> memref<1x8x125xi32, #tpu.memory_space<vmem>>
      %dma_wait3A_142 = tpu.memref_squeeze %dma_wait3A_141 : memref<1x8x125xi32, #tpu.memory_space<vmem>> -> memref<8x125xi32, #tpu.memory_space<vmem>>
      %dma_wait3A_143 = arith.constant 0 : i32
      %dma_wait3A_144 = tpu.memref_slice %dma_wait3A_142[%dma_wait3A_133, %dma_wait3A_143] : memref<8x125xi32, #tpu.memory_space<vmem>> -> memref<1x125xi32, #tpu.memory_space<vmem>>
      %dma_wait3A_145 = tpu.memref_squeeze %dma_wait3A_144 : memref<1x125xi32, #tpu.memory_space<vmem>> -> memref<125xi32, #tpu.memory_space<vmem>>
      %dma_wait3A_146 = arith.constant 0 : i32
      %dma_wait3A_147 = arith.constant 0 : i32
      %dma_wait3A_148 = tpu.memref_slice %arg2[%dma_wait3A_146, %dma_wait3A_147] : memref<10000x128xf32, #tpu.memory_space<hbm>> -> memref<10000x128xf32, #tpu.memory_space<hbm>>
      tpu.wait_indirect_dma semaphore(%arg14 : memref<!tpu.dma_semaphore, #tpu.memory_space<semaphore_mem>>) src(%dma_wait3A_148 : memref<10000x128xf32, #tpu.memory_space<hbm>>) dst(%dma_wait3A_138 : memref<125x128xf32, #tpu.memory_space<vmem>>)
      %run_scoped3A_149 = arith.constant 1 : i32
      "tpu.region"() ({
        %run_scoped3A_345 = tpu.sem_alloc : memref<!tpu.dma_semaphore, #tpu.memory_space<semaphore_mem>>
        %dma_start3A_346 = arith.constant 0 : i32
        %dma_start3A_347 = arith.constant 0 : i32
        %dma_start3A_348 = tpu.memref_slice %arg11[%run_scoped3A_149, %dma_start3A_346, %dma_start3A_347] : memref<2x125x128xf32, #tpu.memory_space<vmem>> -> memref<1x125x128xf32, #tpu.memory_space<vmem>>
        %dma_start3A_349 = tpu.memref_squeeze %dma_start3A_348 : memref<1x125x128xf32, #tpu.memory_space<vmem>> -> memref<125x128xf32, #tpu.memory_space<vmem>>
        %dma_start3A_350 = arith.constant 0 : i32
        %dma_start3A_351 = tpu.memref_slice %arg10[%add3A_131, %dma_start3A_350] : memref<80x125xi32, #tpu.memory_space<vmem>> -> memref<1x125xi32, #tpu.memory_space<vmem>>
        %dma_start3A_352 = tpu.memref_squeeze %dma_start3A_351 : memref<1x125xi32, #tpu.memory_space<vmem>> -> memref<125xi32, #tpu.memory_space<vmem>>
        %dma_start3A_353 = arith.constant 0 : i32
        %dma_start3A_354 = arith.constant 0 : i32
        %dma_start3A_355 = tpu.memref_slice %arg12[%dma_start3A_353, %dma_start3A_354] : memref<10240x128xf32, #tpu.memory_space<vmem_shared>> -> memref<10240x128xf32, #tpu.memory_space<vmem_shared>>
        tpu.enqueue_indirect_dma source(%dma_start3A_349 : memref<125x128xf32, #tpu.memory_space<vmem>>) target(%dma_start3A_355 : memref<10240x128xf32, #tpu.memory_space<vmem_shared>>) offsets(%dma_start3A_352 : memref<125xi32, #tpu.memory_space<vmem>>) semaphore(%run_scoped3A_345 : memref<!tpu.dma_semaphore, #tpu.memory_space<semaphore_mem>>) {add = true}
        %dma_wait3A_356 = arith.constant 0 : i32
        %dma_wait3A_357 = arith.constant 0 : i32
        %dma_wait3A_358 = tpu.memref_slice %arg11[%run_scoped3A_149, %dma_wait3A_356, %dma_wait3A_357] : memref<2x125x128xf32, #tpu.memory_space<vmem>> -> memref<1x125x128xf32, #tpu.memory_space<vmem>>
        %dma_wait3A_359 = tpu.memref_squeeze %dma_wait3A_358 : memref<1x125x128xf32, #tpu.memory_space<vmem>> -> memref<125x128xf32, #tpu.memory_space<vmem>>
        %dma_wait3A_360 = arith.constant 0 : i32
        %dma_wait3A_361 = tpu.memref_slice %arg10[%add3A_131, %dma_wait3A_360] : memref<80x125xi32, #tpu.memory_space<vmem>> -> memref<1x125xi32, #tpu.memory_space<vmem>>
        %dma_wait3A_362 = tpu.memref_squeeze %dma_wait3A_361 : memref<1x125xi32, #tpu.memory_space<vmem>> -> memref<125xi32, #tpu.memory_space<vmem>>
        %dma_wait3A_363 = arith.constant 0 : i32
        %dma_wait3A_364 = arith.constant 0 : i32
        %dma_wait3A_365 = tpu.memref_slice %arg12[%dma_wait3A_363, %dma_wait3A_364] : memref<10240x128xf32, #tpu.memory_space<vmem_shared>> -> memref<10240x128xf32, #tpu.memory_space<vmem_shared>>
        tpu.wait_indirect_dma semaphore(%run_scoped3A_345 : memref<!tpu.dma_semaphore, #tpu.memory_space<semaphore_mem>>) src(%dma_wait3A_359 : memref<125x128xf32, #tpu.memory_space<vmem>>) dst(%dma_wait3A_365 : memref<10240x128xf32, #tpu.memory_space<vmem_shared>>)
        tpu.yield
      }) : () -> ()
      %add3A_150 = arith.constant 2 : i32
      %add3A_151 = arith.addi %add3A_131, %add3A_150 : i32
      %lt3A_152 = arith.constant 80 : i32
      %lt3A_153 = arith.cmpi slt, %add3A_151, %lt3A_152 : i32
      %convert_element_type3A_154 = arith.extui %lt3A_153 : i1 to i32
      %cond3A_155 = arith.constant 0 : i32
      %cond3A_156 = arith.constant 0 : i32
      %cond3A_157 = arith.cmpi ne, %convert_element_type3A_154, %cond3A_156 : i32
      scf.if %cond3A_157 {
        %dma_start3A_345 = arith.constant 3 : i32
        %dma_start3A_346 = arith.constant 1 : i32
        %dma_start3A_347 = arith.constant 0 : i32
        %dma_start3A_348 = arith.constant 0 : i32
        %dma_start3A_349 = tpu.memref_slice %arg11[%dma_start3A_346, %dma_start3A_347, %dma_start3A_348] : memref<2x125x128xf32, #tpu.memory_space<vmem>> -> memref<1x125x128xf32, #tpu.memory_space<vmem>>
        %dma_start3A_350 = tpu.memref_squeeze %dma_start3A_349 : memref<1x125x128xf32, #tpu.memory_space<vmem>> -> memref<125x128xf32, #tpu.memory_space<vmem>>
        %dma_start3A_351 = arith.constant 0 : i32
        %dma_start3A_352 = arith.constant 0 : i32
        %dma_start3A_353 = tpu.memref_slice %arg9[%select_n3A_75, %dma_start3A_351, %dma_start3A_352] : memref<2x8x125xi32, #tpu.memory_space<vmem>> -> memref<1x8x125xi32, #tpu.memory_space<vmem>>
        %dma_start3A_354 = arith.constant 0 : i32
        %dma_start3A_355 = arith.constant 0 : i32
        %dma_start3A_356 = tpu.memref_slice %dma_start3A_353[%cond3A_155, %dma_start3A_354, %dma_start3A_355] : memref<1x8x125xi32, #tpu.memory_space<vmem>> -> memref<1x8x125xi32, #tpu.memory_space<vmem>>
        %dma_start3A_357 = tpu.memref_squeeze %dma_start3A_356 : memref<1x8x125xi32, #tpu.memory_space<vmem>> -> memref<8x125xi32, #tpu.memory_space<vmem>>
        %dma_start3A_358 = arith.constant 0 : i32
        %dma_start3A_359 = tpu.memref_slice %dma_start3A_357[%dma_start3A_345, %dma_start3A_358] : memref<8x125xi32, #tpu.memory_space<vmem>> -> memref<1x125xi32, #tpu.memory_space<vmem>>
        %dma_start3A_360 = tpu.memref_squeeze %dma_start3A_359 : memref<1x125xi32, #tpu.memory_space<vmem>> -> memref<125xi32, #tpu.memory_space<vmem>>
        %dma_start3A_361 = arith.constant 0 : i32
        %dma_start3A_362 = arith.constant 0 : i32
        %dma_start3A_363 = tpu.memref_slice %arg2[%dma_start3A_361, %dma_start3A_362] : memref<10000x128xf32, #tpu.memory_space<hbm>> -> memref<10000x128xf32, #tpu.memory_space<hbm>>
        tpu.enqueue_indirect_dma source(%dma_start3A_363 : memref<10000x128xf32, #tpu.memory_space<hbm>>) target(%dma_start3A_350 : memref<125x128xf32, #tpu.memory_space<vmem>>) offsets(%dma_start3A_360 : memref<125xi32, #tpu.memory_space<vmem>>) semaphore(%arg14 : memref<!tpu.dma_semaphore, #tpu.memory_space<semaphore_mem>>)
      } else {
      }
      %mul3A_158 = arith.constant 8 : i32
      %mul3A_159 = arith.muli %scan3A_66, %mul3A_158 : i32
      %add3A_160 = arith.constant 2 : i32
      %add3A_161 = arith.addi %mul3A_159, %add3A_160 : i32
      %dma_wait3A_162 = arith.constant 0 : i32
      %dma_wait3A_163 = arith.constant 0 : i32
      %dma_wait3A_164 = arith.constant 0 : i32
      %dma_wait3A_165 = arith.constant 0 : i32
      %dma_wait3A_166 = arith.constant 0 : i32
      %dma_wait3A_167 = tpu.memref_slice %arg11[%dma_wait3A_164, %dma_wait3A_165, %dma_wait3A_166] : memref<2x125x128xf32, #tpu.memory_space<vmem>> -> memref<1x125x128xf32, #tpu.memory_space<vmem>>
      %dma_wait3A_168 = tpu.memref_squeeze %dma_wait3A_167 : memref<1x125x128xf32, #tpu.memory_space<vmem>> -> memref<125x128xf32, #tpu.memory_space<vmem>>
      %dma_wait3A_169 = arith.constant 0 : i32
      %dma_wait3A_170 = arith.constant 0 : i32
      %dma_wait3A_171 = tpu.memref_slice %arg9[%dma_wait3A_162, %dma_wait3A_169, %dma_wait3A_170] : memref<2x8x125xi32, #tpu.memory_space<vmem>> -> memref<1x8x125xi32, #tpu.memory_space<vmem>>
      %dma_wait3A_172 = tpu.memref_squeeze %dma_wait3A_171 : memref<1x8x125xi32, #tpu.memory_space<vmem>> -> memref<8x125xi32, #tpu.memory_space<vmem>>
      %dma_wait3A_173 = arith.constant 0 : i32
      %dma_wait3A_174 = tpu.memref_slice %dma_wait3A_172[%dma_wait3A_163, %dma_wait3A_173] : memref<8x125xi32, #tpu.memory_space<vmem>> -> memref<1x125xi32, #tpu.memory_space<vmem>>
      %dma_wait3A_175 = tpu.memref_squeeze %dma_wait3A_174 : memref<1x125xi32, #tpu.memory_space<vmem>> -> memref<125xi32, #tpu.memory_space<vmem>>
      %dma_wait3A_176 = arith.constant 0 : i32
      %dma_wait3A_177 = arith.constant 0 : i32
      %dma_wait3A_178 = tpu.memref_slice %arg2[%dma_wait3A_176, %dma_wait3A_177] : memref<10000x128xf32, #tpu.memory_space<hbm>> -> memref<10000x128xf32, #tpu.memory_space<hbm>>
      tpu.wait_indirect_dma semaphore(%arg13 : memref<!tpu.dma_semaphore, #tpu.memory_space<semaphore_mem>>) src(%dma_wait3A_178 : memref<10000x128xf32, #tpu.memory_space<hbm>>) dst(%dma_wait3A_168 : memref<125x128xf32, #tpu.memory_space<vmem>>)
      %run_scoped3A_179 = arith.constant 0 : i32
      "tpu.region"() ({
        %run_scoped3A_345 = tpu.sem_alloc : memref<!tpu.dma_semaphore, #tpu.memory_space<semaphore_mem>>
        %dma_start3A_346 = arith.constant 0 : i32
        %dma_start3A_347 = arith.constant 0 : i32
        %dma_start3A_348 = tpu.memref_slice %arg11[%run_scoped3A_179, %dma_start3A_346, %dma_start3A_347] : memref<2x125x128xf32, #tpu.memory_space<vmem>> -> memref<1x125x128xf32, #tpu.memory_space<vmem>>
        %dma_start3A_349 = tpu.memref_squeeze %dma_start3A_348 : memref<1x125x128xf32, #tpu.memory_space<vmem>> -> memref<125x128xf32, #tpu.memory_space<vmem>>
        %dma_start3A_350 = arith.constant 0 : i32
        %dma_start3A_351 = tpu.memref_slice %arg10[%add3A_161, %dma_start3A_350] : memref<80x125xi32, #tpu.memory_space<vmem>> -> memref<1x125xi32, #tpu.memory_space<vmem>>
        %dma_start3A_352 = tpu.memref_squeeze %dma_start3A_351 : memref<1x125xi32, #tpu.memory_space<vmem>> -> memref<125xi32, #tpu.memory_space<vmem>>
        %dma_start3A_353 = arith.constant 0 : i32
        %dma_start3A_354 = arith.constant 0 : i32
        %dma_start3A_355 = tpu.memref_slice %arg12[%dma_start3A_353, %dma_start3A_354] : memref<10240x128xf32, #tpu.memory_space<vmem_shared>> -> memref<10240x128xf32, #tpu.memory_space<vmem_shared>>
        tpu.enqueue_indirect_dma source(%dma_start3A_349 : memref<125x128xf32, #tpu.memory_space<vmem>>) target(%dma_start3A_355 : memref<10240x128xf32, #tpu.memory_space<vmem_shared>>) offsets(%dma_start3A_352 : memref<125xi32, #tpu.memory_space<vmem>>) semaphore(%run_scoped3A_345 : memref<!tpu.dma_semaphore, #tpu.memory_space<semaphore_mem>>) {add = true}
        %dma_wait3A_356 = arith.constant 0 : i32
        %dma_wait3A_357 = arith.constant 0 : i32
        %dma_wait3A_358 = tpu.memref_slice %arg11[%run_scoped3A_179, %dma_wait3A_356, %dma_wait3A_357] : memref<2x125x128xf32, #tpu.memory_space<vmem>> -> memref<1x125x128xf32, #tpu.memory_space<vmem>>
        %dma_wait3A_359 = tpu.memref_squeeze %dma_wait3A_358 : memref<1x125x128xf32, #tpu.memory_space<vmem>> -> memref<125x128xf32, #tpu.memory_space<vmem>>
        %dma_wait3A_360 = arith.constant 0 : i32
        %dma_wait3A_361 = tpu.memref_slice %arg10[%add3A_161, %dma_wait3A_360] : memref<80x125xi32, #tpu.memory_space<vmem>> -> memref<1x125xi32, #tpu.memory_space<vmem>>
        %dma_wait3A_362 = tpu.memref_squeeze %dma_wait3A_361 : memref<1x125xi32, #tpu.memory_space<vmem>> -> memref<125xi32, #tpu.memory_space<vmem>>
        %dma_wait3A_363 = arith.constant 0 : i32
        %dma_wait3A_364 = arith.constant 0 : i32
        %dma_wait3A_365 = tpu.memref_slice %arg12[%dma_wait3A_363, %dma_wait3A_364] : memref<10240x128xf32, #tpu.memory_space<vmem_shared>> -> memref<10240x128xf32, #tpu.memory_space<vmem_shared>>
        tpu.wait_indirect_dma semaphore(%run_scoped3A_345 : memref<!tpu.dma_semaphore, #tpu.memory_space<semaphore_mem>>) src(%dma_wait3A_359 : memref<125x128xf32, #tpu.memory_space<vmem>>) dst(%dma_wait3A_365 : memref<10240x128xf32, #tpu.memory_space<vmem_shared>>)
        tpu.yield
      }) : () -> ()
      %add3A_180 = arith.constant 2 : i32
      %add3A_181 = arith.addi %add3A_161, %add3A_180 : i32
      %lt3A_182 = arith.constant 80 : i32
      %lt3A_183 = arith.cmpi slt, %add3A_181, %lt3A_182 : i32
      %convert_element_type3A_184 = arith.extui %lt3A_183 : i1 to i32
      %cond3A_185 = arith.constant 0 : i32
      %cond3A_186 = arith.constant 0 : i32
      %cond3A_187 = arith.cmpi ne, %convert_element_type3A_184, %cond3A_186 : i32
      scf.if %cond3A_187 {
        %dma_start3A_345 = arith.constant 4 : i32
        %dma_start3A_346 = arith.constant 0 : i32
        %dma_start3A_347 = arith.constant 0 : i32
        %dma_start3A_348 = arith.constant 0 : i32
        %dma_start3A_349 = tpu.memref_slice %arg11[%dma_start3A_346, %dma_start3A_347, %dma_start3A_348] : memref<2x125x128xf32, #tpu.memory_space<vmem>> -> memref<1x125x128xf32, #tpu.memory_space<vmem>>
        %dma_start3A_350 = tpu.memref_squeeze %dma_start3A_349 : memref<1x125x128xf32, #tpu.memory_space<vmem>> -> memref<125x128xf32, #tpu.memory_space<vmem>>
        %dma_start3A_351 = arith.constant 0 : i32
        %dma_start3A_352 = arith.constant 0 : i32
        %dma_start3A_353 = tpu.memref_slice %arg9[%select_n3A_75, %dma_start3A_351, %dma_start3A_352] : memref<2x8x125xi32, #tpu.memory_space<vmem>> -> memref<1x8x125xi32, #tpu.memory_space<vmem>>
        %dma_start3A_354 = arith.constant 0 : i32
        %dma_start3A_355 = arith.constant 0 : i32
        %dma_start3A_356 = tpu.memref_slice %dma_start3A_353[%cond3A_185, %dma_start3A_354, %dma_start3A_355] : memref<1x8x125xi32, #tpu.memory_space<vmem>> -> memref<1x8x125xi32, #tpu.memory_space<vmem>>
        %dma_start3A_357 = tpu.memref_squeeze %dma_start3A_356 : memref<1x8x125xi32, #tpu.memory_space<vmem>> -> memref<8x125xi32, #tpu.memory_space<vmem>>
        %dma_start3A_358 = arith.constant 0 : i32
        %dma_start3A_359 = tpu.memref_slice %dma_start3A_357[%dma_start3A_345, %dma_start3A_358] : memref<8x125xi32, #tpu.memory_space<vmem>> -> memref<1x125xi32, #tpu.memory_space<vmem>>
        %dma_start3A_360 = tpu.memref_squeeze %dma_start3A_359 : memref<1x125xi32, #tpu.memory_space<vmem>> -> memref<125xi32, #tpu.memory_space<vmem>>
        %dma_start3A_361 = arith.constant 0 : i32
        %dma_start3A_362 = arith.constant 0 : i32
        %dma_start3A_363 = tpu.memref_slice %arg2[%dma_start3A_361, %dma_start3A_362] : memref<10000x128xf32, #tpu.memory_space<hbm>> -> memref<10000x128xf32, #tpu.memory_space<hbm>>
        tpu.enqueue_indirect_dma source(%dma_start3A_363 : memref<10000x128xf32, #tpu.memory_space<hbm>>) target(%dma_start3A_350 : memref<125x128xf32, #tpu.memory_space<vmem>>) offsets(%dma_start3A_360 : memref<125xi32, #tpu.memory_space<vmem>>) semaphore(%arg13 : memref<!tpu.dma_semaphore, #tpu.memory_space<semaphore_mem>>)
      } else {
      }
      %mul3A_188 = arith.constant 8 : i32
      %mul3A_189 = arith.muli %scan3A_66, %mul3A_188 : i32
      %add3A_190 = arith.constant 3 : i32
      %add3A_191 = arith.addi %mul3A_189, %add3A_190 : i32
      %dma_wait3A_192 = arith.constant 0 : i32
      %dma_wait3A_193 = arith.constant 0 : i32
      %dma_wait3A_194 = arith.constant 1 : i32
      %dma_wait3A_195 = arith.constant 0 : i32
      %dma_wait3A_196 = arith.constant 0 : i32
      %dma_wait3A_197 = tpu.memref_slice %arg11[%dma_wait3A_194, %dma_wait3A_195, %dma_wait3A_196] : memref<2x125x128xf32, #tpu.memory_space<vmem>> -> memref<1x125x128xf32, #tpu.memory_space<vmem>>
      %dma_wait3A_198 = tpu.memref_squeeze %dma_wait3A_197 : memref<1x125x128xf32, #tpu.memory_space<vmem>> -> memref<125x128xf32, #tpu.memory_space<vmem>>
      %dma_wait3A_199 = arith.constant 0 : i32
      %dma_wait3A_200 = arith.constant 0 : i32
      %dma_wait3A_201 = tpu.memref_slice %arg9[%dma_wait3A_192, %dma_wait3A_199, %dma_wait3A_200] : memref<2x8x125xi32, #tpu.memory_space<vmem>> -> memref<1x8x125xi32, #tpu.memory_space<vmem>>
      %dma_wait3A_202 = tpu.memref_squeeze %dma_wait3A_201 : memref<1x8x125xi32, #tpu.memory_space<vmem>> -> memref<8x125xi32, #tpu.memory_space<vmem>>
      %dma_wait3A_203 = arith.constant 0 : i32
      %dma_wait3A_204 = tpu.memref_slice %dma_wait3A_202[%dma_wait3A_193, %dma_wait3A_203] : memref<8x125xi32, #tpu.memory_space<vmem>> -> memref<1x125xi32, #tpu.memory_space<vmem>>
      %dma_wait3A_205 = tpu.memref_squeeze %dma_wait3A_204 : memref<1x125xi32, #tpu.memory_space<vmem>> -> memref<125xi32, #tpu.memory_space<vmem>>
      %dma_wait3A_206 = arith.constant 0 : i32
      %dma_wait3A_207 = arith.constant 0 : i32
      %dma_wait3A_208 = tpu.memref_slice %arg2[%dma_wait3A_206, %dma_wait3A_207] : memref<10000x128xf32, #tpu.memory_space<hbm>> -> memref<10000x128xf32, #tpu.memory_space<hbm>>
      tpu.wait_indirect_dma semaphore(%arg14 : memref<!tpu.dma_semaphore, #tpu.memory_space<semaphore_mem>>) src(%dma_wait3A_208 : memref<10000x128xf32, #tpu.memory_space<hbm>>) dst(%dma_wait3A_198 : memref<125x128xf32, #tpu.memory_space<vmem>>)
      %run_scoped3A_209 = arith.constant 1 : i32
      "tpu.region"() ({
        %run_scoped3A_345 = tpu.sem_alloc : memref<!tpu.dma_semaphore, #tpu.memory_space<semaphore_mem>>
        %dma_start3A_346 = arith.constant 0 : i32
        %dma_start3A_347 = arith.constant 0 : i32
        %dma_start3A_348 = tpu.memref_slice %arg11[%run_scoped3A_209, %dma_start3A_346, %dma_start3A_347] : memref<2x125x128xf32, #tpu.memory_space<vmem>> -> memref<1x125x128xf32, #tpu.memory_space<vmem>>
        %dma_start3A_349 = tpu.memref_squeeze %dma_start3A_348 : memref<1x125x128xf32, #tpu.memory_space<vmem>> -> memref<125x128xf32, #tpu.memory_space<vmem>>
        %dma_start3A_350 = arith.constant 0 : i32
        %dma_start3A_351 = tpu.memref_slice %arg10[%add3A_191, %dma_start3A_350] : memref<80x125xi32, #tpu.memory_space<vmem>> -> memref<1x125xi32, #tpu.memory_space<vmem>>
        %dma_start3A_352 = tpu.memref_squeeze %dma_start3A_351 : memref<1x125xi32, #tpu.memory_space<vmem>> -> memref<125xi32, #tpu.memory_space<vmem>>
        %dma_start3A_353 = arith.constant 0 : i32
        %dma_start3A_354 = arith.constant 0 : i32
        %dma_start3A_355 = tpu.memref_slice %arg12[%dma_start3A_353, %dma_start3A_354] : memref<10240x128xf32, #tpu.memory_space<vmem_shared>> -> memref<10240x128xf32, #tpu.memory_space<vmem_shared>>
        tpu.enqueue_indirect_dma source(%dma_start3A_349 : memref<125x128xf32, #tpu.memory_space<vmem>>) target(%dma_start3A_355 : memref<10240x128xf32, #tpu.memory_space<vmem_shared>>) offsets(%dma_start3A_352 : memref<125xi32, #tpu.memory_space<vmem>>) semaphore(%run_scoped3A_345 : memref<!tpu.dma_semaphore, #tpu.memory_space<semaphore_mem>>) {add = true}
        %dma_wait3A_356 = arith.constant 0 : i32
        %dma_wait3A_357 = arith.constant 0 : i32
        %dma_wait3A_358 = tpu.memref_slice %arg11[%run_scoped3A_209, %dma_wait3A_356, %dma_wait3A_357] : memref<2x125x128xf32, #tpu.memory_space<vmem>> -> memref<1x125x128xf32, #tpu.memory_space<vmem>>
        %dma_wait3A_359 = tpu.memref_squeeze %dma_wait3A_358 : memref<1x125x128xf32, #tpu.memory_space<vmem>> -> memref<125x128xf32, #tpu.memory_space<vmem>>
        %dma_wait3A_360 = arith.constant 0 : i32
        %dma_wait3A_361 = tpu.memref_slice %arg10[%add3A_191, %dma_wait3A_360] : memref<80x125xi32, #tpu.memory_space<vmem>> -> memref<1x125xi32, #tpu.memory_space<vmem>>
        %dma_wait3A_362 = tpu.memref_squeeze %dma_wait3A_361 : memref<1x125xi32, #tpu.memory_space<vmem>> -> memref<125xi32, #tpu.memory_space<vmem>>
        %dma_wait3A_363 = arith.constant 0 : i32
        %dma_wait3A_364 = arith.constant 0 : i32
        %dma_wait3A_365 = tpu.memref_slice %arg12[%dma_wait3A_363, %dma_wait3A_364] : memref<10240x128xf32, #tpu.memory_space<vmem_shared>> -> memref<10240x128xf32, #tpu.memory_space<vmem_shared>>
        tpu.wait_indirect_dma semaphore(%run_scoped3A_345 : memref<!tpu.dma_semaphore, #tpu.memory_space<semaphore_mem>>) src(%dma_wait3A_359 : memref<125x128xf32, #tpu.memory_space<vmem>>) dst(%dma_wait3A_365 : memref<10240x128xf32, #tpu.memory_space<vmem_shared>>)
        tpu.yield
      }) : () -> ()
      %add3A_210 = arith.constant 2 : i32
      %add3A_211 = arith.addi %add3A_191, %add3A_210 : i32
      %lt3A_212 = arith.constant 80 : i32
      %lt3A_213 = arith.cmpi slt, %add3A_211, %lt3A_212 : i32
      %convert_element_type3A_214 = arith.extui %lt3A_213 : i1 to i32
      %cond3A_215 = arith.constant 0 : i32
      %cond3A_216 = arith.constant 0 : i32
      %cond3A_217 = arith.cmpi ne, %convert_element_type3A_214, %cond3A_216 : i32
      scf.if %cond3A_217 {
        %dma_start3A_345 = arith.constant 5 : i32
        %dma_start3A_346 = arith.constant 1 : i32
        %dma_start3A_347 = arith.constant 0 : i32
        %dma_start3A_348 = arith.constant 0 : i32
        %dma_start3A_349 = tpu.memref_slice %arg11[%dma_start3A_346, %dma_start3A_347, %dma_start3A_348] : memref<2x125x128xf32, #tpu.memory_space<vmem>> -> memref<1x125x128xf32, #tpu.memory_space<vmem>>
        %dma_start3A_350 = tpu.memref_squeeze %dma_start3A_349 : memref<1x125x128xf32, #tpu.memory_space<vmem>> -> memref<125x128xf32, #tpu.memory_space<vmem>>
        %dma_start3A_351 = arith.constant 0 : i32
        %dma_start3A_352 = arith.constant 0 : i32
        %dma_start3A_353 = tpu.memref_slice %arg9[%select_n3A_75, %dma_start3A_351, %dma_start3A_352] : memref<2x8x125xi32, #tpu.memory_space<vmem>> -> memref<1x8x125xi32, #tpu.memory_space<vmem>>
        %dma_start3A_354 = arith.constant 0 : i32
        %dma_start3A_355 = arith.constant 0 : i32
        %dma_start3A_356 = tpu.memref_slice %dma_start3A_353[%cond3A_215, %dma_start3A_354, %dma_start3A_355] : memref<1x8x125xi32, #tpu.memory_space<vmem>> -> memref<1x8x125xi32, #tpu.memory_space<vmem>>
        %dma_start3A_357 = tpu.memref_squeeze %dma_start3A_356 : memref<1x8x125xi32, #tpu.memory_space<vmem>> -> memref<8x125xi32, #tpu.memory_space<vmem>>
        %dma_start3A_358 = arith.constant 0 : i32
        %dma_start3A_359 = tpu.memref_slice %dma_start3A_357[%dma_start3A_345, %dma_start3A_358] : memref<8x125xi32, #tpu.memory_space<vmem>> -> memref<1x125xi32, #tpu.memory_space<vmem>>
        %dma_start3A_360 = tpu.memref_squeeze %dma_start3A_359 : memref<1x125xi32, #tpu.memory_space<vmem>> -> memref<125xi32, #tpu.memory_space<vmem>>
        %dma_start3A_361 = arith.constant 0 : i32
        %dma_start3A_362 = arith.constant 0 : i32
        %dma_start3A_363 = tpu.memref_slice %arg2[%dma_start3A_361, %dma_start3A_362] : memref<10000x128xf32, #tpu.memory_space<hbm>> -> memref<10000x128xf32, #tpu.memory_space<hbm>>
        tpu.enqueue_indirect_dma source(%dma_start3A_363 : memref<10000x128xf32, #tpu.memory_space<hbm>>) target(%dma_start3A_350 : memref<125x128xf32, #tpu.memory_space<vmem>>) offsets(%dma_start3A_360 : memref<125xi32, #tpu.memory_space<vmem>>) semaphore(%arg14 : memref<!tpu.dma_semaphore, #tpu.memory_space<semaphore_mem>>)
      } else {
      }
      %mul3A_218 = arith.constant 8 : i32
      %mul3A_219 = arith.muli %scan3A_66, %mul3A_218 : i32
      %add3A_220 = arith.constant 4 : i32
      %add3A_221 = arith.addi %mul3A_219, %add3A_220 : i32
      %dma_wait3A_222 = arith.constant 0 : i32
      %dma_wait3A_223 = arith.constant 0 : i32
      %dma_wait3A_224 = arith.constant 0 : i32
      %dma_wait3A_225 = arith.constant 0 : i32
      %dma_wait3A_226 = arith.constant 0 : i32
      %dma_wait3A_227 = tpu.memref_slice %arg11[%dma_wait3A_224, %dma_wait3A_225, %dma_wait3A_226] : memref<2x125x128xf32, #tpu.memory_space<vmem>> -> memref<1x125x128xf32, #tpu.memory_space<vmem>>
      %dma_wait3A_228 = tpu.memref_squeeze %dma_wait3A_227 : memref<1x125x128xf32, #tpu.memory_space<vmem>> -> memref<125x128xf32, #tpu.memory_space<vmem>>
      %dma_wait3A_229 = arith.constant 0 : i32
      %dma_wait3A_230 = arith.constant 0 : i32
      %dma_wait3A_231 = tpu.memref_slice %arg9[%dma_wait3A_222, %dma_wait3A_229, %dma_wait3A_230] : memref<2x8x125xi32, #tpu.memory_space<vmem>> -> memref<1x8x125xi32, #tpu.memory_space<vmem>>
      %dma_wait3A_232 = tpu.memref_squeeze %dma_wait3A_231 : memref<1x8x125xi32, #tpu.memory_space<vmem>> -> memref<8x125xi32, #tpu.memory_space<vmem>>
      %dma_wait3A_233 = arith.constant 0 : i32
      %dma_wait3A_234 = tpu.memref_slice %dma_wait3A_232[%dma_wait3A_223, %dma_wait3A_233] : memref<8x125xi32, #tpu.memory_space<vmem>> -> memref<1x125xi32, #tpu.memory_space<vmem>>
      %dma_wait3A_235 = tpu.memref_squeeze %dma_wait3A_234 : memref<1x125xi32, #tpu.memory_space<vmem>> -> memref<125xi32, #tpu.memory_space<vmem>>
      %dma_wait3A_236 = arith.constant 0 : i32
      %dma_wait3A_237 = arith.constant 0 : i32
      %dma_wait3A_238 = tpu.memref_slice %arg2[%dma_wait3A_236, %dma_wait3A_237] : memref<10000x128xf32, #tpu.memory_space<hbm>> -> memref<10000x128xf32, #tpu.memory_space<hbm>>
      tpu.wait_indirect_dma semaphore(%arg13 : memref<!tpu.dma_semaphore, #tpu.memory_space<semaphore_mem>>) src(%dma_wait3A_238 : memref<10000x128xf32, #tpu.memory_space<hbm>>) dst(%dma_wait3A_228 : memref<125x128xf32, #tpu.memory_space<vmem>>)
      %run_scoped3A_239 = arith.constant 0 : i32
      "tpu.region"() ({
        %run_scoped3A_345 = tpu.sem_alloc : memref<!tpu.dma_semaphore, #tpu.memory_space<semaphore_mem>>
        %dma_start3A_346 = arith.constant 0 : i32
        %dma_start3A_347 = arith.constant 0 : i32
        %dma_start3A_348 = tpu.memref_slice %arg11[%run_scoped3A_239, %dma_start3A_346, %dma_start3A_347] : memref<2x125x128xf32, #tpu.memory_space<vmem>> -> memref<1x125x128xf32, #tpu.memory_space<vmem>>
        %dma_start3A_349 = tpu.memref_squeeze %dma_start3A_348 : memref<1x125x128xf32, #tpu.memory_space<vmem>> -> memref<125x128xf32, #tpu.memory_space<vmem>>
        %dma_start3A_350 = arith.constant 0 : i32
        %dma_start3A_351 = tpu.memref_slice %arg10[%add3A_221, %dma_start3A_350] : memref<80x125xi32, #tpu.memory_space<vmem>> -> memref<1x125xi32, #tpu.memory_space<vmem>>
        %dma_start3A_352 = tpu.memref_squeeze %dma_start3A_351 : memref<1x125xi32, #tpu.memory_space<vmem>> -> memref<125xi32, #tpu.memory_space<vmem>>
        %dma_start3A_353 = arith.constant 0 : i32
        %dma_start3A_354 = arith.constant 0 : i32
        %dma_start3A_355 = tpu.memref_slice %arg12[%dma_start3A_353, %dma_start3A_354] : memref<10240x128xf32, #tpu.memory_space<vmem_shared>> -> memref<10240x128xf32, #tpu.memory_space<vmem_shared>>
        tpu.enqueue_indirect_dma source(%dma_start3A_349 : memref<125x128xf32, #tpu.memory_space<vmem>>) target(%dma_start3A_355 : memref<10240x128xf32, #tpu.memory_space<vmem_shared>>) offsets(%dma_start3A_352 : memref<125xi32, #tpu.memory_space<vmem>>) semaphore(%run_scoped3A_345 : memref<!tpu.dma_semaphore, #tpu.memory_space<semaphore_mem>>) {add = true}
        %dma_wait3A_356 = arith.constant 0 : i32
        %dma_wait3A_357 = arith.constant 0 : i32
        %dma_wait3A_358 = tpu.memref_slice %arg11[%run_scoped3A_239, %dma_wait3A_356, %dma_wait3A_357] : memref<2x125x128xf32, #tpu.memory_space<vmem>> -> memref<1x125x128xf32, #tpu.memory_space<vmem>>
        %dma_wait3A_359 = tpu.memref_squeeze %dma_wait3A_358 : memref<1x125x128xf32, #tpu.memory_space<vmem>> -> memref<125x128xf32, #tpu.memory_space<vmem>>
        %dma_wait3A_360 = arith.constant 0 : i32
        %dma_wait3A_361 = tpu.memref_slice %arg10[%add3A_221, %dma_wait3A_360] : memref<80x125xi32, #tpu.memory_space<vmem>> -> memref<1x125xi32, #tpu.memory_space<vmem>>
        %dma_wait3A_362 = tpu.memref_squeeze %dma_wait3A_361 : memref<1x125xi32, #tpu.memory_space<vmem>> -> memref<125xi32, #tpu.memory_space<vmem>>
        %dma_wait3A_363 = arith.constant 0 : i32
        %dma_wait3A_364 = arith.constant 0 : i32
        %dma_wait3A_365 = tpu.memref_slice %arg12[%dma_wait3A_363, %dma_wait3A_364] : memref<10240x128xf32, #tpu.memory_space<vmem_shared>> -> memref<10240x128xf32, #tpu.memory_space<vmem_shared>>
        tpu.wait_indirect_dma semaphore(%run_scoped3A_345 : memref<!tpu.dma_semaphore, #tpu.memory_space<semaphore_mem>>) src(%dma_wait3A_359 : memref<125x128xf32, #tpu.memory_space<vmem>>) dst(%dma_wait3A_365 : memref<10240x128xf32, #tpu.memory_space<vmem_shared>>)
        tpu.yield
      }) : () -> ()
      %add3A_240 = arith.constant 2 : i32
      %add3A_241 = arith.addi %add3A_221, %add3A_240 : i32
      %lt3A_242 = arith.constant 80 : i32
      %lt3A_243 = arith.cmpi slt, %add3A_241, %lt3A_242 : i32
      %convert_element_type3A_244 = arith.extui %lt3A_243 : i1 to i32
      %cond3A_245 = arith.constant 0 : i32
      %cond3A_246 = arith.constant 0 : i32
      %cond3A_247 = arith.cmpi ne, %convert_element_type3A_244, %cond3A_246 : i32
      scf.if %cond3A_247 {
        %dma_start3A_345 = arith.constant 6 : i32
        %dma_start3A_346 = arith.constant 0 : i32
        %dma_start3A_347 = arith.constant 0 : i32
        %dma_start3A_348 = arith.constant 0 : i32
        %dma_start3A_349 = tpu.memref_slice %arg11[%dma_start3A_346, %dma_start3A_347, %dma_start3A_348] : memref<2x125x128xf32, #tpu.memory_space<vmem>> -> memref<1x125x128xf32, #tpu.memory_space<vmem>>
        %dma_start3A_350 = tpu.memref_squeeze %dma_start3A_349 : memref<1x125x128xf32, #tpu.memory_space<vmem>> -> memref<125x128xf32, #tpu.memory_space<vmem>>
        %dma_start3A_351 = arith.constant 0 : i32
        %dma_start3A_352 = arith.constant 0 : i32
        %dma_start3A_353 = tpu.memref_slice %arg9[%select_n3A_75, %dma_start3A_351, %dma_start3A_352] : memref<2x8x125xi32, #tpu.memory_space<vmem>> -> memref<1x8x125xi32, #tpu.memory_space<vmem>>
        %dma_start3A_354 = arith.constant 0 : i32
        %dma_start3A_355 = arith.constant 0 : i32
        %dma_start3A_356 = tpu.memref_slice %dma_start3A_353[%cond3A_245, %dma_start3A_354, %dma_start3A_355] : memref<1x8x125xi32, #tpu.memory_space<vmem>> -> memref<1x8x125xi32, #tpu.memory_space<vmem>>
        %dma_start3A_357 = tpu.memref_squeeze %dma_start3A_356 : memref<1x8x125xi32, #tpu.memory_space<vmem>> -> memref<8x125xi32, #tpu.memory_space<vmem>>
        %dma_start3A_358 = arith.constant 0 : i32
        %dma_start3A_359 = tpu.memref_slice %dma_start3A_357[%dma_start3A_345, %dma_start3A_358] : memref<8x125xi32, #tpu.memory_space<vmem>> -> memref<1x125xi32, #tpu.memory_space<vmem>>
        %dma_start3A_360 = tpu.memref_squeeze %dma_start3A_359 : memref<1x125xi32, #tpu.memory_space<vmem>> -> memref<125xi32, #tpu.memory_space<vmem>>
        %dma_start3A_361 = arith.constant 0 : i32
        %dma_start3A_362 = arith.constant 0 : i32
        %dma_start3A_363 = tpu.memref_slice %arg2[%dma_start3A_361, %dma_start3A_362] : memref<10000x128xf32, #tpu.memory_space<hbm>> -> memref<10000x128xf32, #tpu.memory_space<hbm>>
        tpu.enqueue_indirect_dma source(%dma_start3A_363 : memref<10000x128xf32, #tpu.memory_space<hbm>>) target(%dma_start3A_350 : memref<125x128xf32, #tpu.memory_space<vmem>>) offsets(%dma_start3A_360 : memref<125xi32, #tpu.memory_space<vmem>>) semaphore(%arg13 : memref<!tpu.dma_semaphore, #tpu.memory_space<semaphore_mem>>)
      } else {
      }
      %mul3A_248 = arith.constant 8 : i32
      %mul3A_249 = arith.muli %scan3A_66, %mul3A_248 : i32
      %add3A_250 = arith.constant 5 : i32
      %add3A_251 = arith.addi %mul3A_249, %add3A_250 : i32
      %dma_wait3A_252 = arith.constant 0 : i32
      %dma_wait3A_253 = arith.constant 0 : i32
      %dma_wait3A_254 = arith.constant 1 : i32
      %dma_wait3A_255 = arith.constant 0 : i32
      %dma_wait3A_256 = arith.constant 0 : i32
      %dma_wait3A_257 = tpu.memref_slice %arg11[%dma_wait3A_254, %dma_wait3A_255, %dma_wait3A_256] : memref<2x125x128xf32, #tpu.memory_space<vmem>> -> memref<1x125x128xf32, #tpu.memory_space<vmem>>
      %dma_wait3A_258 = tpu.memref_squeeze %dma_wait3A_257 : memref<1x125x128xf32, #tpu.memory_space<vmem>> -> memref<125x128xf32, #tpu.memory_space<vmem>>
      %dma_wait3A_259 = arith.constant 0 : i32
      %dma_wait3A_260 = arith.constant 0 : i32
      %dma_wait3A_261 = tpu.memref_slice %arg9[%dma_wait3A_252, %dma_wait3A_259, %dma_wait3A_260] : memref<2x8x125xi32, #tpu.memory_space<vmem>> -> memref<1x8x125xi32, #tpu.memory_space<vmem>>
      %dma_wait3A_262 = tpu.memref_squeeze %dma_wait3A_261 : memref<1x8x125xi32, #tpu.memory_space<vmem>> -> memref<8x125xi32, #tpu.memory_space<vmem>>
      %dma_wait3A_263 = arith.constant 0 : i32
      %dma_wait3A_264 = tpu.memref_slice %dma_wait3A_262[%dma_wait3A_253, %dma_wait3A_263] : memref<8x125xi32, #tpu.memory_space<vmem>> -> memref<1x125xi32, #tpu.memory_space<vmem>>
      %dma_wait3A_265 = tpu.memref_squeeze %dma_wait3A_264 : memref<1x125xi32, #tpu.memory_space<vmem>> -> memref<125xi32, #tpu.memory_space<vmem>>
      %dma_wait3A_266 = arith.constant 0 : i32
      %dma_wait3A_267 = arith.constant 0 : i32
      %dma_wait3A_268 = tpu.memref_slice %arg2[%dma_wait3A_266, %dma_wait3A_267] : memref<10000x128xf32, #tpu.memory_space<hbm>> -> memref<10000x128xf32, #tpu.memory_space<hbm>>
      tpu.wait_indirect_dma semaphore(%arg14 : memref<!tpu.dma_semaphore, #tpu.memory_space<semaphore_mem>>) src(%dma_wait3A_268 : memref<10000x128xf32, #tpu.memory_space<hbm>>) dst(%dma_wait3A_258 : memref<125x128xf32, #tpu.memory_space<vmem>>)
      %run_scoped3A_269 = arith.constant 1 : i32
      "tpu.region"() ({
        %run_scoped3A_345 = tpu.sem_alloc : memref<!tpu.dma_semaphore, #tpu.memory_space<semaphore_mem>>
        %dma_start3A_346 = arith.constant 0 : i32
        %dma_start3A_347 = arith.constant 0 : i32
        %dma_start3A_348 = tpu.memref_slice %arg11[%run_scoped3A_269, %dma_start3A_346, %dma_start3A_347] : memref<2x125x128xf32, #tpu.memory_space<vmem>> -> memref<1x125x128xf32, #tpu.memory_space<vmem>>
        %dma_start3A_349 = tpu.memref_squeeze %dma_start3A_348 : memref<1x125x128xf32, #tpu.memory_space<vmem>> -> memref<125x128xf32, #tpu.memory_space<vmem>>
        %dma_start3A_350 = arith.constant 0 : i32
        %dma_start3A_351 = tpu.memref_slice %arg10[%add3A_251, %dma_start3A_350] : memref<80x125xi32, #tpu.memory_space<vmem>> -> memref<1x125xi32, #tpu.memory_space<vmem>>
        %dma_start3A_352 = tpu.memref_squeeze %dma_start3A_351 : memref<1x125xi32, #tpu.memory_space<vmem>> -> memref<125xi32, #tpu.memory_space<vmem>>
        %dma_start3A_353 = arith.constant 0 : i32
        %dma_start3A_354 = arith.constant 0 : i32
        %dma_start3A_355 = tpu.memref_slice %arg12[%dma_start3A_353, %dma_start3A_354] : memref<10240x128xf32, #tpu.memory_space<vmem_shared>> -> memref<10240x128xf32, #tpu.memory_space<vmem_shared>>
        tpu.enqueue_indirect_dma source(%dma_start3A_349 : memref<125x128xf32, #tpu.memory_space<vmem>>) target(%dma_start3A_355 : memref<10240x128xf32, #tpu.memory_space<vmem_shared>>) offsets(%dma_start3A_352 : memref<125xi32, #tpu.memory_space<vmem>>) semaphore(%run_scoped3A_345 : memref<!tpu.dma_semaphore, #tpu.memory_space<semaphore_mem>>) {add = true}
        %dma_wait3A_356 = arith.constant 0 : i32
        %dma_wait3A_357 = arith.constant 0 : i32
        %dma_wait3A_358 = tpu.memref_slice %arg11[%run_scoped3A_269, %dma_wait3A_356, %dma_wait3A_357] : memref<2x125x128xf32, #tpu.memory_space<vmem>> -> memref<1x125x128xf32, #tpu.memory_space<vmem>>
        %dma_wait3A_359 = tpu.memref_squeeze %dma_wait3A_358 : memref<1x125x128xf32, #tpu.memory_space<vmem>> -> memref<125x128xf32, #tpu.memory_space<vmem>>
        %dma_wait3A_360 = arith.constant 0 : i32
        %dma_wait3A_361 = tpu.memref_slice %arg10[%add3A_251, %dma_wait3A_360] : memref<80x125xi32, #tpu.memory_space<vmem>> -> memref<1x125xi32, #tpu.memory_space<vmem>>
        %dma_wait3A_362 = tpu.memref_squeeze %dma_wait3A_361 : memref<1x125xi32, #tpu.memory_space<vmem>> -> memref<125xi32, #tpu.memory_space<vmem>>
        %dma_wait3A_363 = arith.constant 0 : i32
        %dma_wait3A_364 = arith.constant 0 : i32
        %dma_wait3A_365 = tpu.memref_slice %arg12[%dma_wait3A_363, %dma_wait3A_364] : memref<10240x128xf32, #tpu.memory_space<vmem_shared>> -> memref<10240x128xf32, #tpu.memory_space<vmem_shared>>
        tpu.wait_indirect_dma semaphore(%run_scoped3A_345 : memref<!tpu.dma_semaphore, #tpu.memory_space<semaphore_mem>>) src(%dma_wait3A_359 : memref<125x128xf32, #tpu.memory_space<vmem>>) dst(%dma_wait3A_365 : memref<10240x128xf32, #tpu.memory_space<vmem_shared>>)
        tpu.yield
      }) : () -> ()
      %add3A_270 = arith.constant 2 : i32
      %add3A_271 = arith.addi %add3A_251, %add3A_270 : i32
      %lt3A_272 = arith.constant 80 : i32
      %lt3A_273 = arith.cmpi slt, %add3A_271, %lt3A_272 : i32
      %convert_element_type3A_274 = arith.extui %lt3A_273 : i1 to i32
      %cond3A_275 = arith.constant 0 : i32
      %cond3A_276 = arith.constant 0 : i32
      %cond3A_277 = arith.cmpi ne, %convert_element_type3A_274, %cond3A_276 : i32
      scf.if %cond3A_277 {
        %dma_start3A_345 = arith.constant 7 : i32
        %dma_start3A_346 = arith.constant 1 : i32
        %dma_start3A_347 = arith.constant 0 : i32
        %dma_start3A_348 = arith.constant 0 : i32
        %dma_start3A_349 = tpu.memref_slice %arg11[%dma_start3A_346, %dma_start3A_347, %dma_start3A_348] : memref<2x125x128xf32, #tpu.memory_space<vmem>> -> memref<1x125x128xf32, #tpu.memory_space<vmem>>
        %dma_start3A_350 = tpu.memref_squeeze %dma_start3A_349 : memref<1x125x128xf32, #tpu.memory_space<vmem>> -> memref<125x128xf32, #tpu.memory_space<vmem>>
        %dma_start3A_351 = arith.constant 0 : i32
        %dma_start3A_352 = arith.constant 0 : i32
        %dma_start3A_353 = tpu.memref_slice %arg9[%select_n3A_75, %dma_start3A_351, %dma_start3A_352] : memref<2x8x125xi32, #tpu.memory_space<vmem>> -> memref<1x8x125xi32, #tpu.memory_space<vmem>>
        %dma_start3A_354 = arith.constant 0 : i32
        %dma_start3A_355 = arith.constant 0 : i32
        %dma_start3A_356 = tpu.memref_slice %dma_start3A_353[%cond3A_275, %dma_start3A_354, %dma_start3A_355] : memref<1x8x125xi32, #tpu.memory_space<vmem>> -> memref<1x8x125xi32, #tpu.memory_space<vmem>>
        %dma_start3A_357 = tpu.memref_squeeze %dma_start3A_356 : memref<1x8x125xi32, #tpu.memory_space<vmem>> -> memref<8x125xi32, #tpu.memory_space<vmem>>
        %dma_start3A_358 = arith.constant 0 : i32
        %dma_start3A_359 = tpu.memref_slice %dma_start3A_357[%dma_start3A_345, %dma_start3A_358] : memref<8x125xi32, #tpu.memory_space<vmem>> -> memref<1x125xi32, #tpu.memory_space<vmem>>
        %dma_start3A_360 = tpu.memref_squeeze %dma_start3A_359 : memref<1x125xi32, #tpu.memory_space<vmem>> -> memref<125xi32, #tpu.memory_space<vmem>>
        %dma_start3A_361 = arith.constant 0 : i32
        %dma_start3A_362 = arith.constant 0 : i32
        %dma_start3A_363 = tpu.memref_slice %arg2[%dma_start3A_361, %dma_start3A_362] : memref<10000x128xf32, #tpu.memory_space<hbm>> -> memref<10000x128xf32, #tpu.memory_space<hbm>>
        tpu.enqueue_indirect_dma source(%dma_start3A_363 : memref<10000x128xf32, #tpu.memory_space<hbm>>) target(%dma_start3A_350 : memref<125x128xf32, #tpu.memory_space<vmem>>) offsets(%dma_start3A_360 : memref<125xi32, #tpu.memory_space<vmem>>) semaphore(%arg14 : memref<!tpu.dma_semaphore, #tpu.memory_space<semaphore_mem>>)
      } else {
      }
      %mul3A_278 = arith.constant 8 : i32
      %mul3A_279 = arith.muli %scan3A_66, %mul3A_278 : i32
      %add3A_280 = arith.constant 6 : i32
      %add3A_281 = arith.addi %mul3A_279, %add3A_280 : i32
      %dma_wait3A_282 = arith.constant 0 : i32
      %dma_wait3A_283 = arith.constant 0 : i32
      %dma_wait3A_284 = arith.constant 0 : i32
      %dma_wait3A_285 = arith.constant 0 : i32
      %dma_wait3A_286 = arith.constant 0 : i32
      %dma_wait3A_287 = tpu.memref_slice %arg11[%dma_wait3A_284, %dma_wait3A_285, %dma_wait3A_286] : memref<2x125x128xf32, #tpu.memory_space<vmem>> -> memref<1x125x128xf32, #tpu.memory_space<vmem>>
      %dma_wait3A_288 = tpu.memref_squeeze %dma_wait3A_287 : memref<1x125x128xf32, #tpu.memory_space<vmem>> -> memref<125x128xf32, #tpu.memory_space<vmem>>
      %dma_wait3A_289 = arith.constant 0 : i32
      %dma_wait3A_290 = arith.constant 0 : i32
      %dma_wait3A_291 = tpu.memref_slice %arg9[%dma_wait3A_282, %dma_wait3A_289, %dma_wait3A_290] : memref<2x8x125xi32, #tpu.memory_space<vmem>> -> memref<1x8x125xi32, #tpu.memory_space<vmem>>
      %dma_wait3A_292 = tpu.memref_squeeze %dma_wait3A_291 : memref<1x8x125xi32, #tpu.memory_space<vmem>> -> memref<8x125xi32, #tpu.memory_space<vmem>>
      %dma_wait3A_293 = arith.constant 0 : i32
      %dma_wait3A_294 = tpu.memref_slice %dma_wait3A_292[%dma_wait3A_283, %dma_wait3A_293] : memref<8x125xi32, #tpu.memory_space<vmem>> -> memref<1x125xi32, #tpu.memory_space<vmem>>
      %dma_wait3A_295 = tpu.memref_squeeze %dma_wait3A_294 : memref<1x125xi32, #tpu.memory_space<vmem>> -> memref<125xi32, #tpu.memory_space<vmem>>
      %dma_wait3A_296 = arith.constant 0 : i32
      %dma_wait3A_297 = arith.constant 0 : i32
      %dma_wait3A_298 = tpu.memref_slice %arg2[%dma_wait3A_296, %dma_wait3A_297] : memref<10000x128xf32, #tpu.memory_space<hbm>> -> memref<10000x128xf32, #tpu.memory_space<hbm>>
      tpu.wait_indirect_dma semaphore(%arg13 : memref<!tpu.dma_semaphore, #tpu.memory_space<semaphore_mem>>) src(%dma_wait3A_298 : memref<10000x128xf32, #tpu.memory_space<hbm>>) dst(%dma_wait3A_288 : memref<125x128xf32, #tpu.memory_space<vmem>>)
      %run_scoped3A_299 = arith.constant 0 : i32
      "tpu.region"() ({
        %run_scoped3A_345 = tpu.sem_alloc : memref<!tpu.dma_semaphore, #tpu.memory_space<semaphore_mem>>
        %dma_start3A_346 = arith.constant 0 : i32
        %dma_start3A_347 = arith.constant 0 : i32
        %dma_start3A_348 = tpu.memref_slice %arg11[%run_scoped3A_299, %dma_start3A_346, %dma_start3A_347] : memref<2x125x128xf32, #tpu.memory_space<vmem>> -> memref<1x125x128xf32, #tpu.memory_space<vmem>>
        %dma_start3A_349 = tpu.memref_squeeze %dma_start3A_348 : memref<1x125x128xf32, #tpu.memory_space<vmem>> -> memref<125x128xf32, #tpu.memory_space<vmem>>
        %dma_start3A_350 = arith.constant 0 : i32
        %dma_start3A_351 = tpu.memref_slice %arg10[%add3A_281, %dma_start3A_350] : memref<80x125xi32, #tpu.memory_space<vmem>> -> memref<1x125xi32, #tpu.memory_space<vmem>>
        %dma_start3A_352 = tpu.memref_squeeze %dma_start3A_351 : memref<1x125xi32, #tpu.memory_space<vmem>> -> memref<125xi32, #tpu.memory_space<vmem>>
        %dma_start3A_353 = arith.constant 0 : i32
        %dma_start3A_354 = arith.constant 0 : i32
        %dma_start3A_355 = tpu.memref_slice %arg12[%dma_start3A_353, %dma_start3A_354] : memref<10240x128xf32, #tpu.memory_space<vmem_shared>> -> memref<10240x128xf32, #tpu.memory_space<vmem_shared>>
        tpu.enqueue_indirect_dma source(%dma_start3A_349 : memref<125x128xf32, #tpu.memory_space<vmem>>) target(%dma_start3A_355 : memref<10240x128xf32, #tpu.memory_space<vmem_shared>>) offsets(%dma_start3A_352 : memref<125xi32, #tpu.memory_space<vmem>>) semaphore(%run_scoped3A_345 : memref<!tpu.dma_semaphore, #tpu.memory_space<semaphore_mem>>) {add = true}
        %dma_wait3A_356 = arith.constant 0 : i32
        %dma_wait3A_357 = arith.constant 0 : i32
        %dma_wait3A_358 = tpu.memref_slice %arg11[%run_scoped3A_299, %dma_wait3A_356, %dma_wait3A_357] : memref<2x125x128xf32, #tpu.memory_space<vmem>> -> memref<1x125x128xf32, #tpu.memory_space<vmem>>
        %dma_wait3A_359 = tpu.memref_squeeze %dma_wait3A_358 : memref<1x125x128xf32, #tpu.memory_space<vmem>> -> memref<125x128xf32, #tpu.memory_space<vmem>>
        %dma_wait3A_360 = arith.constant 0 : i32
        %dma_wait3A_361 = tpu.memref_slice %arg10[%add3A_281, %dma_wait3A_360] : memref<80x125xi32, #tpu.memory_space<vmem>> -> memref<1x125xi32, #tpu.memory_space<vmem>>
        %dma_wait3A_362 = tpu.memref_squeeze %dma_wait3A_361 : memref<1x125xi32, #tpu.memory_space<vmem>> -> memref<125xi32, #tpu.memory_space<vmem>>
        %dma_wait3A_363 = arith.constant 0 : i32
        %dma_wait3A_364 = arith.constant 0 : i32
        %dma_wait3A_365 = tpu.memref_slice %arg12[%dma_wait3A_363, %dma_wait3A_364] : memref<10240x128xf32, #tpu.memory_space<vmem_shared>> -> memref<10240x128xf32, #tpu.memory_space<vmem_shared>>
        tpu.wait_indirect_dma semaphore(%run_scoped3A_345 : memref<!tpu.dma_semaphore, #tpu.memory_space<semaphore_mem>>) src(%dma_wait3A_359 : memref<125x128xf32, #tpu.memory_space<vmem>>) dst(%dma_wait3A_365 : memref<10240x128xf32, #tpu.memory_space<vmem_shared>>)
        tpu.yield
      }) : () -> ()
      %add3A_300 = arith.constant 1 : i32
      %add3A_301 = arith.addi %scan3A_66, %add3A_300 : i32
      %lt3A_302 = arith.constant 10 : i32
      %lt3A_303 = arith.cmpi slt, %add3A_301, %lt3A_302 : i32
      %convert_element_type3A_304 = arith.extui %lt3A_303 : i1 to i32
      %cond3A_305 = arith.constant 0 : i32
      %cond3A_306 = arith.cmpi ne, %convert_element_type3A_304, %cond3A_305 : i32
      scf.if %cond3A_306 {
        %dma_wait3A_345 = arith.constant 0 : i32
        %dma_wait3A_346 = arith.constant 0 : i32
        %dma_wait3A_347 = tpu.memref_slice %arg9[%select_n3A_93, %dma_wait3A_345, %dma_wait3A_346] : memref<2x8x125xi32, #tpu.memory_space<vmem>> -> memref<1x8x125xi32, #tpu.memory_space<vmem>>
        %dma_wait3A_348 = arith.constant 0 : i32
        %dma_wait3A_349 = arith.constant 0 : i32
        %dma_wait3A_350 = arith.constant 0 : i32
        %dma_wait3A_351 = tpu.memref_slice %arg3[%dma_wait3A_348, %dma_wait3A_349, %dma_wait3A_350] : memref<320x8x125xi32, #tpu.memory_space<hbm>> -> memref<1x8x125xi32, #tpu.memory_space<hbm>>
        %dma_wait3A_352 = arith.constant 0 : i32
        %dma_wait3A_353 = arith.constant 0 : i32
        %dma_wait3A_354 = tpu.memref_slice %arg9[%select_n3A_93, %dma_wait3A_352, %dma_wait3A_353] : memref<2x8x125xi32, #tpu.memory_space<vmem>> -> memref<1x8x125xi32, #tpu.memory_space<vmem>>
        %dma_wait3A_355 = arith.constant 0 : i32
        %dma_wait3A_356 = arith.constant 0 : i32
        %dma_wait3A_357 = arith.constant 0 : i32
        %dma_wait3A_358 = tpu.memref_slice %arg3[%dma_wait3A_355, %dma_wait3A_356, %dma_wait3A_357] : memref<320x8x125xi32, #tpu.memory_space<hbm>> -> memref<1x8x125xi32, #tpu.memory_space<hbm>>
        tpu.wait_dma2 semaphore(%arg15 : memref<!tpu.dma_semaphore, #tpu.memory_space<semaphore_mem>>) src(%dma_wait3A_358 : memref<1x8x125xi32, #tpu.memory_space<hbm>>) dst(%dma_wait3A_354 : memref<1x8x125xi32, #tpu.memory_space<vmem>>)
      } else {
      }
      %add3A_307 = arith.constant 2 : i32
      %add3A_308 = arith.addi %add3A_281, %add3A_307 : i32
      %lt3A_309 = arith.constant 80 : i32
      %lt3A_310 = arith.cmpi slt, %add3A_308, %lt3A_309 : i32
      %convert_element_type3A_311 = arith.extui %lt3A_310 : i1 to i32
      %cond3A_312 = arith.constant 0 : i32
      %cond3A_313 = arith.constant 0 : i32
      %cond3A_314 = arith.cmpi ne, %convert_element_type3A_311, %cond3A_313 : i32
      scf.if %cond3A_314 {
        %dma_start3A_345 = arith.constant 0 : i32
        %dma_start3A_346 = arith.constant 0 : i32
        %dma_start3A_347 = arith.constant 0 : i32
        %dma_start3A_348 = arith.constant 0 : i32
        %dma_start3A_349 = tpu.memref_slice %arg11[%dma_start3A_346, %dma_start3A_347, %dma_start3A_348] : memref<2x125x128xf32, #tpu.memory_space<vmem>> -> memref<1x125x128xf32, #tpu.memory_space<vmem>>
        %dma_start3A_350 = tpu.memref_squeeze %dma_start3A_349 : memref<1x125x128xf32, #tpu.memory_space<vmem>> -> memref<125x128xf32, #tpu.memory_space<vmem>>
        %dma_start3A_351 = arith.constant 0 : i32
        %dma_start3A_352 = arith.constant 0 : i32
        %dma_start3A_353 = tpu.memref_slice %arg9[%select_n3A_93, %dma_start3A_351, %dma_start3A_352] : memref<2x8x125xi32, #tpu.memory_space<vmem>> -> memref<1x8x125xi32, #tpu.memory_space<vmem>>
        %dma_start3A_354 = arith.constant 0 : i32
        %dma_start3A_355 = arith.constant 0 : i32
        %dma_start3A_356 = tpu.memref_slice %dma_start3A_353[%cond3A_312, %dma_start3A_354, %dma_start3A_355] : memref<1x8x125xi32, #tpu.memory_space<vmem>> -> memref<1x8x125xi32, #tpu.memory_space<vmem>>
        %dma_start3A_357 = tpu.memref_squeeze %dma_start3A_356 : memref<1x8x125xi32, #tpu.memory_space<vmem>> -> memref<8x125xi32, #tpu.memory_space<vmem>>
        %dma_start3A_358 = arith.constant 0 : i32
        %dma_start3A_359 = tpu.memref_slice %dma_start3A_357[%dma_start3A_345, %dma_start3A_358] : memref<8x125xi32, #tpu.memory_space<vmem>> -> memref<1x125xi32, #tpu.memory_space<vmem>>
        %dma_start3A_360 = tpu.memref_squeeze %dma_start3A_359 : memref<1x125xi32, #tpu.memory_space<vmem>> -> memref<125xi32, #tpu.memory_space<vmem>>
        %dma_start3A_361 = arith.constant 0 : i32
        %dma_start3A_362 = arith.constant 0 : i32
        %dma_start3A_363 = tpu.memref_slice %arg2[%dma_start3A_361, %dma_start3A_362] : memref<10000x128xf32, #tpu.memory_space<hbm>> -> memref<10000x128xf32, #tpu.memory_space<hbm>>
        tpu.enqueue_indirect_dma source(%dma_start3A_363 : memref<10000x128xf32, #tpu.memory_space<hbm>>) target(%dma_start3A_350 : memref<125x128xf32, #tpu.memory_space<vmem>>) offsets(%dma_start3A_360 : memref<125xi32, #tpu.memory_space<vmem>>) semaphore(%arg13 : memref<!tpu.dma_semaphore, #tpu.memory_space<semaphore_mem>>)
      } else {
      }
      %mul3A_315 = arith.constant 8 : i32
      %mul3A_316 = arith.muli %scan3A_66, %mul3A_315 : i32
      %add3A_317 = arith.constant 7 : i32
      %add3A_318 = arith.addi %mul3A_316, %add3A_317 : i32
      %dma_wait3A_319 = arith.constant 0 : i32
      %dma_wait3A_320 = arith.constant 0 : i32
      %dma_wait3A_321 = arith.constant 1 : i32
      %dma_wait3A_322 = arith.constant 0 : i32
      %dma_wait3A_323 = arith.constant 0 : i32
      %dma_wait3A_324 = tpu.memref_slice %arg11[%dma_wait3A_321, %dma_wait3A_322, %dma_wait3A_323] : memref<2x125x128xf32, #tpu.memory_space<vmem>> -> memref<1x125x128xf32, #tpu.memory_space<vmem>>
      %dma_wait3A_325 = tpu.memref_squeeze %dma_wait3A_324 : memref<1x125x128xf32, #tpu.memory_space<vmem>> -> memref<125x128xf32, #tpu.memory_space<vmem>>
      %dma_wait3A_326 = arith.constant 0 : i32
      %dma_wait3A_327 = arith.constant 0 : i32
      %dma_wait3A_328 = tpu.memref_slice %arg9[%dma_wait3A_319, %dma_wait3A_326, %dma_wait3A_327] : memref<2x8x125xi32, #tpu.memory_space<vmem>> -> memref<1x8x125xi32, #tpu.memory_space<vmem>>
      %dma_wait3A_329 = tpu.memref_squeeze %dma_wait3A_328 : memref<1x8x125xi32, #tpu.memory_space<vmem>> -> memref<8x125xi32, #tpu.memory_space<vmem>>
      %dma_wait3A_330 = arith.constant 0 : i32
      %dma_wait3A_331 = tpu.memref_slice %dma_wait3A_329[%dma_wait3A_320, %dma_wait3A_330] : memref<8x125xi32, #tpu.memory_space<vmem>> -> memref<1x125xi32, #tpu.memory_space<vmem>>
      %dma_wait3A_332 = tpu.memref_squeeze %dma_wait3A_331 : memref<1x125xi32, #tpu.memory_space<vmem>> -> memref<125xi32, #tpu.memory_space<vmem>>
      %dma_wait3A_333 = arith.constant 0 : i32
      %dma_wait3A_334 = arith.constant 0 : i32
      %dma_wait3A_335 = tpu.memref_slice %arg2[%dma_wait3A_333, %dma_wait3A_334] : memref<10000x128xf32, #tpu.memory_space<hbm>> -> memref<10000x128xf32, #tpu.memory_space<hbm>>
      tpu.wait_indirect_dma semaphore(%arg14 : memref<!tpu.dma_semaphore, #tpu.memory_space<semaphore_mem>>) src(%dma_wait3A_335 : memref<10000x128xf32, #tpu.memory_space<hbm>>) dst(%dma_wait3A_325 : memref<125x128xf32, #tpu.memory_space<vmem>>)
      %run_scoped3A_336 = arith.constant 1 : i32
      "tpu.region"() ({
        %run_scoped3A_345 = tpu.sem_alloc : memref<!tpu.dma_semaphore, #tpu.memory_space<semaphore_mem>>
        %dma_start3A_346 = arith.constant 0 : i32
        %dma_start3A_347 = arith.constant 0 : i32
        %dma_start3A_348 = tpu.memref_slice %arg11[%run_scoped3A_336, %dma_start3A_346, %dma_start3A_347] : memref<2x125x128xf32, #tpu.memory_space<vmem>> -> memref<1x125x128xf32, #tpu.memory_space<vmem>>
        %dma_start3A_349 = tpu.memref_squeeze %dma_start3A_348 : memref<1x125x128xf32, #tpu.memory_space<vmem>> -> memref<125x128xf32, #tpu.memory_space<vmem>>
        %dma_start3A_350 = arith.constant 0 : i32
        %dma_start3A_351 = tpu.memref_slice %arg10[%add3A_318, %dma_start3A_350] : memref<80x125xi32, #tpu.memory_space<vmem>> -> memref<1x125xi32, #tpu.memory_space<vmem>>
        %dma_start3A_352 = tpu.memref_squeeze %dma_start3A_351 : memref<1x125xi32, #tpu.memory_space<vmem>> -> memref<125xi32, #tpu.memory_space<vmem>>
        %dma_start3A_353 = arith.constant 0 : i32
        %dma_start3A_354 = arith.constant 0 : i32
        %dma_start3A_355 = tpu.memref_slice %arg12[%dma_start3A_353, %dma_start3A_354] : memref<10240x128xf32, #tpu.memory_space<vmem_shared>> -> memref<10240x128xf32, #tpu.memory_space<vmem_shared>>
        tpu.enqueue_indirect_dma source(%dma_start3A_349 : memref<125x128xf32, #tpu.memory_space<vmem>>) target(%dma_start3A_355 : memref<10240x128xf32, #tpu.memory_space<vmem_shared>>) offsets(%dma_start3A_352 : memref<125xi32, #tpu.memory_space<vmem>>) semaphore(%run_scoped3A_345 : memref<!tpu.dma_semaphore, #tpu.memory_space<semaphore_mem>>) {add = true}
        %dma_wait3A_356 = arith.constant 0 : i32
        %dma_wait3A_357 = arith.constant 0 : i32
        %dma_wait3A_358 = tpu.memref_slice %arg11[%run_scoped3A_336, %dma_wait3A_356, %dma_wait3A_357] : memref<2x125x128xf32, #tpu.memory_space<vmem>> -> memref<1x125x128xf32, #tpu.memory_space<vmem>>
        %dma_wait3A_359 = tpu.memref_squeeze %dma_wait3A_358 : memref<1x125x128xf32, #tpu.memory_space<vmem>> -> memref<125x128xf32, #tpu.memory_space<vmem>>
        %dma_wait3A_360 = arith.constant 0 : i32
        %dma_wait3A_361 = tpu.memref_slice %arg10[%add3A_318, %dma_wait3A_360] : memref<80x125xi32, #tpu.memory_space<vmem>> -> memref<1x125xi32, #tpu.memory_space<vmem>>
        %dma_wait3A_362 = tpu.memref_squeeze %dma_wait3A_361 : memref<1x125xi32, #tpu.memory_space<vmem>> -> memref<125xi32, #tpu.memory_space<vmem>>
        %dma_wait3A_363 = arith.constant 0 : i32
        %dma_wait3A_364 = arith.constant 0 : i32
        %dma_wait3A_365 = tpu.memref_slice %arg12[%dma_wait3A_363, %dma_wait3A_364] : memref<10240x128xf32, #tpu.memory_space<vmem_shared>> -> memref<10240x128xf32, #tpu.memory_space<vmem_shared>>
        tpu.wait_indirect_dma semaphore(%run_scoped3A_345 : memref<!tpu.dma_semaphore, #tpu.memory_space<semaphore_mem>>) src(%dma_wait3A_359 : memref<125x128xf32, #tpu.memory_space<vmem>>) dst(%dma_wait3A_365 : memref<10240x128xf32, #tpu.memory_space<vmem_shared>>)
        tpu.yield
      }) : () -> ()
      %add3A_337 = arith.constant 2 : i32
      %add3A_338 = arith.addi %add3A_318, %add3A_337 : i32
      %lt3A_339 = arith.constant 80 : i32
      %lt3A_340 = arith.cmpi slt, %add3A_338, %lt3A_339 : i32
      %convert_element_type3A_341 = arith.extui %lt3A_340 : i1 to i32
      %cond3A_342 = arith.constant 0 : i32
      %cond3A_343 = arith.constant 0 : i32
      %cond3A_344 = arith.cmpi ne, %convert_element_type3A_341, %cond3A_343 : i32
      scf.if %cond3A_344 {
        %dma_start3A_345 = arith.constant 1 : i32
        %dma_start3A_346 = arith.constant 1 : i32
        %dma_start3A_347 = arith.constant 0 : i32
        %dma_start3A_348 = arith.constant 0 : i32
        %dma_start3A_349 = tpu.memref_slice %arg11[%dma_start3A_346, %dma_start3A_347, %dma_start3A_348] : memref<2x125x128xf32, #tpu.memory_space<vmem>> -> memref<1x125x128xf32, #tpu.memory_space<vmem>>
        %dma_start3A_350 = tpu.memref_squeeze %dma_start3A_349 : memref<1x125x128xf32, #tpu.memory_space<vmem>> -> memref<125x128xf32, #tpu.memory_space<vmem>>
        %dma_start3A_351 = arith.constant 0 : i32
        %dma_start3A_352 = arith.constant 0 : i32
        %dma_start3A_353 = tpu.memref_slice %arg9[%select_n3A_93, %dma_start3A_351, %dma_start3A_352] : memref<2x8x125xi32, #tpu.memory_space<vmem>> -> memref<1x8x125xi32, #tpu.memory_space<vmem>>
        %dma_start3A_354 = arith.constant 0 : i32
        %dma_start3A_355 = arith.constant 0 : i32
        %dma_start3A_356 = tpu.memref_slice %dma_start3A_353[%cond3A_342, %dma_start3A_354, %dma_start3A_355] : memref<1x8x125xi32, #tpu.memory_space<vmem>> -> memref<1x8x125xi32, #tpu.memory_space<vmem>>
        %dma_start3A_357 = tpu.memref_squeeze %dma_start3A_356 : memref<1x8x125xi32, #tpu.memory_space<vmem>> -> memref<8x125xi32, #tpu.memory_space<vmem>>
        %dma_start3A_358 = arith.constant 0 : i32
        %dma_start3A_359 = tpu.memref_slice %dma_start3A_357[%dma_start3A_345, %dma_start3A_358] : memref<8x125xi32, #tpu.memory_space<vmem>> -> memref<1x125xi32, #tpu.memory_space<vmem>>
        %dma_start3A_360 = tpu.memref_squeeze %dma_start3A_359 : memref<1x125xi32, #tpu.memory_space<vmem>> -> memref<125xi32, #tpu.memory_space<vmem>>
        %dma_start3A_361 = arith.constant 0 : i32
        %dma_start3A_362 = arith.constant 0 : i32
        %dma_start3A_363 = tpu.memref_slice %arg2[%dma_start3A_361, %dma_start3A_362] : memref<10000x128xf32, #tpu.memory_space<hbm>> -> memref<10000x128xf32, #tpu.memory_space<hbm>>
        tpu.enqueue_indirect_dma source(%dma_start3A_363 : memref<10000x128xf32, #tpu.memory_space<hbm>>) target(%dma_start3A_350 : memref<125x128xf32, #tpu.memory_space<vmem>>) offsets(%dma_start3A_360 : memref<125xi32, #tpu.memory_space<vmem>>) semaphore(%arg14 : memref<!tpu.dma_semaphore, #tpu.memory_space<semaphore_mem>>)
      } else {
      }
    }
    %scan3A_44 = arith.constant 10 : i32
    %barrier3A_45 = arith.constant 0 : index
    tpu.barrier barrier_id(%barrier3A_45)
    %mul3A_46 = arith.constant 10240 : i32
    %mul3A_47 = arith.muli %arg0, %mul3A_46 : i32
    %add3A_48 = arith.addi %mul3A_47, %mul3A_0 : i32
    "tpu.region"() ({
      %run_scoped3A_66 = tpu.sem_alloc : memref<!tpu.dma_semaphore, #tpu.memory_space<semaphore_mem>>
      %dma_start3A_67 = arith.constant 0 : i32
      %dma_start3A_68 = tpu.memref_slice %arg7[%add3A_48, %dma_start3A_67] : memref<20480x128xf32, #tpu.memory_space<hbm>> -> memref<640x128xf32, #tpu.memory_space<hbm>>
      %dma_start3A_69 = arith.constant 0 : i32
      %dma_start3A_70 = tpu.memref_slice %arg12[%mul3A_0, %dma_start3A_69] : memref<10240x128xf32, #tpu.memory_space<vmem_shared>> -> memref<640x128xf32, #tpu.memory_space<vmem_shared>>
      tpu.enqueue_dma source(%dma_start3A_70 : memref<640x128xf32, #tpu.memory_space<vmem_shared>>) target(%dma_start3A_68 : memref<640x128xf32, #tpu.memory_space<hbm>>) target_semaphore(%run_scoped3A_66 : memref<!tpu.dma_semaphore, #tpu.memory_space<semaphore_mem>>)
      %dma_wait3A = arith.constant 0 : i32
      %dma_wait3A_71 = tpu.memref_slice %arg7[%add3A_48, %dma_wait3A] : memref<20480x128xf32, #tpu.memory_space<hbm>> -> memref<640x128xf32, #tpu.memory_space<hbm>>
      %dma_wait3A_72 = arith.constant 0 : i32
      %dma_wait3A_73 = tpu.memref_slice %arg12[%mul3A_0, %dma_wait3A_72] : memref<10240x128xf32, #tpu.memory_space<vmem_shared>> -> memref<640x128xf32, #tpu.memory_space<vmem_shared>>
      tpu.wait_dma2 semaphore(%run_scoped3A_66 : memref<!tpu.dma_semaphore, #tpu.memory_space<semaphore_mem>>) src(%dma_wait3A_73 : memref<640x128xf32, #tpu.memory_space<vmem_shared>>) dst(%dma_wait3A_71 : memref<640x128xf32, #tpu.memory_space<hbm>>)
      tpu.yield
    }) : () -> ()
    %barrier3A_49 = arith.constant 0 : index
    tpu.barrier barrier_id(%barrier3A_49)
    "tpu.region"() ({
      %run_scoped3A_66 = tpu.sem_alloc : memref<!tpu.dma_semaphore, #tpu.memory_space<semaphore_mem>>
      %dma_start3A_67 = arith.constant 0 : i32
      %dma_start3A_68 = tpu.memref_slice %arg12[%mul3A_0, %dma_start3A_67] : memref<10240x128xf32, #tpu.memory_space<vmem_shared>> -> memref<640x128xf32, #tpu.memory_space<vmem_shared>>
      %dma_start3A_69 = arith.constant 0 : i32
      %dma_start3A_70 = tpu.memref_slice %arg5[%mul3A_0, %dma_start3A_69] : memref<10240x128xf32, #tpu.memory_space<hbm>> -> memref<640x128xf32, #tpu.memory_space<hbm>>
      tpu.enqueue_dma source(%dma_start3A_70 : memref<640x128xf32, #tpu.memory_space<hbm>>) target(%dma_start3A_68 : memref<640x128xf32, #tpu.memory_space<vmem_shared>>) target_semaphore(%run_scoped3A_66 : memref<!tpu.dma_semaphore, #tpu.memory_space<semaphore_mem>>)
      %dma_wait3A = arith.constant 0 : i32
      %dma_wait3A_71 = tpu.memref_slice %arg12[%mul3A_0, %dma_wait3A] : memref<10240x128xf32, #tpu.memory_space<vmem_shared>> -> memref<640x128xf32, #tpu.memory_space<vmem_shared>>
      %dma_wait3A_72 = arith.constant 0 : i32
      %dma_wait3A_73 = tpu.memref_slice %arg5[%mul3A_0, %dma_wait3A_72] : memref<10240x128xf32, #tpu.memory_space<hbm>> -> memref<640x128xf32, #tpu.memory_space<hbm>>
      tpu.wait_dma2 semaphore(%run_scoped3A_66 : memref<!tpu.dma_semaphore, #tpu.memory_space<semaphore_mem>>) src(%dma_wait3A_73 : memref<640x128xf32, #tpu.memory_space<hbm>>) dst(%dma_wait3A_71 : memref<640x128xf32, #tpu.memory_space<vmem_shared>>)
      tpu.yield
    }) : () -> ()
    %run_scoped3A = arith.constant 0 : i32
    "tpu.region"() ({
      %run_scoped3A_66 = tpu.sem_alloc : memref<!tpu.dma_semaphore, #tpu.memory_space<semaphore_mem>>
      %dma_start3A_67 = arith.constant 0 : i32
      %dma_start3A_68 = arith.constant 0 : i32
      %dma_start3A_69 = tpu.memref_slice %arg11[%run_scoped3A, %dma_start3A_67, %dma_start3A_68] : memref<2x125x128xf32, #tpu.memory_space<vmem>> -> memref<1x125x128xf32, #tpu.memory_space<vmem>>
      %dma_start3A_70 = tpu.memref_squeeze %dma_start3A_69 : memref<1x125x128xf32, #tpu.memory_space<vmem>> -> memref<125x128xf32, #tpu.memory_space<vmem>>
      %dma_start3A_71 = arith.constant 0 : i32
      %dma_start3A_72 = arith.constant 0 : i32
      %dma_start3A_73 = tpu.memref_slice %arg11[%run_scoped3A, %dma_start3A_71, %dma_start3A_72] : memref<2x125x128xf32, #tpu.memory_space<vmem>> -> memref<1x125x128xf32, #tpu.memory_space<vmem>>
      %dma_start3A_74 = tpu.memref_squeeze %dma_start3A_73 : memref<1x125x128xf32, #tpu.memory_space<vmem>> -> memref<125x128xf32, #tpu.memory_space<vmem>>
      tpu.enqueue_dma source(%arg6 : memref<125x128xf32, #tpu.memory_space<hbm>>) target(%dma_start3A_74 : memref<125x128xf32, #tpu.memory_space<vmem>>) target_semaphore(%run_scoped3A_66 : memref<!tpu.dma_semaphore, #tpu.memory_space<semaphore_mem>>)
      %dma_wait3A = arith.constant 0 : i32
      %dma_wait3A_75 = arith.constant 0 : i32
      %dma_wait3A_76 = tpu.memref_slice %arg11[%run_scoped3A, %dma_wait3A, %dma_wait3A_75] : memref<2x125x128xf32, #tpu.memory_space<vmem>> -> memref<1x125x128xf32, #tpu.memory_space<vmem>>
      %dma_wait3A_77 = tpu.memref_squeeze %dma_wait3A_76 : memref<1x125x128xf32, #tpu.memory_space<vmem>> -> memref<125x128xf32, #tpu.memory_space<vmem>>
      %dma_wait3A_78 = arith.constant 0 : i32
      %dma_wait3A_79 = arith.constant 0 : i32
      %dma_wait3A_80 = tpu.memref_slice %arg11[%run_scoped3A, %dma_wait3A_78, %dma_wait3A_79] : memref<2x125x128xf32, #tpu.memory_space<vmem>> -> memref<1x125x128xf32, #tpu.memory_space<vmem>>
      %dma_wait3A_81 = tpu.memref_squeeze %dma_wait3A_80 : memref<1x125x128xf32, #tpu.memory_space<vmem>> -> memref<125x128xf32, #tpu.memory_space<vmem>>
      tpu.wait_dma2 semaphore(%run_scoped3A_66 : memref<!tpu.dma_semaphore, #tpu.memory_space<semaphore_mem>>) src(%arg6 : memref<125x128xf32, #tpu.memory_space<hbm>>) dst(%dma_wait3A_81 : memref<125x128xf32, #tpu.memory_space<vmem>>)
      tpu.yield
    }) : () -> ()
    %barrier3A_50 = arith.constant 0 : index
    tpu.barrier barrier_id(%barrier3A_50)
    %scan3A_51 = arith.constant 0 : i32
    %scan3A_52 = arith.constant 0 : i32
    %scan3A_53 = arith.constant 0 : i32
    %scan3A_54 = arith.constant 80 : i32
    %scan3A_55 = arith.addi %scan3A_53, %scan3A_54 : i32
    %scan3A_56 = arith.constant 1 : i32
    scf.for %scan3A_66 = %scan3A_53 to %scan3A_55 step %scan3A_56  : i32 {
      %dma_start3A_67 = arith.constant 0 : i32
      %dma_start3A_68 = arith.constant 0 : i32
      %dma_start3A_69 = tpu.memref_slice %arg11[%scan3A_52, %dma_start3A_67, %dma_start3A_68] : memref<2x125x128xf32, #tpu.memory_space<vmem>> -> memref<1x125x128xf32, #tpu.memory_space<vmem>>
      %dma_start3A_70 = tpu.memref_squeeze %dma_start3A_69 : memref<1x125x128xf32, #tpu.memory_space<vmem>> -> memref<125x128xf32, #tpu.memory_space<vmem>>
      %dma_start3A_71 = arith.constant 0 : i32
      %dma_start3A_72 = tpu.memref_slice %arg10[%scan3A_66, %dma_start3A_71] : memref<80x125xi32, #tpu.memory_space<vmem>> -> memref<1x125xi32, #tpu.memory_space<vmem>>
      %dma_start3A_73 = tpu.memref_squeeze %dma_start3A_72 : memref<1x125xi32, #tpu.memory_space<vmem>> -> memref<125xi32, #tpu.memory_space<vmem>>
      %dma_start3A_74 = arith.constant 0 : i32
      %dma_start3A_75 = arith.constant 0 : i32
      %dma_start3A_76 = tpu.memref_slice %arg12[%dma_start3A_74, %dma_start3A_75] : memref<10240x128xf32, #tpu.memory_space<vmem_shared>> -> memref<10240x128xf32, #tpu.memory_space<vmem_shared>>
      tpu.enqueue_indirect_dma source(%dma_start3A_70 : memref<125x128xf32, #tpu.memory_space<vmem>>) target(%dma_start3A_76 : memref<10240x128xf32, #tpu.memory_space<vmem_shared>>) offsets(%dma_start3A_73 : memref<125xi32, #tpu.memory_space<vmem>>) semaphore(%arg17 : memref<!tpu.dma_semaphore, #tpu.memory_space<semaphore_mem>>) {add = true}
      %ge3A = arith.constant 16 : i32
      %ge3A_77 = arith.cmpi sge, %scan3A_66, %ge3A : i32
      %convert_element_type3A = arith.extui %ge3A_77 : i1 to i32
      %cond3A = arith.constant 0 : i32
      %cond3A_78 = arith.cmpi ne, %convert_element_type3A, %cond3A : i32
      scf.if %cond3A_78 {
        %dma_wait3A = arith.constant 0 : i32
        %dma_wait3A_79 = arith.constant 0 : i32
        %dma_wait3A_80 = arith.constant 0 : i32
        %dma_wait3A_81 = tpu.memref_slice %arg11[%scan3A_52, %dma_wait3A_79, %dma_wait3A_80] : memref<2x125x128xf32, #tpu.memory_space<vmem>> -> memref<1x125x128xf32, #tpu.memory_space<vmem>>
        %dma_wait3A_82 = tpu.memref_squeeze %dma_wait3A_81 : memref<1x125x128xf32, #tpu.memory_space<vmem>> -> memref<125x128xf32, #tpu.memory_space<vmem>>
        %dma_wait3A_83 = arith.constant 0 : i32
        %dma_wait3A_84 = tpu.memref_slice %arg10[%dma_wait3A, %dma_wait3A_83] : memref<80x125xi32, #tpu.memory_space<vmem>> -> memref<1x125xi32, #tpu.memory_space<vmem>>
        %dma_wait3A_85 = tpu.memref_squeeze %dma_wait3A_84 : memref<1x125xi32, #tpu.memory_space<vmem>> -> memref<125xi32, #tpu.memory_space<vmem>>
        %dma_wait3A_86 = arith.constant 0 : i32
        %dma_wait3A_87 = arith.constant 0 : i32
        %dma_wait3A_88 = tpu.memref_slice %arg12[%dma_wait3A_86, %dma_wait3A_87] : memref<10240x128xf32, #tpu.memory_space<vmem_shared>> -> memref<10240x128xf32, #tpu.memory_space<vmem_shared>>
        tpu.wait_indirect_dma semaphore(%arg17 : memref<!tpu.dma_semaphore, #tpu.memory_space<semaphore_mem>>) src(%dma_wait3A_82 : memref<125x128xf32, #tpu.memory_space<vmem>>) dst(%dma_wait3A_88 : memref<10240x128xf32, #tpu.memory_space<vmem_shared>>)
      } else {
      }
    }
    %scan3A_57 = arith.constant 80 : i32
    %scan3A_58 = arith.constant 0 : i32
    %scan3A_59 = arith.constant 0 : i32
    %scan3A_60 = arith.constant 0 : i32
    %scan3A_61 = arith.constant 16 : i32
    %scan3A_62 = arith.addi %scan3A_60, %scan3A_61 : i32
    %scan3A_63 = arith.constant 1 : i32
    scf.for %scan3A_66 = %scan3A_60 to %scan3A_62 step %scan3A_63  : i32 {
      %dma_wait3A = arith.constant 0 : i32
      %dma_wait3A_67 = arith.constant 0 : i32
      %dma_wait3A_68 = arith.constant 0 : i32
      %dma_wait3A_69 = tpu.memref_slice %arg11[%scan3A_59, %dma_wait3A_67, %dma_wait3A_68] : memref<2x125x128xf32, #tpu.memory_space<vmem>> -> memref<1x125x128xf32, #tpu.memory_space<vmem>>
      %dma_wait3A_70 = tpu.memref_squeeze %dma_wait3A_69 : memref<1x125x128xf32, #tpu.memory_space<vmem>> -> memref<125x128xf32, #tpu.memory_space<vmem>>
      %dma_wait3A_71 = arith.constant 0 : i32
      %dma_wait3A_72 = tpu.memref_slice %arg10[%dma_wait3A, %dma_wait3A_71] : memref<80x125xi32, #tpu.memory_space<vmem>> -> memref<1x125xi32, #tpu.memory_space<vmem>>
      %dma_wait3A_73 = tpu.memref_squeeze %dma_wait3A_72 : memref<1x125xi32, #tpu.memory_space<vmem>> -> memref<125xi32, #tpu.memory_space<vmem>>
      %dma_wait3A_74 = arith.constant 0 : i32
      %dma_wait3A_75 = arith.constant 0 : i32
      %dma_wait3A_76 = tpu.memref_slice %arg12[%dma_wait3A_74, %dma_wait3A_75] : memref<10240x128xf32, #tpu.memory_space<vmem_shared>> -> memref<10240x128xf32, #tpu.memory_space<vmem_shared>>
      tpu.wait_indirect_dma semaphore(%arg17 : memref<!tpu.dma_semaphore, #tpu.memory_space<semaphore_mem>>) src(%dma_wait3A_70 : memref<125x128xf32, #tpu.memory_space<vmem>>) dst(%dma_wait3A_76 : memref<10240x128xf32, #tpu.memory_space<vmem_shared>>)
    }
    %scan3A_64 = arith.constant 16 : i32
    %barrier3A_65 = arith.constant 0 : index
    tpu.barrier barrier_id(%barrier3A_65)
    "tpu.region"() ({
      %run_scoped3A_66 = tpu.sem_alloc : memref<!tpu.dma_semaphore, #tpu.memory_space<semaphore_mem>>
      %dma_start3A_67 = arith.constant 0 : i32
      %dma_start3A_68 = tpu.memref_slice %arg8[%add3A_48, %dma_start3A_67] : memref<20480x128xf32, #tpu.memory_space<hbm>> -> memref<640x128xf32, #tpu.memory_space<hbm>>
      %dma_start3A_69 = arith.constant 0 : i32
      %dma_start3A_70 = tpu.memref_slice %arg12[%mul3A_0, %dma_start3A_69] : memref<10240x128xf32, #tpu.memory_space<vmem_shared>> -> memref<640x128xf32, #tpu.memory_space<vmem_shared>>
      tpu.enqueue_dma source(%dma_start3A_70 : memref<640x128xf32, #tpu.memory_space<vmem_shared>>) target(%dma_start3A_68 : memref<640x128xf32, #tpu.memory_space<hbm>>) target_semaphore(%run_scoped3A_66 : memref<!tpu.dma_semaphore, #tpu.memory_space<semaphore_mem>>)
      %dma_wait3A = arith.constant 0 : i32
      %dma_wait3A_71 = tpu.memref_slice %arg8[%add3A_48, %dma_wait3A] : memref<20480x128xf32, #tpu.memory_space<hbm>> -> memref<640x128xf32, #tpu.memory_space<hbm>>
      %dma_wait3A_72 = arith.constant 0 : i32
      %dma_wait3A_73 = tpu.memref_slice %arg12[%mul3A_0, %dma_wait3A_72] : memref<10240x128xf32, #tpu.memory_space<vmem_shared>> -> memref<640x128xf32, #tpu.memory_space<vmem_shared>>
      tpu.wait_dma2 semaphore(%run_scoped3A_66 : memref<!tpu.dma_semaphore, #tpu.memory_space<semaphore_mem>>) src(%dma_wait3A_73 : memref<640x128xf32, #tpu.memory_space<vmem_shared>>) dst(%dma_wait3A_71 : memref<640x128xf32, #tpu.memory_space<hbm>>)
      tpu.yield
    }) : () -> ()
    return
  }
}

#map = affine_map<(d0, d1) -> (0, 0)>
#map1 = affine_map<(d0, d1) -> (0, 0, 0)>
module attributes {stable_mosaic.version = 14 : i64} {
  func.func @_sc_agg_body(%arg0: i32, %arg1: i32, %arg2: memref<10000x128xf32, #tpu.memory_space<hbm>>, %arg3: memref<320x8x125xi32, #tpu.memory_space<hbm>>, %arg4: memref<2560x125xi32, #tpu.memory_space<hbm>>, %arg5: memref<10240x128xf32, #tpu.memory_space<hbm>>, %arg6: memref<20480x128xf32, #tpu.memory_space<hbm>>, %arg7: memref<2x8x125xi32, #tpu.memory_space<vmem>>, %arg8: memref<80x125xi32, #tpu.memory_space<vmem>>, %arg9: memref<2x125x128xf32, #tpu.memory_space<vmem>>, %arg10: memref<10240x128xf32, #tpu.memory_space<vmem_shared>>, %arg11: memref<!tpu.dma_semaphore, #tpu.memory_space<semaphore_mem>>, %arg12: memref<!tpu.dma_semaphore, #tpu.memory_space<semaphore_mem>>, %arg13: memref<!tpu.dma_semaphore, #tpu.memory_space<semaphore_mem>>, %arg14: memref<!tpu.dma_semaphore, #tpu.memory_space<semaphore_mem>>) attributes {dimension_semantics = [#tpu.dimension_semantics<core_parallel>, #tpu.dimension_semantics<subcore_parallel>], iteration_bounds = array<i64: 2, 16>, scalar_prefetch = 0 : i64, scratch_operands = 8 : i64, tpu.core_type = #tpu.core_type<sc_vector_subcore>, window_params = [{transform_indices = #map}, {transform_indices = #map1}, {transform_indices = #map}, {transform_indices = #map}, {transform_indices = #map}]} {
    %mul3A = arith.constant 640 : i32
    %mul3A_0 = arith.muli %arg1, %mul3A : i32
    "tpu.region"() ({
      %run_scoped3A = tpu.sem_alloc : memref<!tpu.dma_semaphore, #tpu.memory_space<semaphore_mem>>
      %dma_start3A_49 = arith.constant 0 : i32
      %dma_start3A_50 = tpu.memref_slice %arg10[%mul3A_0, %dma_start3A_49] : memref<10240x128xf32, #tpu.memory_space<vmem_shared>> -> memref<640x128xf32, #tpu.memory_space<vmem_shared>>
      %dma_start3A_51 = arith.constant 0 : i32
      %dma_start3A_52 = tpu.memref_slice %arg5[%mul3A_0, %dma_start3A_51] : memref<10240x128xf32, #tpu.memory_space<hbm>> -> memref<640x128xf32, #tpu.memory_space<hbm>>
      tpu.enqueue_dma source(%dma_start3A_52 : memref<640x128xf32, #tpu.memory_space<hbm>>) target(%dma_start3A_50 : memref<640x128xf32, #tpu.memory_space<vmem_shared>>) target_semaphore(%run_scoped3A : memref<!tpu.dma_semaphore, #tpu.memory_space<semaphore_mem>>)
      %dma_wait3A = arith.constant 0 : i32
      %dma_wait3A_53 = tpu.memref_slice %arg10[%mul3A_0, %dma_wait3A] : memref<10240x128xf32, #tpu.memory_space<vmem_shared>> -> memref<640x128xf32, #tpu.memory_space<vmem_shared>>
      %dma_wait3A_54 = arith.constant 0 : i32
      %dma_wait3A_55 = tpu.memref_slice %arg5[%mul3A_0, %dma_wait3A_54] : memref<10240x128xf32, #tpu.memory_space<hbm>> -> memref<640x128xf32, #tpu.memory_space<hbm>>
      tpu.wait_dma2 semaphore(%run_scoped3A : memref<!tpu.dma_semaphore, #tpu.memory_space<semaphore_mem>>) src(%dma_wait3A_55 : memref<640x128xf32, #tpu.memory_space<hbm>>) dst(%dma_wait3A_53 : memref<640x128xf32, #tpu.memory_space<vmem_shared>>)
      tpu.yield
    }) : () -> ()
    %mul3A_1 = arith.constant 16 : i32
    %mul3A_2 = arith.muli %arg0, %mul3A_1 : i32
    %add3A = arith.addi %mul3A_2, %arg1 : i32
    %mul3A_3 = arith.constant 80 : i32
    %mul3A_4 = arith.muli %add3A, %mul3A_3 : i32
    "tpu.region"() ({
      %run_scoped3A = tpu.sem_alloc : memref<!tpu.dma_semaphore, #tpu.memory_space<semaphore_mem>>
      %dma_start3A_49 = arith.constant 0 : i32
      %dma_start3A_50 = tpu.memref_slice %arg4[%mul3A_4, %dma_start3A_49] : memref<2560x125xi32, #tpu.memory_space<hbm>> -> memref<80x125xi32, #tpu.memory_space<hbm>>
      %dma_start3A_51 = arith.constant 0 : i32
      %dma_start3A_52 = tpu.memref_slice %arg4[%mul3A_4, %dma_start3A_51] : memref<2560x125xi32, #tpu.memory_space<hbm>> -> memref<80x125xi32, #tpu.memory_space<hbm>>
      tpu.enqueue_dma source(%dma_start3A_52 : memref<80x125xi32, #tpu.memory_space<hbm>>) target(%arg8 : memref<80x125xi32, #tpu.memory_space<vmem>>) target_semaphore(%run_scoped3A : memref<!tpu.dma_semaphore, #tpu.memory_space<semaphore_mem>>)
      %dma_wait3A = arith.constant 0 : i32
      %dma_wait3A_53 = tpu.memref_slice %arg4[%mul3A_4, %dma_wait3A] : memref<2560x125xi32, #tpu.memory_space<hbm>> -> memref<80x125xi32, #tpu.memory_space<hbm>>
      %dma_wait3A_54 = arith.constant 0 : i32
      %dma_wait3A_55 = tpu.memref_slice %arg4[%mul3A_4, %dma_wait3A_54] : memref<2560x125xi32, #tpu.memory_space<hbm>> -> memref<80x125xi32, #tpu.memory_space<hbm>>
      tpu.wait_dma2 semaphore(%run_scoped3A : memref<!tpu.dma_semaphore, #tpu.memory_space<semaphore_mem>>) src(%dma_wait3A_55 : memref<80x125xi32, #tpu.memory_space<hbm>>) dst(%arg8 : memref<80x125xi32, #tpu.memory_space<vmem>>)
      tpu.yield
    }) : () -> ()
    %mul3A_5 = arith.constant 10 : i32
    %mul3A_6 = arith.muli %add3A, %mul3A_5 : i32
    "tpu.region"() ({
      %run_scoped3A = tpu.sem_alloc : memref<!tpu.dma_semaphore, #tpu.memory_space<semaphore_mem>>
      %dma_start3A_49 = arith.constant 0 : i32
      %dma_start3A_50 = arith.constant 0 : i32
      %dma_start3A_51 = arith.constant 0 : i32
      %dma_start3A_52 = tpu.memref_slice %arg7[%dma_start3A_49, %dma_start3A_50, %dma_start3A_51] : memref<2x8x125xi32, #tpu.memory_space<vmem>> -> memref<1x8x125xi32, #tpu.memory_space<vmem>>
      %dma_start3A_53 = arith.constant 0 : i32
      %dma_start3A_54 = arith.constant 0 : i32
      %dma_start3A_55 = tpu.memref_slice %arg3[%mul3A_6, %dma_start3A_53, %dma_start3A_54] : memref<320x8x125xi32, #tpu.memory_space<hbm>> -> memref<1x8x125xi32, #tpu.memory_space<hbm>>
      %dma_start3A_56 = arith.constant 0 : i32
      %dma_start3A_57 = arith.constant 0 : i32
      %dma_start3A_58 = arith.constant 0 : i32
      %dma_start3A_59 = tpu.memref_slice %arg7[%dma_start3A_56, %dma_start3A_57, %dma_start3A_58] : memref<2x8x125xi32, #tpu.memory_space<vmem>> -> memref<1x8x125xi32, #tpu.memory_space<vmem>>
      %dma_start3A_60 = arith.constant 0 : i32
      %dma_start3A_61 = arith.constant 0 : i32
      %dma_start3A_62 = tpu.memref_slice %arg3[%mul3A_6, %dma_start3A_60, %dma_start3A_61] : memref<320x8x125xi32, #tpu.memory_space<hbm>> -> memref<1x8x125xi32, #tpu.memory_space<hbm>>
      tpu.enqueue_dma source(%dma_start3A_62 : memref<1x8x125xi32, #tpu.memory_space<hbm>>) target(%dma_start3A_59 : memref<1x8x125xi32, #tpu.memory_space<vmem>>) target_semaphore(%run_scoped3A : memref<!tpu.dma_semaphore, #tpu.memory_space<semaphore_mem>>)
      %dma_wait3A = arith.constant 0 : i32
      %dma_wait3A_63 = arith.constant 0 : i32
      %dma_wait3A_64 = arith.constant 0 : i32
      %dma_wait3A_65 = tpu.memref_slice %arg7[%dma_wait3A, %dma_wait3A_63, %dma_wait3A_64] : memref<2x8x125xi32, #tpu.memory_space<vmem>> -> memref<1x8x125xi32, #tpu.memory_space<vmem>>
      %dma_wait3A_66 = arith.constant 0 : i32
      %dma_wait3A_67 = arith.constant 0 : i32
      %dma_wait3A_68 = tpu.memref_slice %arg3[%mul3A_6, %dma_wait3A_66, %dma_wait3A_67] : memref<320x8x125xi32, #tpu.memory_space<hbm>> -> memref<1x8x125xi32, #tpu.memory_space<hbm>>
      %dma_wait3A_69 = arith.constant 0 : i32
      %dma_wait3A_70 = arith.constant 0 : i32
      %dma_wait3A_71 = arith.constant 0 : i32
      %dma_wait3A_72 = tpu.memref_slice %arg7[%dma_wait3A_69, %dma_wait3A_70, %dma_wait3A_71] : memref<2x8x125xi32, #tpu.memory_space<vmem>> -> memref<1x8x125xi32, #tpu.memory_space<vmem>>
      %dma_wait3A_73 = arith.constant 0 : i32
      %dma_wait3A_74 = arith.constant 0 : i32
      %dma_wait3A_75 = tpu.memref_slice %arg3[%mul3A_6, %dma_wait3A_73, %dma_wait3A_74] : memref<320x8x125xi32, #tpu.memory_space<hbm>> -> memref<1x8x125xi32, #tpu.memory_space<hbm>>
      tpu.wait_dma2 semaphore(%run_scoped3A : memref<!tpu.dma_semaphore, #tpu.memory_space<semaphore_mem>>) src(%dma_wait3A_75 : memref<1x8x125xi32, #tpu.memory_space<hbm>>) dst(%dma_wait3A_72 : memref<1x8x125xi32, #tpu.memory_space<vmem>>)
      tpu.yield
    }) : () -> ()
    %barrier3A = arith.constant 0 : index
    tpu.barrier barrier_id(%barrier3A)
    %dma_start3A = arith.constant 0 : i32
    %dma_start3A_7 = arith.constant 0 : i32
    %dma_start3A_8 = arith.constant 0 : i32
    %dma_start3A_9 = arith.constant 0 : i32
    %dma_start3A_10 = arith.constant 0 : i32
    %dma_start3A_11 = tpu.memref_slice %arg9[%dma_start3A_8, %dma_start3A_9, %dma_start3A_10] : memref<2x125x128xf32, #tpu.memory_space<vmem>> -> memref<1x125x128xf32, #tpu.memory_space<vmem>>
    %dma_start3A_12 = tpu.memref_squeeze %dma_start3A_11 : memref<1x125x128xf32, #tpu.memory_space<vmem>> -> memref<125x128xf32, #tpu.memory_space<vmem>>
    %dma_start3A_13 = arith.constant 0 : i32
    %dma_start3A_14 = arith.constant 0 : i32
    %dma_start3A_15 = tpu.memref_slice %arg7[%dma_start3A, %dma_start3A_13, %dma_start3A_14] : memref<2x8x125xi32, #tpu.memory_space<vmem>> -> memref<1x8x125xi32, #tpu.memory_space<vmem>>
    %dma_start3A_16 = tpu.memref_squeeze %dma_start3A_15 : memref<1x8x125xi32, #tpu.memory_space<vmem>> -> memref<8x125xi32, #tpu.memory_space<vmem>>
    %dma_start3A_17 = arith.constant 0 : i32
    %dma_start3A_18 = tpu.memref_slice %dma_start3A_16[%dma_start3A_7, %dma_start3A_17] : memref<8x125xi32, #tpu.memory_space<vmem>> -> memref<1x125xi32, #tpu.memory_space<vmem>>
    %dma_start3A_19 = tpu.memref_squeeze %dma_start3A_18 : memref<1x125xi32, #tpu.memory_space<vmem>> -> memref<125xi32, #tpu.memory_space<vmem>>
    %dma_start3A_20 = arith.constant 0 : i32
    %dma_start3A_21 = arith.constant 0 : i32
    %dma_start3A_22 = tpu.memref_slice %arg2[%dma_start3A_20, %dma_start3A_21] : memref<10000x128xf32, #tpu.memory_space<hbm>> -> memref<10000x128xf32, #tpu.memory_space<hbm>>
    tpu.enqueue_indirect_dma source(%dma_start3A_22 : memref<10000x128xf32, #tpu.memory_space<hbm>>) target(%dma_start3A_12 : memref<125x128xf32, #tpu.memory_space<vmem>>) offsets(%dma_start3A_19 : memref<125xi32, #tpu.memory_space<vmem>>) semaphore(%arg11 : memref<!tpu.dma_semaphore, #tpu.memory_space<semaphore_mem>>)
    %dma_start3A_23 = arith.constant 0 : i32
    %dma_start3A_24 = arith.constant 1 : i32
    %dma_start3A_25 = arith.constant 1 : i32
    %dma_start3A_26 = arith.constant 0 : i32
    %dma_start3A_27 = arith.constant 0 : i32
    %dma_start3A_28 = tpu.memref_slice %arg9[%dma_start3A_25, %dma_start3A_26, %dma_start3A_27] : memref<2x125x128xf32, #tpu.memory_space<vmem>> -> memref<1x125x128xf32, #tpu.memory_space<vmem>>
    %dma_start3A_29 = tpu.memref_squeeze %dma_start3A_28 : memref<1x125x128xf32, #tpu.memory_space<vmem>> -> memref<125x128xf32, #tpu.memory_space<vmem>>
    %dma_start3A_30 = arith.constant 0 : i32
    %dma_start3A_31 = arith.constant 0 : i32
    %dma_start3A_32 = tpu.memref_slice %arg7[%dma_start3A_23, %dma_start3A_30, %dma_start3A_31] : memref<2x8x125xi32, #tpu.memory_space<vmem>> -> memref<1x8x125xi32, #tpu.memory_space<vmem>>
    %dma_start3A_33 = tpu.memref_squeeze %dma_start3A_32 : memref<1x8x125xi32, #tpu.memory_space<vmem>> -> memref<8x125xi32, #tpu.memory_space<vmem>>
    %dma_start3A_34 = arith.constant 0 : i32
    %dma_start3A_35 = tpu.memref_slice %dma_start3A_33[%dma_start3A_24, %dma_start3A_34] : memref<8x125xi32, #tpu.memory_space<vmem>> -> memref<1x125xi32, #tpu.memory_space<vmem>>
    %dma_start3A_36 = tpu.memref_squeeze %dma_start3A_35 : memref<1x125xi32, #tpu.memory_space<vmem>> -> memref<125xi32, #tpu.memory_space<vmem>>
    %dma_start3A_37 = arith.constant 0 : i32
    %dma_start3A_38 = arith.constant 0 : i32
    %dma_start3A_39 = tpu.memref_slice %arg2[%dma_start3A_37, %dma_start3A_38] : memref<10000x128xf32, #tpu.memory_space<hbm>> -> memref<10000x128xf32, #tpu.memory_space<hbm>>
    tpu.enqueue_indirect_dma source(%dma_start3A_39 : memref<10000x128xf32, #tpu.memory_space<hbm>>) target(%dma_start3A_29 : memref<125x128xf32, #tpu.memory_space<vmem>>) offsets(%dma_start3A_36 : memref<125xi32, #tpu.memory_space<vmem>>) semaphore(%arg12 : memref<!tpu.dma_semaphore, #tpu.memory_space<semaphore_mem>>)
    %scan3A = arith.constant 0 : i32
    %scan3A_40 = arith.constant 0 : i32
    %scan3A_41 = arith.constant 10 : i32
    %scan3A_42 = arith.addi %scan3A_40, %scan3A_41 : i32
    %scan3A_43 = arith.constant 1 : i32
    scf.for %scan3A_49 = %scan3A_40 to %scan3A_42 step %scan3A_43  : i32 {
      %jit3A = arith.constant 2 : i32
      %eq3A = arith.constant 0 : i32
      %eq3A_50 = arith.cmpi eq, %jit3A, %eq3A : i32
      %jit3A_51 = arith.constant 1 : i32
      %select_n3A = arith.select %eq3A_50, %jit3A_51, %jit3A : i32
      %rem3A = arith.remsi %scan3A_49, %select_n3A : i32
      %ne3A = arith.constant 0 : i32
      %ne3A_52 = arith.cmpi ne, %rem3A, %ne3A : i32
      %lt3A = arith.constant 0 : i32
      %lt3A_53 = arith.cmpi slt, %rem3A, %lt3A : i32
      %lt3A_54 = arith.constant 0 : i32
      %lt3A_55 = arith.cmpi slt, %select_n3A, %lt3A_54 : i32
      %ne3A_56 = arith.xori %lt3A_53, %lt3A_55 : i1
      %and3A = arith.andi %ne3A_56, %ne3A_52 : i1
      %add3A_57 = arith.addi %rem3A, %select_n3A : i32
      %select_n3A_58 = arith.select %and3A, %add3A_57, %rem3A : i32
      %add3A_59 = arith.constant 1 : i32
      %add3A_60 = arith.addi %scan3A_49, %add3A_59 : i32
      %jit3A_61 = arith.constant 2 : i32
      %eq3A_62 = arith.constant 0 : i32
      %eq3A_63 = arith.cmpi eq, %jit3A_61, %eq3A_62 : i32
      %jit3A_64 = arith.constant 1 : i32
      %select_n3A_65 = arith.select %eq3A_63, %jit3A_64, %jit3A_61 : i32
      %rem3A_66 = arith.remsi %add3A_60, %select_n3A_65 : i32
      %ne3A_67 = arith.constant 0 : i32
      %ne3A_68 = arith.cmpi ne, %rem3A_66, %ne3A_67 : i32
      %lt3A_69 = arith.constant 0 : i32
      %lt3A_70 = arith.cmpi slt, %rem3A_66, %lt3A_69 : i32
      %lt3A_71 = arith.constant 0 : i32
      %lt3A_72 = arith.cmpi slt, %select_n3A_65, %lt3A_71 : i32
      %ne3A_73 = arith.xori %lt3A_70, %lt3A_72 : i1
      %and3A_74 = arith.andi %ne3A_73, %ne3A_68 : i1
      %add3A_75 = arith.addi %rem3A_66, %select_n3A_65 : i32
      %select_n3A_76 = arith.select %and3A_74, %add3A_75, %rem3A_66 : i32
      %add3A_77 = arith.constant 1 : i32
      %add3A_78 = arith.addi %scan3A_49, %add3A_77 : i32
      %lt3A_79 = arith.constant 10 : i32
      %lt3A_80 = arith.cmpi slt, %add3A_78, %lt3A_79 : i32
      %convert_element_type3A = arith.extui %lt3A_80 : i1 to i32
      %cond3A = arith.constant 0 : i32
      %cond3A_81 = arith.cmpi ne, %convert_element_type3A, %cond3A : i32
      scf.if %cond3A_81 {
        %mul3A_327 = arith.constant 10 : i32
        %mul3A_328 = arith.muli %add3A, %mul3A_327 : i32
        %add3A_329 = arith.addi %mul3A_328, %scan3A_49 : i32
        %add3A_330 = arith.constant 1 : i32
        %add3A_331 = arith.addi %add3A_329, %add3A_330 : i32
        %dma_start3A_332 = arith.constant 0 : i32
        %dma_start3A_333 = arith.constant 0 : i32
        %dma_start3A_334 = tpu.memref_slice %arg7[%select_n3A_76, %dma_start3A_332, %dma_start3A_333] : memref<2x8x125xi32, #tpu.memory_space<vmem>> -> memref<1x8x125xi32, #tpu.memory_space<vmem>>
        %dma_start3A_335 = arith.constant 0 : i32
        %dma_start3A_336 = arith.constant 0 : i32
        %dma_start3A_337 = tpu.memref_slice %arg3[%add3A_331, %dma_start3A_335, %dma_start3A_336] : memref<320x8x125xi32, #tpu.memory_space<hbm>> -> memref<1x8x125xi32, #tpu.memory_space<hbm>>
        %dma_start3A_338 = arith.constant 0 : i32
        %dma_start3A_339 = arith.constant 0 : i32
        %dma_start3A_340 = tpu.memref_slice %arg7[%select_n3A_76, %dma_start3A_338, %dma_start3A_339] : memref<2x8x125xi32, #tpu.memory_space<vmem>> -> memref<1x8x125xi32, #tpu.memory_space<vmem>>
        %dma_start3A_341 = arith.constant 0 : i32
        %dma_start3A_342 = arith.constant 0 : i32
        %dma_start3A_343 = tpu.memref_slice %arg3[%add3A_331, %dma_start3A_341, %dma_start3A_342] : memref<320x8x125xi32, #tpu.memory_space<hbm>> -> memref<1x8x125xi32, #tpu.memory_space<hbm>>
        tpu.enqueue_dma source(%dma_start3A_343 : memref<1x8x125xi32, #tpu.memory_space<hbm>>) target(%dma_start3A_340 : memref<1x8x125xi32, #tpu.memory_space<vmem>>) target_semaphore(%arg13 : memref<!tpu.dma_semaphore, #tpu.memory_space<semaphore_mem>>)
      } else {
      }
      %mul3A_82 = arith.constant 8 : i32
      %mul3A_83 = arith.muli %scan3A_49, %mul3A_82 : i32
      %add3A_84 = arith.constant 0 : i32
      %add3A_85 = arith.addi %mul3A_83, %add3A_84 : i32
      %dma_wait3A = arith.constant 0 : i32
      %dma_wait3A_86 = arith.constant 0 : i32
      %dma_wait3A_87 = arith.constant 0 : i32
      %dma_wait3A_88 = arith.constant 0 : i32
      %dma_wait3A_89 = arith.constant 0 : i32
      %dma_wait3A_90 = tpu.memref_slice %arg9[%dma_wait3A_87, %dma_wait3A_88, %dma_wait3A_89] : memref<2x125x128xf32, #tpu.memory_space<vmem>> -> memref<1x125x128xf32, #tpu.memory_space<vmem>>
      %dma_wait3A_91 = tpu.memref_squeeze %dma_wait3A_90 : memref<1x125x128xf32, #tpu.memory_space<vmem>> -> memref<125x128xf32, #tpu.memory_space<vmem>>
      %dma_wait3A_92 = arith.constant 0 : i32
      %dma_wait3A_93 = arith.constant 0 : i32
      %dma_wait3A_94 = tpu.memref_slice %arg7[%dma_wait3A, %dma_wait3A_92, %dma_wait3A_93] : memref<2x8x125xi32, #tpu.memory_space<vmem>> -> memref<1x8x125xi32, #tpu.memory_space<vmem>>
      %dma_wait3A_95 = tpu.memref_squeeze %dma_wait3A_94 : memref<1x8x125xi32, #tpu.memory_space<vmem>> -> memref<8x125xi32, #tpu.memory_space<vmem>>
      %dma_wait3A_96 = arith.constant 0 : i32
      %dma_wait3A_97 = tpu.memref_slice %dma_wait3A_95[%dma_wait3A_86, %dma_wait3A_96] : memref<8x125xi32, #tpu.memory_space<vmem>> -> memref<1x125xi32, #tpu.memory_space<vmem>>
      %dma_wait3A_98 = tpu.memref_squeeze %dma_wait3A_97 : memref<1x125xi32, #tpu.memory_space<vmem>> -> memref<125xi32, #tpu.memory_space<vmem>>
      %dma_wait3A_99 = arith.constant 0 : i32
      %dma_wait3A_100 = arith.constant 0 : i32
      %dma_wait3A_101 = tpu.memref_slice %arg2[%dma_wait3A_99, %dma_wait3A_100] : memref<10000x128xf32, #tpu.memory_space<hbm>> -> memref<10000x128xf32, #tpu.memory_space<hbm>>
      tpu.wait_indirect_dma semaphore(%arg11 : memref<!tpu.dma_semaphore, #tpu.memory_space<semaphore_mem>>) src(%dma_wait3A_101 : memref<10000x128xf32, #tpu.memory_space<hbm>>) dst(%dma_wait3A_91 : memref<125x128xf32, #tpu.memory_space<vmem>>)
      %run_scoped3A = arith.constant 0 : i32
      "tpu.region"() ({
        %run_scoped3A_327 = tpu.sem_alloc : memref<!tpu.dma_semaphore, #tpu.memory_space<semaphore_mem>>
        %dma_start3A_328 = arith.constant 0 : i32
        %dma_start3A_329 = arith.constant 0 : i32
        %dma_start3A_330 = tpu.memref_slice %arg9[%run_scoped3A, %dma_start3A_328, %dma_start3A_329] : memref<2x125x128xf32, #tpu.memory_space<vmem>> -> memref<1x125x128xf32, #tpu.memory_space<vmem>>
        %dma_start3A_331 = tpu.memref_squeeze %dma_start3A_330 : memref<1x125x128xf32, #tpu.memory_space<vmem>> -> memref<125x128xf32, #tpu.memory_space<vmem>>
        %dma_start3A_332 = arith.constant 0 : i32
        %dma_start3A_333 = tpu.memref_slice %arg8[%add3A_85, %dma_start3A_332] : memref<80x125xi32, #tpu.memory_space<vmem>> -> memref<1x125xi32, #tpu.memory_space<vmem>>
        %dma_start3A_334 = tpu.memref_squeeze %dma_start3A_333 : memref<1x125xi32, #tpu.memory_space<vmem>> -> memref<125xi32, #tpu.memory_space<vmem>>
        %dma_start3A_335 = arith.constant 0 : i32
        %dma_start3A_336 = arith.constant 0 : i32
        %dma_start3A_337 = tpu.memref_slice %arg10[%dma_start3A_335, %dma_start3A_336] : memref<10240x128xf32, #tpu.memory_space<vmem_shared>> -> memref<10240x128xf32, #tpu.memory_space<vmem_shared>>
        tpu.enqueue_indirect_dma source(%dma_start3A_331 : memref<125x128xf32, #tpu.memory_space<vmem>>) target(%dma_start3A_337 : memref<10240x128xf32, #tpu.memory_space<vmem_shared>>) offsets(%dma_start3A_334 : memref<125xi32, #tpu.memory_space<vmem>>) semaphore(%run_scoped3A_327 : memref<!tpu.dma_semaphore, #tpu.memory_space<semaphore_mem>>) {add = true}
        %dma_wait3A_338 = arith.constant 0 : i32
        %dma_wait3A_339 = arith.constant 0 : i32
        %dma_wait3A_340 = tpu.memref_slice %arg9[%run_scoped3A, %dma_wait3A_338, %dma_wait3A_339] : memref<2x125x128xf32, #tpu.memory_space<vmem>> -> memref<1x125x128xf32, #tpu.memory_space<vmem>>
        %dma_wait3A_341 = tpu.memref_squeeze %dma_wait3A_340 : memref<1x125x128xf32, #tpu.memory_space<vmem>> -> memref<125x128xf32, #tpu.memory_space<vmem>>
        %dma_wait3A_342 = arith.constant 0 : i32
        %dma_wait3A_343 = tpu.memref_slice %arg8[%add3A_85, %dma_wait3A_342] : memref<80x125xi32, #tpu.memory_space<vmem>> -> memref<1x125xi32, #tpu.memory_space<vmem>>
        %dma_wait3A_344 = tpu.memref_squeeze %dma_wait3A_343 : memref<1x125xi32, #tpu.memory_space<vmem>> -> memref<125xi32, #tpu.memory_space<vmem>>
        %dma_wait3A_345 = arith.constant 0 : i32
        %dma_wait3A_346 = arith.constant 0 : i32
        %dma_wait3A_347 = tpu.memref_slice %arg10[%dma_wait3A_345, %dma_wait3A_346] : memref<10240x128xf32, #tpu.memory_space<vmem_shared>> -> memref<10240x128xf32, #tpu.memory_space<vmem_shared>>
        tpu.wait_indirect_dma semaphore(%run_scoped3A_327 : memref<!tpu.dma_semaphore, #tpu.memory_space<semaphore_mem>>) src(%dma_wait3A_341 : memref<125x128xf32, #tpu.memory_space<vmem>>) dst(%dma_wait3A_347 : memref<10240x128xf32, #tpu.memory_space<vmem_shared>>)
        tpu.yield
      }) : () -> ()
      %add3A_102 = arith.constant 2 : i32
      %add3A_103 = arith.addi %add3A_85, %add3A_102 : i32
      %lt3A_104 = arith.constant 80 : i32
      %lt3A_105 = arith.cmpi slt, %add3A_103, %lt3A_104 : i32
      %convert_element_type3A_106 = arith.extui %lt3A_105 : i1 to i32
      %cond3A_107 = arith.constant 0 : i32
      %cond3A_108 = arith.constant 0 : i32
      %cond3A_109 = arith.cmpi ne, %convert_element_type3A_106, %cond3A_108 : i32
      scf.if %cond3A_109 {
        %dma_start3A_327 = arith.constant 2 : i32
        %dma_start3A_328 = arith.constant 0 : i32
        %dma_start3A_329 = arith.constant 0 : i32
        %dma_start3A_330 = arith.constant 0 : i32
        %dma_start3A_331 = tpu.memref_slice %arg9[%dma_start3A_328, %dma_start3A_329, %dma_start3A_330] : memref<2x125x128xf32, #tpu.memory_space<vmem>> -> memref<1x125x128xf32, #tpu.memory_space<vmem>>
        %dma_start3A_332 = tpu.memref_squeeze %dma_start3A_331 : memref<1x125x128xf32, #tpu.memory_space<vmem>> -> memref<125x128xf32, #tpu.memory_space<vmem>>
        %dma_start3A_333 = arith.constant 0 : i32
        %dma_start3A_334 = arith.constant 0 : i32
        %dma_start3A_335 = tpu.memref_slice %arg7[%select_n3A_58, %dma_start3A_333, %dma_start3A_334] : memref<2x8x125xi32, #tpu.memory_space<vmem>> -> memref<1x8x125xi32, #tpu.memory_space<vmem>>
        %dma_start3A_336 = arith.constant 0 : i32
        %dma_start3A_337 = arith.constant 0 : i32
        %dma_start3A_338 = tpu.memref_slice %dma_start3A_335[%cond3A_107, %dma_start3A_336, %dma_start3A_337] : memref<1x8x125xi32, #tpu.memory_space<vmem>> -> memref<1x8x125xi32, #tpu.memory_space<vmem>>
        %dma_start3A_339 = tpu.memref_squeeze %dma_start3A_338 : memref<1x8x125xi32, #tpu.memory_space<vmem>> -> memref<8x125xi32, #tpu.memory_space<vmem>>
        %dma_start3A_340 = arith.constant 0 : i32
        %dma_start3A_341 = tpu.memref_slice %dma_start3A_339[%dma_start3A_327, %dma_start3A_340] : memref<8x125xi32, #tpu.memory_space<vmem>> -> memref<1x125xi32, #tpu.memory_space<vmem>>
        %dma_start3A_342 = tpu.memref_squeeze %dma_start3A_341 : memref<1x125xi32, #tpu.memory_space<vmem>> -> memref<125xi32, #tpu.memory_space<vmem>>
        %dma_start3A_343 = arith.constant 0 : i32
        %dma_start3A_344 = arith.constant 0 : i32
        %dma_start3A_345 = tpu.memref_slice %arg2[%dma_start3A_343, %dma_start3A_344] : memref<10000x128xf32, #tpu.memory_space<hbm>> -> memref<10000x128xf32, #tpu.memory_space<hbm>>
        tpu.enqueue_indirect_dma source(%dma_start3A_345 : memref<10000x128xf32, #tpu.memory_space<hbm>>) target(%dma_start3A_332 : memref<125x128xf32, #tpu.memory_space<vmem>>) offsets(%dma_start3A_342 : memref<125xi32, #tpu.memory_space<vmem>>) semaphore(%arg11 : memref<!tpu.dma_semaphore, #tpu.memory_space<semaphore_mem>>)
      } else {
      }
      %mul3A_110 = arith.constant 8 : i32
      %mul3A_111 = arith.muli %scan3A_49, %mul3A_110 : i32
      %add3A_112 = arith.constant 1 : i32
      %add3A_113 = arith.addi %mul3A_111, %add3A_112 : i32
      %dma_wait3A_114 = arith.constant 0 : i32
      %dma_wait3A_115 = arith.constant 0 : i32
      %dma_wait3A_116 = arith.constant 1 : i32
      %dma_wait3A_117 = arith.constant 0 : i32
      %dma_wait3A_118 = arith.constant 0 : i32
      %dma_wait3A_119 = tpu.memref_slice %arg9[%dma_wait3A_116, %dma_wait3A_117, %dma_wait3A_118] : memref<2x125x128xf32, #tpu.memory_space<vmem>> -> memref<1x125x128xf32, #tpu.memory_space<vmem>>
      %dma_wait3A_120 = tpu.memref_squeeze %dma_wait3A_119 : memref<1x125x128xf32, #tpu.memory_space<vmem>> -> memref<125x128xf32, #tpu.memory_space<vmem>>
      %dma_wait3A_121 = arith.constant 0 : i32
      %dma_wait3A_122 = arith.constant 0 : i32
      %dma_wait3A_123 = tpu.memref_slice %arg7[%dma_wait3A_114, %dma_wait3A_121, %dma_wait3A_122] : memref<2x8x125xi32, #tpu.memory_space<vmem>> -> memref<1x8x125xi32, #tpu.memory_space<vmem>>
      %dma_wait3A_124 = tpu.memref_squeeze %dma_wait3A_123 : memref<1x8x125xi32, #tpu.memory_space<vmem>> -> memref<8x125xi32, #tpu.memory_space<vmem>>
      %dma_wait3A_125 = arith.constant 0 : i32
      %dma_wait3A_126 = tpu.memref_slice %dma_wait3A_124[%dma_wait3A_115, %dma_wait3A_125] : memref<8x125xi32, #tpu.memory_space<vmem>> -> memref<1x125xi32, #tpu.memory_space<vmem>>
      %dma_wait3A_127 = tpu.memref_squeeze %dma_wait3A_126 : memref<1x125xi32, #tpu.memory_space<vmem>> -> memref<125xi32, #tpu.memory_space<vmem>>
      %dma_wait3A_128 = arith.constant 0 : i32
      %dma_wait3A_129 = arith.constant 0 : i32
      %dma_wait3A_130 = tpu.memref_slice %arg2[%dma_wait3A_128, %dma_wait3A_129] : memref<10000x128xf32, #tpu.memory_space<hbm>> -> memref<10000x128xf32, #tpu.memory_space<hbm>>
      tpu.wait_indirect_dma semaphore(%arg12 : memref<!tpu.dma_semaphore, #tpu.memory_space<semaphore_mem>>) src(%dma_wait3A_130 : memref<10000x128xf32, #tpu.memory_space<hbm>>) dst(%dma_wait3A_120 : memref<125x128xf32, #tpu.memory_space<vmem>>)
      %run_scoped3A_131 = arith.constant 1 : i32
      "tpu.region"() ({
        %run_scoped3A_327 = tpu.sem_alloc : memref<!tpu.dma_semaphore, #tpu.memory_space<semaphore_mem>>
        %dma_start3A_328 = arith.constant 0 : i32
        %dma_start3A_329 = arith.constant 0 : i32
        %dma_start3A_330 = tpu.memref_slice %arg9[%run_scoped3A_131, %dma_start3A_328, %dma_start3A_329] : memref<2x125x128xf32, #tpu.memory_space<vmem>> -> memref<1x125x128xf32, #tpu.memory_space<vmem>>
        %dma_start3A_331 = tpu.memref_squeeze %dma_start3A_330 : memref<1x125x128xf32, #tpu.memory_space<vmem>> -> memref<125x128xf32, #tpu.memory_space<vmem>>
        %dma_start3A_332 = arith.constant 0 : i32
        %dma_start3A_333 = tpu.memref_slice %arg8[%add3A_113, %dma_start3A_332] : memref<80x125xi32, #tpu.memory_space<vmem>> -> memref<1x125xi32, #tpu.memory_space<vmem>>
        %dma_start3A_334 = tpu.memref_squeeze %dma_start3A_333 : memref<1x125xi32, #tpu.memory_space<vmem>> -> memref<125xi32, #tpu.memory_space<vmem>>
        %dma_start3A_335 = arith.constant 0 : i32
        %dma_start3A_336 = arith.constant 0 : i32
        %dma_start3A_337 = tpu.memref_slice %arg10[%dma_start3A_335, %dma_start3A_336] : memref<10240x128xf32, #tpu.memory_space<vmem_shared>> -> memref<10240x128xf32, #tpu.memory_space<vmem_shared>>
        tpu.enqueue_indirect_dma source(%dma_start3A_331 : memref<125x128xf32, #tpu.memory_space<vmem>>) target(%dma_start3A_337 : memref<10240x128xf32, #tpu.memory_space<vmem_shared>>) offsets(%dma_start3A_334 : memref<125xi32, #tpu.memory_space<vmem>>) semaphore(%run_scoped3A_327 : memref<!tpu.dma_semaphore, #tpu.memory_space<semaphore_mem>>) {add = true}
        %dma_wait3A_338 = arith.constant 0 : i32
        %dma_wait3A_339 = arith.constant 0 : i32
        %dma_wait3A_340 = tpu.memref_slice %arg9[%run_scoped3A_131, %dma_wait3A_338, %dma_wait3A_339] : memref<2x125x128xf32, #tpu.memory_space<vmem>> -> memref<1x125x128xf32, #tpu.memory_space<vmem>>
        %dma_wait3A_341 = tpu.memref_squeeze %dma_wait3A_340 : memref<1x125x128xf32, #tpu.memory_space<vmem>> -> memref<125x128xf32, #tpu.memory_space<vmem>>
        %dma_wait3A_342 = arith.constant 0 : i32
        %dma_wait3A_343 = tpu.memref_slice %arg8[%add3A_113, %dma_wait3A_342] : memref<80x125xi32, #tpu.memory_space<vmem>> -> memref<1x125xi32, #tpu.memory_space<vmem>>
        %dma_wait3A_344 = tpu.memref_squeeze %dma_wait3A_343 : memref<1x125xi32, #tpu.memory_space<vmem>> -> memref<125xi32, #tpu.memory_space<vmem>>
        %dma_wait3A_345 = arith.constant 0 : i32
        %dma_wait3A_346 = arith.constant 0 : i32
        %dma_wait3A_347 = tpu.memref_slice %arg10[%dma_wait3A_345, %dma_wait3A_346] : memref<10240x128xf32, #tpu.memory_space<vmem_shared>> -> memref<10240x128xf32, #tpu.memory_space<vmem_shared>>
        tpu.wait_indirect_dma semaphore(%run_scoped3A_327 : memref<!tpu.dma_semaphore, #tpu.memory_space<semaphore_mem>>) src(%dma_wait3A_341 : memref<125x128xf32, #tpu.memory_space<vmem>>) dst(%dma_wait3A_347 : memref<10240x128xf32, #tpu.memory_space<vmem_shared>>)
        tpu.yield
      }) : () -> ()
      %add3A_132 = arith.constant 2 : i32
      %add3A_133 = arith.addi %add3A_113, %add3A_132 : i32
      %lt3A_134 = arith.constant 80 : i32
      %lt3A_135 = arith.cmpi slt, %add3A_133, %lt3A_134 : i32
      %convert_element_type3A_136 = arith.extui %lt3A_135 : i1 to i32
      %cond3A_137 = arith.constant 0 : i32
      %cond3A_138 = arith.constant 0 : i32
      %cond3A_139 = arith.cmpi ne, %convert_element_type3A_136, %cond3A_138 : i32
      scf.if %cond3A_139 {
        %dma_start3A_327 = arith.constant 3 : i32
        %dma_start3A_328 = arith.constant 1 : i32
        %dma_start3A_329 = arith.constant 0 : i32
        %dma_start3A_330 = arith.constant 0 : i32
        %dma_start3A_331 = tpu.memref_slice %arg9[%dma_start3A_328, %dma_start3A_329, %dma_start3A_330] : memref<2x125x128xf32, #tpu.memory_space<vmem>> -> memref<1x125x128xf32, #tpu.memory_space<vmem>>
        %dma_start3A_332 = tpu.memref_squeeze %dma_start3A_331 : memref<1x125x128xf32, #tpu.memory_space<vmem>> -> memref<125x128xf32, #tpu.memory_space<vmem>>
        %dma_start3A_333 = arith.constant 0 : i32
        %dma_start3A_334 = arith.constant 0 : i32
        %dma_start3A_335 = tpu.memref_slice %arg7[%select_n3A_58, %dma_start3A_333, %dma_start3A_334] : memref<2x8x125xi32, #tpu.memory_space<vmem>> -> memref<1x8x125xi32, #tpu.memory_space<vmem>>
        %dma_start3A_336 = arith.constant 0 : i32
        %dma_start3A_337 = arith.constant 0 : i32
        %dma_start3A_338 = tpu.memref_slice %dma_start3A_335[%cond3A_137, %dma_start3A_336, %dma_start3A_337] : memref<1x8x125xi32, #tpu.memory_space<vmem>> -> memref<1x8x125xi32, #tpu.memory_space<vmem>>
        %dma_start3A_339 = tpu.memref_squeeze %dma_start3A_338 : memref<1x8x125xi32, #tpu.memory_space<vmem>> -> memref<8x125xi32, #tpu.memory_space<vmem>>
        %dma_start3A_340 = arith.constant 0 : i32
        %dma_start3A_341 = tpu.memref_slice %dma_start3A_339[%dma_start3A_327, %dma_start3A_340] : memref<8x125xi32, #tpu.memory_space<vmem>> -> memref<1x125xi32, #tpu.memory_space<vmem>>
        %dma_start3A_342 = tpu.memref_squeeze %dma_start3A_341 : memref<1x125xi32, #tpu.memory_space<vmem>> -> memref<125xi32, #tpu.memory_space<vmem>>
        %dma_start3A_343 = arith.constant 0 : i32
        %dma_start3A_344 = arith.constant 0 : i32
        %dma_start3A_345 = tpu.memref_slice %arg2[%dma_start3A_343, %dma_start3A_344] : memref<10000x128xf32, #tpu.memory_space<hbm>> -> memref<10000x128xf32, #tpu.memory_space<hbm>>
        tpu.enqueue_indirect_dma source(%dma_start3A_345 : memref<10000x128xf32, #tpu.memory_space<hbm>>) target(%dma_start3A_332 : memref<125x128xf32, #tpu.memory_space<vmem>>) offsets(%dma_start3A_342 : memref<125xi32, #tpu.memory_space<vmem>>) semaphore(%arg12 : memref<!tpu.dma_semaphore, #tpu.memory_space<semaphore_mem>>)
      } else {
      }
      %mul3A_140 = arith.constant 8 : i32
      %mul3A_141 = arith.muli %scan3A_49, %mul3A_140 : i32
      %add3A_142 = arith.constant 2 : i32
      %add3A_143 = arith.addi %mul3A_141, %add3A_142 : i32
      %dma_wait3A_144 = arith.constant 0 : i32
      %dma_wait3A_145 = arith.constant 0 : i32
      %dma_wait3A_146 = arith.constant 0 : i32
      %dma_wait3A_147 = arith.constant 0 : i32
      %dma_wait3A_148 = arith.constant 0 : i32
      %dma_wait3A_149 = tpu.memref_slice %arg9[%dma_wait3A_146, %dma_wait3A_147, %dma_wait3A_148] : memref<2x125x128xf32, #tpu.memory_space<vmem>> -> memref<1x125x128xf32, #tpu.memory_space<vmem>>
      %dma_wait3A_150 = tpu.memref_squeeze %dma_wait3A_149 : memref<1x125x128xf32, #tpu.memory_space<vmem>> -> memref<125x128xf32, #tpu.memory_space<vmem>>
      %dma_wait3A_151 = arith.constant 0 : i32
      %dma_wait3A_152 = arith.constant 0 : i32
      %dma_wait3A_153 = tpu.memref_slice %arg7[%dma_wait3A_144, %dma_wait3A_151, %dma_wait3A_152] : memref<2x8x125xi32, #tpu.memory_space<vmem>> -> memref<1x8x125xi32, #tpu.memory_space<vmem>>
      %dma_wait3A_154 = tpu.memref_squeeze %dma_wait3A_153 : memref<1x8x125xi32, #tpu.memory_space<vmem>> -> memref<8x125xi32, #tpu.memory_space<vmem>>
      %dma_wait3A_155 = arith.constant 0 : i32
      %dma_wait3A_156 = tpu.memref_slice %dma_wait3A_154[%dma_wait3A_145, %dma_wait3A_155] : memref<8x125xi32, #tpu.memory_space<vmem>> -> memref<1x125xi32, #tpu.memory_space<vmem>>
      %dma_wait3A_157 = tpu.memref_squeeze %dma_wait3A_156 : memref<1x125xi32, #tpu.memory_space<vmem>> -> memref<125xi32, #tpu.memory_space<vmem>>
      %dma_wait3A_158 = arith.constant 0 : i32
      %dma_wait3A_159 = arith.constant 0 : i32
      %dma_wait3A_160 = tpu.memref_slice %arg2[%dma_wait3A_158, %dma_wait3A_159] : memref<10000x128xf32, #tpu.memory_space<hbm>> -> memref<10000x128xf32, #tpu.memory_space<hbm>>
      tpu.wait_indirect_dma semaphore(%arg11 : memref<!tpu.dma_semaphore, #tpu.memory_space<semaphore_mem>>) src(%dma_wait3A_160 : memref<10000x128xf32, #tpu.memory_space<hbm>>) dst(%dma_wait3A_150 : memref<125x128xf32, #tpu.memory_space<vmem>>)
      %run_scoped3A_161 = arith.constant 0 : i32
      "tpu.region"() ({
        %run_scoped3A_327 = tpu.sem_alloc : memref<!tpu.dma_semaphore, #tpu.memory_space<semaphore_mem>>
        %dma_start3A_328 = arith.constant 0 : i32
        %dma_start3A_329 = arith.constant 0 : i32
        %dma_start3A_330 = tpu.memref_slice %arg9[%run_scoped3A_161, %dma_start3A_328, %dma_start3A_329] : memref<2x125x128xf32, #tpu.memory_space<vmem>> -> memref<1x125x128xf32, #tpu.memory_space<vmem>>
        %dma_start3A_331 = tpu.memref_squeeze %dma_start3A_330 : memref<1x125x128xf32, #tpu.memory_space<vmem>> -> memref<125x128xf32, #tpu.memory_space<vmem>>
        %dma_start3A_332 = arith.constant 0 : i32
        %dma_start3A_333 = tpu.memref_slice %arg8[%add3A_143, %dma_start3A_332] : memref<80x125xi32, #tpu.memory_space<vmem>> -> memref<1x125xi32, #tpu.memory_space<vmem>>
        %dma_start3A_334 = tpu.memref_squeeze %dma_start3A_333 : memref<1x125xi32, #tpu.memory_space<vmem>> -> memref<125xi32, #tpu.memory_space<vmem>>
        %dma_start3A_335 = arith.constant 0 : i32
        %dma_start3A_336 = arith.constant 0 : i32
        %dma_start3A_337 = tpu.memref_slice %arg10[%dma_start3A_335, %dma_start3A_336] : memref<10240x128xf32, #tpu.memory_space<vmem_shared>> -> memref<10240x128xf32, #tpu.memory_space<vmem_shared>>
        tpu.enqueue_indirect_dma source(%dma_start3A_331 : memref<125x128xf32, #tpu.memory_space<vmem>>) target(%dma_start3A_337 : memref<10240x128xf32, #tpu.memory_space<vmem_shared>>) offsets(%dma_start3A_334 : memref<125xi32, #tpu.memory_space<vmem>>) semaphore(%run_scoped3A_327 : memref<!tpu.dma_semaphore, #tpu.memory_space<semaphore_mem>>) {add = true}
        %dma_wait3A_338 = arith.constant 0 : i32
        %dma_wait3A_339 = arith.constant 0 : i32
        %dma_wait3A_340 = tpu.memref_slice %arg9[%run_scoped3A_161, %dma_wait3A_338, %dma_wait3A_339] : memref<2x125x128xf32, #tpu.memory_space<vmem>> -> memref<1x125x128xf32, #tpu.memory_space<vmem>>
        %dma_wait3A_341 = tpu.memref_squeeze %dma_wait3A_340 : memref<1x125x128xf32, #tpu.memory_space<vmem>> -> memref<125x128xf32, #tpu.memory_space<vmem>>
        %dma_wait3A_342 = arith.constant 0 : i32
        %dma_wait3A_343 = tpu.memref_slice %arg8[%add3A_143, %dma_wait3A_342] : memref<80x125xi32, #tpu.memory_space<vmem>> -> memref<1x125xi32, #tpu.memory_space<vmem>>
        %dma_wait3A_344 = tpu.memref_squeeze %dma_wait3A_343 : memref<1x125xi32, #tpu.memory_space<vmem>> -> memref<125xi32, #tpu.memory_space<vmem>>
        %dma_wait3A_345 = arith.constant 0 : i32
        %dma_wait3A_346 = arith.constant 0 : i32
        %dma_wait3A_347 = tpu.memref_slice %arg10[%dma_wait3A_345, %dma_wait3A_346] : memref<10240x128xf32, #tpu.memory_space<vmem_shared>> -> memref<10240x128xf32, #tpu.memory_space<vmem_shared>>
        tpu.wait_indirect_dma semaphore(%run_scoped3A_327 : memref<!tpu.dma_semaphore, #tpu.memory_space<semaphore_mem>>) src(%dma_wait3A_341 : memref<125x128xf32, #tpu.memory_space<vmem>>) dst(%dma_wait3A_347 : memref<10240x128xf32, #tpu.memory_space<vmem_shared>>)
        tpu.yield
      }) : () -> ()
      %add3A_162 = arith.constant 2 : i32
      %add3A_163 = arith.addi %add3A_143, %add3A_162 : i32
      %lt3A_164 = arith.constant 80 : i32
      %lt3A_165 = arith.cmpi slt, %add3A_163, %lt3A_164 : i32
      %convert_element_type3A_166 = arith.extui %lt3A_165 : i1 to i32
      %cond3A_167 = arith.constant 0 : i32
      %cond3A_168 = arith.constant 0 : i32
      %cond3A_169 = arith.cmpi ne, %convert_element_type3A_166, %cond3A_168 : i32
      scf.if %cond3A_169 {
        %dma_start3A_327 = arith.constant 4 : i32
        %dma_start3A_328 = arith.constant 0 : i32
        %dma_start3A_329 = arith.constant 0 : i32
        %dma_start3A_330 = arith.constant 0 : i32
        %dma_start3A_331 = tpu.memref_slice %arg9[%dma_start3A_328, %dma_start3A_329, %dma_start3A_330] : memref<2x125x128xf32, #tpu.memory_space<vmem>> -> memref<1x125x128xf32, #tpu.memory_space<vmem>>
        %dma_start3A_332 = tpu.memref_squeeze %dma_start3A_331 : memref<1x125x128xf32, #tpu.memory_space<vmem>> -> memref<125x128xf32, #tpu.memory_space<vmem>>
        %dma_start3A_333 = arith.constant 0 : i32
        %dma_start3A_334 = arith.constant 0 : i32
        %dma_start3A_335 = tpu.memref_slice %arg7[%select_n3A_58, %dma_start3A_333, %dma_start3A_334] : memref<2x8x125xi32, #tpu.memory_space<vmem>> -> memref<1x8x125xi32, #tpu.memory_space<vmem>>
        %dma_start3A_336 = arith.constant 0 : i32
        %dma_start3A_337 = arith.constant 0 : i32
        %dma_start3A_338 = tpu.memref_slice %dma_start3A_335[%cond3A_167, %dma_start3A_336, %dma_start3A_337] : memref<1x8x125xi32, #tpu.memory_space<vmem>> -> memref<1x8x125xi32, #tpu.memory_space<vmem>>
        %dma_start3A_339 = tpu.memref_squeeze %dma_start3A_338 : memref<1x8x125xi32, #tpu.memory_space<vmem>> -> memref<8x125xi32, #tpu.memory_space<vmem>>
        %dma_start3A_340 = arith.constant 0 : i32
        %dma_start3A_341 = tpu.memref_slice %dma_start3A_339[%dma_start3A_327, %dma_start3A_340] : memref<8x125xi32, #tpu.memory_space<vmem>> -> memref<1x125xi32, #tpu.memory_space<vmem>>
        %dma_start3A_342 = tpu.memref_squeeze %dma_start3A_341 : memref<1x125xi32, #tpu.memory_space<vmem>> -> memref<125xi32, #tpu.memory_space<vmem>>
        %dma_start3A_343 = arith.constant 0 : i32
        %dma_start3A_344 = arith.constant 0 : i32
        %dma_start3A_345 = tpu.memref_slice %arg2[%dma_start3A_343, %dma_start3A_344] : memref<10000x128xf32, #tpu.memory_space<hbm>> -> memref<10000x128xf32, #tpu.memory_space<hbm>>
        tpu.enqueue_indirect_dma source(%dma_start3A_345 : memref<10000x128xf32, #tpu.memory_space<hbm>>) target(%dma_start3A_332 : memref<125x128xf32, #tpu.memory_space<vmem>>) offsets(%dma_start3A_342 : memref<125xi32, #tpu.memory_space<vmem>>) semaphore(%arg11 : memref<!tpu.dma_semaphore, #tpu.memory_space<semaphore_mem>>)
      } else {
      }
      %mul3A_170 = arith.constant 8 : i32
      %mul3A_171 = arith.muli %scan3A_49, %mul3A_170 : i32
      %add3A_172 = arith.constant 3 : i32
      %add3A_173 = arith.addi %mul3A_171, %add3A_172 : i32
      %dma_wait3A_174 = arith.constant 0 : i32
      %dma_wait3A_175 = arith.constant 0 : i32
      %dma_wait3A_176 = arith.constant 1 : i32
      %dma_wait3A_177 = arith.constant 0 : i32
      %dma_wait3A_178 = arith.constant 0 : i32
      %dma_wait3A_179 = tpu.memref_slice %arg9[%dma_wait3A_176, %dma_wait3A_177, %dma_wait3A_178] : memref<2x125x128xf32, #tpu.memory_space<vmem>> -> memref<1x125x128xf32, #tpu.memory_space<vmem>>
      %dma_wait3A_180 = tpu.memref_squeeze %dma_wait3A_179 : memref<1x125x128xf32, #tpu.memory_space<vmem>> -> memref<125x128xf32, #tpu.memory_space<vmem>>
      %dma_wait3A_181 = arith.constant 0 : i32
      %dma_wait3A_182 = arith.constant 0 : i32
      %dma_wait3A_183 = tpu.memref_slice %arg7[%dma_wait3A_174, %dma_wait3A_181, %dma_wait3A_182] : memref<2x8x125xi32, #tpu.memory_space<vmem>> -> memref<1x8x125xi32, #tpu.memory_space<vmem>>
      %dma_wait3A_184 = tpu.memref_squeeze %dma_wait3A_183 : memref<1x8x125xi32, #tpu.memory_space<vmem>> -> memref<8x125xi32, #tpu.memory_space<vmem>>
      %dma_wait3A_185 = arith.constant 0 : i32
      %dma_wait3A_186 = tpu.memref_slice %dma_wait3A_184[%dma_wait3A_175, %dma_wait3A_185] : memref<8x125xi32, #tpu.memory_space<vmem>> -> memref<1x125xi32, #tpu.memory_space<vmem>>
      %dma_wait3A_187 = tpu.memref_squeeze %dma_wait3A_186 : memref<1x125xi32, #tpu.memory_space<vmem>> -> memref<125xi32, #tpu.memory_space<vmem>>
      %dma_wait3A_188 = arith.constant 0 : i32
      %dma_wait3A_189 = arith.constant 0 : i32
      %dma_wait3A_190 = tpu.memref_slice %arg2[%dma_wait3A_188, %dma_wait3A_189] : memref<10000x128xf32, #tpu.memory_space<hbm>> -> memref<10000x128xf32, #tpu.memory_space<hbm>>
      tpu.wait_indirect_dma semaphore(%arg12 : memref<!tpu.dma_semaphore, #tpu.memory_space<semaphore_mem>>) src(%dma_wait3A_190 : memref<10000x128xf32, #tpu.memory_space<hbm>>) dst(%dma_wait3A_180 : memref<125x128xf32, #tpu.memory_space<vmem>>)
      %run_scoped3A_191 = arith.constant 1 : i32
      "tpu.region"() ({
        %run_scoped3A_327 = tpu.sem_alloc : memref<!tpu.dma_semaphore, #tpu.memory_space<semaphore_mem>>
        %dma_start3A_328 = arith.constant 0 : i32
        %dma_start3A_329 = arith.constant 0 : i32
        %dma_start3A_330 = tpu.memref_slice %arg9[%run_scoped3A_191, %dma_start3A_328, %dma_start3A_329] : memref<2x125x128xf32, #tpu.memory_space<vmem>> -> memref<1x125x128xf32, #tpu.memory_space<vmem>>
        %dma_start3A_331 = tpu.memref_squeeze %dma_start3A_330 : memref<1x125x128xf32, #tpu.memory_space<vmem>> -> memref<125x128xf32, #tpu.memory_space<vmem>>
        %dma_start3A_332 = arith.constant 0 : i32
        %dma_start3A_333 = tpu.memref_slice %arg8[%add3A_173, %dma_start3A_332] : memref<80x125xi32, #tpu.memory_space<vmem>> -> memref<1x125xi32, #tpu.memory_space<vmem>>
        %dma_start3A_334 = tpu.memref_squeeze %dma_start3A_333 : memref<1x125xi32, #tpu.memory_space<vmem>> -> memref<125xi32, #tpu.memory_space<vmem>>
        %dma_start3A_335 = arith.constant 0 : i32
        %dma_start3A_336 = arith.constant 0 : i32
        %dma_start3A_337 = tpu.memref_slice %arg10[%dma_start3A_335, %dma_start3A_336] : memref<10240x128xf32, #tpu.memory_space<vmem_shared>> -> memref<10240x128xf32, #tpu.memory_space<vmem_shared>>
        tpu.enqueue_indirect_dma source(%dma_start3A_331 : memref<125x128xf32, #tpu.memory_space<vmem>>) target(%dma_start3A_337 : memref<10240x128xf32, #tpu.memory_space<vmem_shared>>) offsets(%dma_start3A_334 : memref<125xi32, #tpu.memory_space<vmem>>) semaphore(%run_scoped3A_327 : memref<!tpu.dma_semaphore, #tpu.memory_space<semaphore_mem>>) {add = true}
        %dma_wait3A_338 = arith.constant 0 : i32
        %dma_wait3A_339 = arith.constant 0 : i32
        %dma_wait3A_340 = tpu.memref_slice %arg9[%run_scoped3A_191, %dma_wait3A_338, %dma_wait3A_339] : memref<2x125x128xf32, #tpu.memory_space<vmem>> -> memref<1x125x128xf32, #tpu.memory_space<vmem>>
        %dma_wait3A_341 = tpu.memref_squeeze %dma_wait3A_340 : memref<1x125x128xf32, #tpu.memory_space<vmem>> -> memref<125x128xf32, #tpu.memory_space<vmem>>
        %dma_wait3A_342 = arith.constant 0 : i32
        %dma_wait3A_343 = tpu.memref_slice %arg8[%add3A_173, %dma_wait3A_342] : memref<80x125xi32, #tpu.memory_space<vmem>> -> memref<1x125xi32, #tpu.memory_space<vmem>>
        %dma_wait3A_344 = tpu.memref_squeeze %dma_wait3A_343 : memref<1x125xi32, #tpu.memory_space<vmem>> -> memref<125xi32, #tpu.memory_space<vmem>>
        %dma_wait3A_345 = arith.constant 0 : i32
        %dma_wait3A_346 = arith.constant 0 : i32
        %dma_wait3A_347 = tpu.memref_slice %arg10[%dma_wait3A_345, %dma_wait3A_346] : memref<10240x128xf32, #tpu.memory_space<vmem_shared>> -> memref<10240x128xf32, #tpu.memory_space<vmem_shared>>
        tpu.wait_indirect_dma semaphore(%run_scoped3A_327 : memref<!tpu.dma_semaphore, #tpu.memory_space<semaphore_mem>>) src(%dma_wait3A_341 : memref<125x128xf32, #tpu.memory_space<vmem>>) dst(%dma_wait3A_347 : memref<10240x128xf32, #tpu.memory_space<vmem_shared>>)
        tpu.yield
      }) : () -> ()
      %add3A_192 = arith.constant 2 : i32
      %add3A_193 = arith.addi %add3A_173, %add3A_192 : i32
      %lt3A_194 = arith.constant 80 : i32
      %lt3A_195 = arith.cmpi slt, %add3A_193, %lt3A_194 : i32
      %convert_element_type3A_196 = arith.extui %lt3A_195 : i1 to i32
      %cond3A_197 = arith.constant 0 : i32
      %cond3A_198 = arith.constant 0 : i32
      %cond3A_199 = arith.cmpi ne, %convert_element_type3A_196, %cond3A_198 : i32
      scf.if %cond3A_199 {
        %dma_start3A_327 = arith.constant 5 : i32
        %dma_start3A_328 = arith.constant 1 : i32
        %dma_start3A_329 = arith.constant 0 : i32
        %dma_start3A_330 = arith.constant 0 : i32
        %dma_start3A_331 = tpu.memref_slice %arg9[%dma_start3A_328, %dma_start3A_329, %dma_start3A_330] : memref<2x125x128xf32, #tpu.memory_space<vmem>> -> memref<1x125x128xf32, #tpu.memory_space<vmem>>
        %dma_start3A_332 = tpu.memref_squeeze %dma_start3A_331 : memref<1x125x128xf32, #tpu.memory_space<vmem>> -> memref<125x128xf32, #tpu.memory_space<vmem>>
        %dma_start3A_333 = arith.constant 0 : i32
        %dma_start3A_334 = arith.constant 0 : i32
        %dma_start3A_335 = tpu.memref_slice %arg7[%select_n3A_58, %dma_start3A_333, %dma_start3A_334] : memref<2x8x125xi32, #tpu.memory_space<vmem>> -> memref<1x8x125xi32, #tpu.memory_space<vmem>>
        %dma_start3A_336 = arith.constant 0 : i32
        %dma_start3A_337 = arith.constant 0 : i32
        %dma_start3A_338 = tpu.memref_slice %dma_start3A_335[%cond3A_197, %dma_start3A_336, %dma_start3A_337] : memref<1x8x125xi32, #tpu.memory_space<vmem>> -> memref<1x8x125xi32, #tpu.memory_space<vmem>>
        %dma_start3A_339 = tpu.memref_squeeze %dma_start3A_338 : memref<1x8x125xi32, #tpu.memory_space<vmem>> -> memref<8x125xi32, #tpu.memory_space<vmem>>
        %dma_start3A_340 = arith.constant 0 : i32
        %dma_start3A_341 = tpu.memref_slice %dma_start3A_339[%dma_start3A_327, %dma_start3A_340] : memref<8x125xi32, #tpu.memory_space<vmem>> -> memref<1x125xi32, #tpu.memory_space<vmem>>
        %dma_start3A_342 = tpu.memref_squeeze %dma_start3A_341 : memref<1x125xi32, #tpu.memory_space<vmem>> -> memref<125xi32, #tpu.memory_space<vmem>>
        %dma_start3A_343 = arith.constant 0 : i32
        %dma_start3A_344 = arith.constant 0 : i32
        %dma_start3A_345 = tpu.memref_slice %arg2[%dma_start3A_343, %dma_start3A_344] : memref<10000x128xf32, #tpu.memory_space<hbm>> -> memref<10000x128xf32, #tpu.memory_space<hbm>>
        tpu.enqueue_indirect_dma source(%dma_start3A_345 : memref<10000x128xf32, #tpu.memory_space<hbm>>) target(%dma_start3A_332 : memref<125x128xf32, #tpu.memory_space<vmem>>) offsets(%dma_start3A_342 : memref<125xi32, #tpu.memory_space<vmem>>) semaphore(%arg12 : memref<!tpu.dma_semaphore, #tpu.memory_space<semaphore_mem>>)
      } else {
      }
      %mul3A_200 = arith.constant 8 : i32
      %mul3A_201 = arith.muli %scan3A_49, %mul3A_200 : i32
      %add3A_202 = arith.constant 4 : i32
      %add3A_203 = arith.addi %mul3A_201, %add3A_202 : i32
      %dma_wait3A_204 = arith.constant 0 : i32
      %dma_wait3A_205 = arith.constant 0 : i32
      %dma_wait3A_206 = arith.constant 0 : i32
      %dma_wait3A_207 = arith.constant 0 : i32
      %dma_wait3A_208 = arith.constant 0 : i32
      %dma_wait3A_209 = tpu.memref_slice %arg9[%dma_wait3A_206, %dma_wait3A_207, %dma_wait3A_208] : memref<2x125x128xf32, #tpu.memory_space<vmem>> -> memref<1x125x128xf32, #tpu.memory_space<vmem>>
      %dma_wait3A_210 = tpu.memref_squeeze %dma_wait3A_209 : memref<1x125x128xf32, #tpu.memory_space<vmem>> -> memref<125x128xf32, #tpu.memory_space<vmem>>
      %dma_wait3A_211 = arith.constant 0 : i32
      %dma_wait3A_212 = arith.constant 0 : i32
      %dma_wait3A_213 = tpu.memref_slice %arg7[%dma_wait3A_204, %dma_wait3A_211, %dma_wait3A_212] : memref<2x8x125xi32, #tpu.memory_space<vmem>> -> memref<1x8x125xi32, #tpu.memory_space<vmem>>
      %dma_wait3A_214 = tpu.memref_squeeze %dma_wait3A_213 : memref<1x8x125xi32, #tpu.memory_space<vmem>> -> memref<8x125xi32, #tpu.memory_space<vmem>>
      %dma_wait3A_215 = arith.constant 0 : i32
      %dma_wait3A_216 = tpu.memref_slice %dma_wait3A_214[%dma_wait3A_205, %dma_wait3A_215] : memref<8x125xi32, #tpu.memory_space<vmem>> -> memref<1x125xi32, #tpu.memory_space<vmem>>
      %dma_wait3A_217 = tpu.memref_squeeze %dma_wait3A_216 : memref<1x125xi32, #tpu.memory_space<vmem>> -> memref<125xi32, #tpu.memory_space<vmem>>
      %dma_wait3A_218 = arith.constant 0 : i32
      %dma_wait3A_219 = arith.constant 0 : i32
      %dma_wait3A_220 = tpu.memref_slice %arg2[%dma_wait3A_218, %dma_wait3A_219] : memref<10000x128xf32, #tpu.memory_space<hbm>> -> memref<10000x128xf32, #tpu.memory_space<hbm>>
      tpu.wait_indirect_dma semaphore(%arg11 : memref<!tpu.dma_semaphore, #tpu.memory_space<semaphore_mem>>) src(%dma_wait3A_220 : memref<10000x128xf32, #tpu.memory_space<hbm>>) dst(%dma_wait3A_210 : memref<125x128xf32, #tpu.memory_space<vmem>>)
      %run_scoped3A_221 = arith.constant 0 : i32
      "tpu.region"() ({
        %run_scoped3A_327 = tpu.sem_alloc : memref<!tpu.dma_semaphore, #tpu.memory_space<semaphore_mem>>
        %dma_start3A_328 = arith.constant 0 : i32
        %dma_start3A_329 = arith.constant 0 : i32
        %dma_start3A_330 = tpu.memref_slice %arg9[%run_scoped3A_221, %dma_start3A_328, %dma_start3A_329] : memref<2x125x128xf32, #tpu.memory_space<vmem>> -> memref<1x125x128xf32, #tpu.memory_space<vmem>>
        %dma_start3A_331 = tpu.memref_squeeze %dma_start3A_330 : memref<1x125x128xf32, #tpu.memory_space<vmem>> -> memref<125x128xf32, #tpu.memory_space<vmem>>
        %dma_start3A_332 = arith.constant 0 : i32
        %dma_start3A_333 = tpu.memref_slice %arg8[%add3A_203, %dma_start3A_332] : memref<80x125xi32, #tpu.memory_space<vmem>> -> memref<1x125xi32, #tpu.memory_space<vmem>>
        %dma_start3A_334 = tpu.memref_squeeze %dma_start3A_333 : memref<1x125xi32, #tpu.memory_space<vmem>> -> memref<125xi32, #tpu.memory_space<vmem>>
        %dma_start3A_335 = arith.constant 0 : i32
        %dma_start3A_336 = arith.constant 0 : i32
        %dma_start3A_337 = tpu.memref_slice %arg10[%dma_start3A_335, %dma_start3A_336] : memref<10240x128xf32, #tpu.memory_space<vmem_shared>> -> memref<10240x128xf32, #tpu.memory_space<vmem_shared>>
        tpu.enqueue_indirect_dma source(%dma_start3A_331 : memref<125x128xf32, #tpu.memory_space<vmem>>) target(%dma_start3A_337 : memref<10240x128xf32, #tpu.memory_space<vmem_shared>>) offsets(%dma_start3A_334 : memref<125xi32, #tpu.memory_space<vmem>>) semaphore(%run_scoped3A_327 : memref<!tpu.dma_semaphore, #tpu.memory_space<semaphore_mem>>) {add = true}
        %dma_wait3A_338 = arith.constant 0 : i32
        %dma_wait3A_339 = arith.constant 0 : i32
        %dma_wait3A_340 = tpu.memref_slice %arg9[%run_scoped3A_221, %dma_wait3A_338, %dma_wait3A_339] : memref<2x125x128xf32, #tpu.memory_space<vmem>> -> memref<1x125x128xf32, #tpu.memory_space<vmem>>
        %dma_wait3A_341 = tpu.memref_squeeze %dma_wait3A_340 : memref<1x125x128xf32, #tpu.memory_space<vmem>> -> memref<125x128xf32, #tpu.memory_space<vmem>>
        %dma_wait3A_342 = arith.constant 0 : i32
        %dma_wait3A_343 = tpu.memref_slice %arg8[%add3A_203, %dma_wait3A_342] : memref<80x125xi32, #tpu.memory_space<vmem>> -> memref<1x125xi32, #tpu.memory_space<vmem>>
        %dma_wait3A_344 = tpu.memref_squeeze %dma_wait3A_343 : memref<1x125xi32, #tpu.memory_space<vmem>> -> memref<125xi32, #tpu.memory_space<vmem>>
        %dma_wait3A_345 = arith.constant 0 : i32
        %dma_wait3A_346 = arith.constant 0 : i32
        %dma_wait3A_347 = tpu.memref_slice %arg10[%dma_wait3A_345, %dma_wait3A_346] : memref<10240x128xf32, #tpu.memory_space<vmem_shared>> -> memref<10240x128xf32, #tpu.memory_space<vmem_shared>>
        tpu.wait_indirect_dma semaphore(%run_scoped3A_327 : memref<!tpu.dma_semaphore, #tpu.memory_space<semaphore_mem>>) src(%dma_wait3A_341 : memref<125x128xf32, #tpu.memory_space<vmem>>) dst(%dma_wait3A_347 : memref<10240x128xf32, #tpu.memory_space<vmem_shared>>)
        tpu.yield
      }) : () -> ()
      %add3A_222 = arith.constant 2 : i32
      %add3A_223 = arith.addi %add3A_203, %add3A_222 : i32
      %lt3A_224 = arith.constant 80 : i32
      %lt3A_225 = arith.cmpi slt, %add3A_223, %lt3A_224 : i32
      %convert_element_type3A_226 = arith.extui %lt3A_225 : i1 to i32
      %cond3A_227 = arith.constant 0 : i32
      %cond3A_228 = arith.constant 0 : i32
      %cond3A_229 = arith.cmpi ne, %convert_element_type3A_226, %cond3A_228 : i32
      scf.if %cond3A_229 {
        %dma_start3A_327 = arith.constant 6 : i32
        %dma_start3A_328 = arith.constant 0 : i32
        %dma_start3A_329 = arith.constant 0 : i32
        %dma_start3A_330 = arith.constant 0 : i32
        %dma_start3A_331 = tpu.memref_slice %arg9[%dma_start3A_328, %dma_start3A_329, %dma_start3A_330] : memref<2x125x128xf32, #tpu.memory_space<vmem>> -> memref<1x125x128xf32, #tpu.memory_space<vmem>>
        %dma_start3A_332 = tpu.memref_squeeze %dma_start3A_331 : memref<1x125x128xf32, #tpu.memory_space<vmem>> -> memref<125x128xf32, #tpu.memory_space<vmem>>
        %dma_start3A_333 = arith.constant 0 : i32
        %dma_start3A_334 = arith.constant 0 : i32
        %dma_start3A_335 = tpu.memref_slice %arg7[%select_n3A_58, %dma_start3A_333, %dma_start3A_334] : memref<2x8x125xi32, #tpu.memory_space<vmem>> -> memref<1x8x125xi32, #tpu.memory_space<vmem>>
        %dma_start3A_336 = arith.constant 0 : i32
        %dma_start3A_337 = arith.constant 0 : i32
        %dma_start3A_338 = tpu.memref_slice %dma_start3A_335[%cond3A_227, %dma_start3A_336, %dma_start3A_337] : memref<1x8x125xi32, #tpu.memory_space<vmem>> -> memref<1x8x125xi32, #tpu.memory_space<vmem>>
        %dma_start3A_339 = tpu.memref_squeeze %dma_start3A_338 : memref<1x8x125xi32, #tpu.memory_space<vmem>> -> memref<8x125xi32, #tpu.memory_space<vmem>>
        %dma_start3A_340 = arith.constant 0 : i32
        %dma_start3A_341 = tpu.memref_slice %dma_start3A_339[%dma_start3A_327, %dma_start3A_340] : memref<8x125xi32, #tpu.memory_space<vmem>> -> memref<1x125xi32, #tpu.memory_space<vmem>>
        %dma_start3A_342 = tpu.memref_squeeze %dma_start3A_341 : memref<1x125xi32, #tpu.memory_space<vmem>> -> memref<125xi32, #tpu.memory_space<vmem>>
        %dma_start3A_343 = arith.constant 0 : i32
        %dma_start3A_344 = arith.constant 0 : i32
        %dma_start3A_345 = tpu.memref_slice %arg2[%dma_start3A_343, %dma_start3A_344] : memref<10000x128xf32, #tpu.memory_space<hbm>> -> memref<10000x128xf32, #tpu.memory_space<hbm>>
        tpu.enqueue_indirect_dma source(%dma_start3A_345 : memref<10000x128xf32, #tpu.memory_space<hbm>>) target(%dma_start3A_332 : memref<125x128xf32, #tpu.memory_space<vmem>>) offsets(%dma_start3A_342 : memref<125xi32, #tpu.memory_space<vmem>>) semaphore(%arg11 : memref<!tpu.dma_semaphore, #tpu.memory_space<semaphore_mem>>)
      } else {
      }
      %mul3A_230 = arith.constant 8 : i32
      %mul3A_231 = arith.muli %scan3A_49, %mul3A_230 : i32
      %add3A_232 = arith.constant 5 : i32
      %add3A_233 = arith.addi %mul3A_231, %add3A_232 : i32
      %dma_wait3A_234 = arith.constant 0 : i32
      %dma_wait3A_235 = arith.constant 0 : i32
      %dma_wait3A_236 = arith.constant 1 : i32
      %dma_wait3A_237 = arith.constant 0 : i32
      %dma_wait3A_238 = arith.constant 0 : i32
      %dma_wait3A_239 = tpu.memref_slice %arg9[%dma_wait3A_236, %dma_wait3A_237, %dma_wait3A_238] : memref<2x125x128xf32, #tpu.memory_space<vmem>> -> memref<1x125x128xf32, #tpu.memory_space<vmem>>
      %dma_wait3A_240 = tpu.memref_squeeze %dma_wait3A_239 : memref<1x125x128xf32, #tpu.memory_space<vmem>> -> memref<125x128xf32, #tpu.memory_space<vmem>>
      %dma_wait3A_241 = arith.constant 0 : i32
      %dma_wait3A_242 = arith.constant 0 : i32
      %dma_wait3A_243 = tpu.memref_slice %arg7[%dma_wait3A_234, %dma_wait3A_241, %dma_wait3A_242] : memref<2x8x125xi32, #tpu.memory_space<vmem>> -> memref<1x8x125xi32, #tpu.memory_space<vmem>>
      %dma_wait3A_244 = tpu.memref_squeeze %dma_wait3A_243 : memref<1x8x125xi32, #tpu.memory_space<vmem>> -> memref<8x125xi32, #tpu.memory_space<vmem>>
      %dma_wait3A_245 = arith.constant 0 : i32
      %dma_wait3A_246 = tpu.memref_slice %dma_wait3A_244[%dma_wait3A_235, %dma_wait3A_245] : memref<8x125xi32, #tpu.memory_space<vmem>> -> memref<1x125xi32, #tpu.memory_space<vmem>>
      %dma_wait3A_247 = tpu.memref_squeeze %dma_wait3A_246 : memref<1x125xi32, #tpu.memory_space<vmem>> -> memref<125xi32, #tpu.memory_space<vmem>>
      %dma_wait3A_248 = arith.constant 0 : i32
      %dma_wait3A_249 = arith.constant 0 : i32
      %dma_wait3A_250 = tpu.memref_slice %arg2[%dma_wait3A_248, %dma_wait3A_249] : memref<10000x128xf32, #tpu.memory_space<hbm>> -> memref<10000x128xf32, #tpu.memory_space<hbm>>
      tpu.wait_indirect_dma semaphore(%arg12 : memref<!tpu.dma_semaphore, #tpu.memory_space<semaphore_mem>>) src(%dma_wait3A_250 : memref<10000x128xf32, #tpu.memory_space<hbm>>) dst(%dma_wait3A_240 : memref<125x128xf32, #tpu.memory_space<vmem>>)
      %run_scoped3A_251 = arith.constant 1 : i32
      "tpu.region"() ({
        %run_scoped3A_327 = tpu.sem_alloc : memref<!tpu.dma_semaphore, #tpu.memory_space<semaphore_mem>>
        %dma_start3A_328 = arith.constant 0 : i32
        %dma_start3A_329 = arith.constant 0 : i32
        %dma_start3A_330 = tpu.memref_slice %arg9[%run_scoped3A_251, %dma_start3A_328, %dma_start3A_329] : memref<2x125x128xf32, #tpu.memory_space<vmem>> -> memref<1x125x128xf32, #tpu.memory_space<vmem>>
        %dma_start3A_331 = tpu.memref_squeeze %dma_start3A_330 : memref<1x125x128xf32, #tpu.memory_space<vmem>> -> memref<125x128xf32, #tpu.memory_space<vmem>>
        %dma_start3A_332 = arith.constant 0 : i32
        %dma_start3A_333 = tpu.memref_slice %arg8[%add3A_233, %dma_start3A_332] : memref<80x125xi32, #tpu.memory_space<vmem>> -> memref<1x125xi32, #tpu.memory_space<vmem>>
        %dma_start3A_334 = tpu.memref_squeeze %dma_start3A_333 : memref<1x125xi32, #tpu.memory_space<vmem>> -> memref<125xi32, #tpu.memory_space<vmem>>
        %dma_start3A_335 = arith.constant 0 : i32
        %dma_start3A_336 = arith.constant 0 : i32
        %dma_start3A_337 = tpu.memref_slice %arg10[%dma_start3A_335, %dma_start3A_336] : memref<10240x128xf32, #tpu.memory_space<vmem_shared>> -> memref<10240x128xf32, #tpu.memory_space<vmem_shared>>
        tpu.enqueue_indirect_dma source(%dma_start3A_331 : memref<125x128xf32, #tpu.memory_space<vmem>>) target(%dma_start3A_337 : memref<10240x128xf32, #tpu.memory_space<vmem_shared>>) offsets(%dma_start3A_334 : memref<125xi32, #tpu.memory_space<vmem>>) semaphore(%run_scoped3A_327 : memref<!tpu.dma_semaphore, #tpu.memory_space<semaphore_mem>>) {add = true}
        %dma_wait3A_338 = arith.constant 0 : i32
        %dma_wait3A_339 = arith.constant 0 : i32
        %dma_wait3A_340 = tpu.memref_slice %arg9[%run_scoped3A_251, %dma_wait3A_338, %dma_wait3A_339] : memref<2x125x128xf32, #tpu.memory_space<vmem>> -> memref<1x125x128xf32, #tpu.memory_space<vmem>>
        %dma_wait3A_341 = tpu.memref_squeeze %dma_wait3A_340 : memref<1x125x128xf32, #tpu.memory_space<vmem>> -> memref<125x128xf32, #tpu.memory_space<vmem>>
        %dma_wait3A_342 = arith.constant 0 : i32
        %dma_wait3A_343 = tpu.memref_slice %arg8[%add3A_233, %dma_wait3A_342] : memref<80x125xi32, #tpu.memory_space<vmem>> -> memref<1x125xi32, #tpu.memory_space<vmem>>
        %dma_wait3A_344 = tpu.memref_squeeze %dma_wait3A_343 : memref<1x125xi32, #tpu.memory_space<vmem>> -> memref<125xi32, #tpu.memory_space<vmem>>
        %dma_wait3A_345 = arith.constant 0 : i32
        %dma_wait3A_346 = arith.constant 0 : i32
        %dma_wait3A_347 = tpu.memref_slice %arg10[%dma_wait3A_345, %dma_wait3A_346] : memref<10240x128xf32, #tpu.memory_space<vmem_shared>> -> memref<10240x128xf32, #tpu.memory_space<vmem_shared>>
        tpu.wait_indirect_dma semaphore(%run_scoped3A_327 : memref<!tpu.dma_semaphore, #tpu.memory_space<semaphore_mem>>) src(%dma_wait3A_341 : memref<125x128xf32, #tpu.memory_space<vmem>>) dst(%dma_wait3A_347 : memref<10240x128xf32, #tpu.memory_space<vmem_shared>>)
        tpu.yield
      }) : () -> ()
      %add3A_252 = arith.constant 2 : i32
      %add3A_253 = arith.addi %add3A_233, %add3A_252 : i32
      %lt3A_254 = arith.constant 80 : i32
      %lt3A_255 = arith.cmpi slt, %add3A_253, %lt3A_254 : i32
      %convert_element_type3A_256 = arith.extui %lt3A_255 : i1 to i32
      %cond3A_257 = arith.constant 0 : i32
      %cond3A_258 = arith.constant 0 : i32
      %cond3A_259 = arith.cmpi ne, %convert_element_type3A_256, %cond3A_258 : i32
      scf.if %cond3A_259 {
        %dma_start3A_327 = arith.constant 7 : i32
        %dma_start3A_328 = arith.constant 1 : i32
        %dma_start3A_329 = arith.constant 0 : i32
        %dma_start3A_330 = arith.constant 0 : i32
        %dma_start3A_331 = tpu.memref_slice %arg9[%dma_start3A_328, %dma_start3A_329, %dma_start3A_330] : memref<2x125x128xf32, #tpu.memory_space<vmem>> -> memref<1x125x128xf32, #tpu.memory_space<vmem>>
        %dma_start3A_332 = tpu.memref_squeeze %dma_start3A_331 : memref<1x125x128xf32, #tpu.memory_space<vmem>> -> memref<125x128xf32, #tpu.memory_space<vmem>>
        %dma_start3A_333 = arith.constant 0 : i32
        %dma_start3A_334 = arith.constant 0 : i32
        %dma_start3A_335 = tpu.memref_slice %arg7[%select_n3A_58, %dma_start3A_333, %dma_start3A_334] : memref<2x8x125xi32, #tpu.memory_space<vmem>> -> memref<1x8x125xi32, #tpu.memory_space<vmem>>
        %dma_start3A_336 = arith.constant 0 : i32
        %dma_start3A_337 = arith.constant 0 : i32
        %dma_start3A_338 = tpu.memref_slice %dma_start3A_335[%cond3A_257, %dma_start3A_336, %dma_start3A_337] : memref<1x8x125xi32, #tpu.memory_space<vmem>> -> memref<1x8x125xi32, #tpu.memory_space<vmem>>
        %dma_start3A_339 = tpu.memref_squeeze %dma_start3A_338 : memref<1x8x125xi32, #tpu.memory_space<vmem>> -> memref<8x125xi32, #tpu.memory_space<vmem>>
        %dma_start3A_340 = arith.constant 0 : i32
        %dma_start3A_341 = tpu.memref_slice %dma_start3A_339[%dma_start3A_327, %dma_start3A_340] : memref<8x125xi32, #tpu.memory_space<vmem>> -> memref<1x125xi32, #tpu.memory_space<vmem>>
        %dma_start3A_342 = tpu.memref_squeeze %dma_start3A_341 : memref<1x125xi32, #tpu.memory_space<vmem>> -> memref<125xi32, #tpu.memory_space<vmem>>
        %dma_start3A_343 = arith.constant 0 : i32
        %dma_start3A_344 = arith.constant 0 : i32
        %dma_start3A_345 = tpu.memref_slice %arg2[%dma_start3A_343, %dma_start3A_344] : memref<10000x128xf32, #tpu.memory_space<hbm>> -> memref<10000x128xf32, #tpu.memory_space<hbm>>
        tpu.enqueue_indirect_dma source(%dma_start3A_345 : memref<10000x128xf32, #tpu.memory_space<hbm>>) target(%dma_start3A_332 : memref<125x128xf32, #tpu.memory_space<vmem>>) offsets(%dma_start3A_342 : memref<125xi32, #tpu.memory_space<vmem>>) semaphore(%arg12 : memref<!tpu.dma_semaphore, #tpu.memory_space<semaphore_mem>>)
      } else {
      }
      %mul3A_260 = arith.constant 8 : i32
      %mul3A_261 = arith.muli %scan3A_49, %mul3A_260 : i32
      %add3A_262 = arith.constant 6 : i32
      %add3A_263 = arith.addi %mul3A_261, %add3A_262 : i32
      %dma_wait3A_264 = arith.constant 0 : i32
      %dma_wait3A_265 = arith.constant 0 : i32
      %dma_wait3A_266 = arith.constant 0 : i32
      %dma_wait3A_267 = arith.constant 0 : i32
      %dma_wait3A_268 = arith.constant 0 : i32
      %dma_wait3A_269 = tpu.memref_slice %arg9[%dma_wait3A_266, %dma_wait3A_267, %dma_wait3A_268] : memref<2x125x128xf32, #tpu.memory_space<vmem>> -> memref<1x125x128xf32, #tpu.memory_space<vmem>>
      %dma_wait3A_270 = tpu.memref_squeeze %dma_wait3A_269 : memref<1x125x128xf32, #tpu.memory_space<vmem>> -> memref<125x128xf32, #tpu.memory_space<vmem>>
      %dma_wait3A_271 = arith.constant 0 : i32
      %dma_wait3A_272 = arith.constant 0 : i32
      %dma_wait3A_273 = tpu.memref_slice %arg7[%dma_wait3A_264, %dma_wait3A_271, %dma_wait3A_272] : memref<2x8x125xi32, #tpu.memory_space<vmem>> -> memref<1x8x125xi32, #tpu.memory_space<vmem>>
      %dma_wait3A_274 = tpu.memref_squeeze %dma_wait3A_273 : memref<1x8x125xi32, #tpu.memory_space<vmem>> -> memref<8x125xi32, #tpu.memory_space<vmem>>
      %dma_wait3A_275 = arith.constant 0 : i32
      %dma_wait3A_276 = tpu.memref_slice %dma_wait3A_274[%dma_wait3A_265, %dma_wait3A_275] : memref<8x125xi32, #tpu.memory_space<vmem>> -> memref<1x125xi32, #tpu.memory_space<vmem>>
      %dma_wait3A_277 = tpu.memref_squeeze %dma_wait3A_276 : memref<1x125xi32, #tpu.memory_space<vmem>> -> memref<125xi32, #tpu.memory_space<vmem>>
      %dma_wait3A_278 = arith.constant 0 : i32
      %dma_wait3A_279 = arith.constant 0 : i32
      %dma_wait3A_280 = tpu.memref_slice %arg2[%dma_wait3A_278, %dma_wait3A_279] : memref<10000x128xf32, #tpu.memory_space<hbm>> -> memref<10000x128xf32, #tpu.memory_space<hbm>>
      tpu.wait_indirect_dma semaphore(%arg11 : memref<!tpu.dma_semaphore, #tpu.memory_space<semaphore_mem>>) src(%dma_wait3A_280 : memref<10000x128xf32, #tpu.memory_space<hbm>>) dst(%dma_wait3A_270 : memref<125x128xf32, #tpu.memory_space<vmem>>)
      %run_scoped3A_281 = arith.constant 0 : i32
      "tpu.region"() ({
        %run_scoped3A_327 = tpu.sem_alloc : memref<!tpu.dma_semaphore, #tpu.memory_space<semaphore_mem>>
        %dma_start3A_328 = arith.constant 0 : i32
        %dma_start3A_329 = arith.constant 0 : i32
        %dma_start3A_330 = tpu.memref_slice %arg9[%run_scoped3A_281, %dma_start3A_328, %dma_start3A_329] : memref<2x125x128xf32, #tpu.memory_space<vmem>> -> memref<1x125x128xf32, #tpu.memory_space<vmem>>
        %dma_start3A_331 = tpu.memref_squeeze %dma_start3A_330 : memref<1x125x128xf32, #tpu.memory_space<vmem>> -> memref<125x128xf32, #tpu.memory_space<vmem>>
        %dma_start3A_332 = arith.constant 0 : i32
        %dma_start3A_333 = tpu.memref_slice %arg8[%add3A_263, %dma_start3A_332] : memref<80x125xi32, #tpu.memory_space<vmem>> -> memref<1x125xi32, #tpu.memory_space<vmem>>
        %dma_start3A_334 = tpu.memref_squeeze %dma_start3A_333 : memref<1x125xi32, #tpu.memory_space<vmem>> -> memref<125xi32, #tpu.memory_space<vmem>>
        %dma_start3A_335 = arith.constant 0 : i32
        %dma_start3A_336 = arith.constant 0 : i32
        %dma_start3A_337 = tpu.memref_slice %arg10[%dma_start3A_335, %dma_start3A_336] : memref<10240x128xf32, #tpu.memory_space<vmem_shared>> -> memref<10240x128xf32, #tpu.memory_space<vmem_shared>>
        tpu.enqueue_indirect_dma source(%dma_start3A_331 : memref<125x128xf32, #tpu.memory_space<vmem>>) target(%dma_start3A_337 : memref<10240x128xf32, #tpu.memory_space<vmem_shared>>) offsets(%dma_start3A_334 : memref<125xi32, #tpu.memory_space<vmem>>) semaphore(%run_scoped3A_327 : memref<!tpu.dma_semaphore, #tpu.memory_space<semaphore_mem>>) {add = true}
        %dma_wait3A_338 = arith.constant 0 : i32
        %dma_wait3A_339 = arith.constant 0 : i32
        %dma_wait3A_340 = tpu.memref_slice %arg9[%run_scoped3A_281, %dma_wait3A_338, %dma_wait3A_339] : memref<2x125x128xf32, #tpu.memory_space<vmem>> -> memref<1x125x128xf32, #tpu.memory_space<vmem>>
        %dma_wait3A_341 = tpu.memref_squeeze %dma_wait3A_340 : memref<1x125x128xf32, #tpu.memory_space<vmem>> -> memref<125x128xf32, #tpu.memory_space<vmem>>
        %dma_wait3A_342 = arith.constant 0 : i32
        %dma_wait3A_343 = tpu.memref_slice %arg8[%add3A_263, %dma_wait3A_342] : memref<80x125xi32, #tpu.memory_space<vmem>> -> memref<1x125xi32, #tpu.memory_space<vmem>>
        %dma_wait3A_344 = tpu.memref_squeeze %dma_wait3A_343 : memref<1x125xi32, #tpu.memory_space<vmem>> -> memref<125xi32, #tpu.memory_space<vmem>>
        %dma_wait3A_345 = arith.constant 0 : i32
        %dma_wait3A_346 = arith.constant 0 : i32
        %dma_wait3A_347 = tpu.memref_slice %arg10[%dma_wait3A_345, %dma_wait3A_346] : memref<10240x128xf32, #tpu.memory_space<vmem_shared>> -> memref<10240x128xf32, #tpu.memory_space<vmem_shared>>
        tpu.wait_indirect_dma semaphore(%run_scoped3A_327 : memref<!tpu.dma_semaphore, #tpu.memory_space<semaphore_mem>>) src(%dma_wait3A_341 : memref<125x128xf32, #tpu.memory_space<vmem>>) dst(%dma_wait3A_347 : memref<10240x128xf32, #tpu.memory_space<vmem_shared>>)
        tpu.yield
      }) : () -> ()
      %add3A_282 = arith.constant 1 : i32
      %add3A_283 = arith.addi %scan3A_49, %add3A_282 : i32
      %lt3A_284 = arith.constant 10 : i32
      %lt3A_285 = arith.cmpi slt, %add3A_283, %lt3A_284 : i32
      %convert_element_type3A_286 = arith.extui %lt3A_285 : i1 to i32
      %cond3A_287 = arith.constant 0 : i32
      %cond3A_288 = arith.cmpi ne, %convert_element_type3A_286, %cond3A_287 : i32
      scf.if %cond3A_288 {
        %dma_wait3A_327 = arith.constant 0 : i32
        %dma_wait3A_328 = arith.constant 0 : i32
        %dma_wait3A_329 = tpu.memref_slice %arg7[%select_n3A_76, %dma_wait3A_327, %dma_wait3A_328] : memref<2x8x125xi32, #tpu.memory_space<vmem>> -> memref<1x8x125xi32, #tpu.memory_space<vmem>>
        %dma_wait3A_330 = arith.constant 0 : i32
        %dma_wait3A_331 = arith.constant 0 : i32
        %dma_wait3A_332 = arith.constant 0 : i32
        %dma_wait3A_333 = tpu.memref_slice %arg3[%dma_wait3A_330, %dma_wait3A_331, %dma_wait3A_332] : memref<320x8x125xi32, #tpu.memory_space<hbm>> -> memref<1x8x125xi32, #tpu.memory_space<hbm>>
        %dma_wait3A_334 = arith.constant 0 : i32
        %dma_wait3A_335 = arith.constant 0 : i32
        %dma_wait3A_336 = tpu.memref_slice %arg7[%select_n3A_76, %dma_wait3A_334, %dma_wait3A_335] : memref<2x8x125xi32, #tpu.memory_space<vmem>> -> memref<1x8x125xi32, #tpu.memory_space<vmem>>
        %dma_wait3A_337 = arith.constant 0 : i32
        %dma_wait3A_338 = arith.constant 0 : i32
        %dma_wait3A_339 = arith.constant 0 : i32
        %dma_wait3A_340 = tpu.memref_slice %arg3[%dma_wait3A_337, %dma_wait3A_338, %dma_wait3A_339] : memref<320x8x125xi32, #tpu.memory_space<hbm>> -> memref<1x8x125xi32, #tpu.memory_space<hbm>>
        tpu.wait_dma2 semaphore(%arg13 : memref<!tpu.dma_semaphore, #tpu.memory_space<semaphore_mem>>) src(%dma_wait3A_340 : memref<1x8x125xi32, #tpu.memory_space<hbm>>) dst(%dma_wait3A_336 : memref<1x8x125xi32, #tpu.memory_space<vmem>>)
      } else {
      }
      %add3A_289 = arith.constant 2 : i32
      %add3A_290 = arith.addi %add3A_263, %add3A_289 : i32
      %lt3A_291 = arith.constant 80 : i32
      %lt3A_292 = arith.cmpi slt, %add3A_290, %lt3A_291 : i32
      %convert_element_type3A_293 = arith.extui %lt3A_292 : i1 to i32
      %cond3A_294 = arith.constant 0 : i32
      %cond3A_295 = arith.constant 0 : i32
      %cond3A_296 = arith.cmpi ne, %convert_element_type3A_293, %cond3A_295 : i32
      scf.if %cond3A_296 {
        %dma_start3A_327 = arith.constant 0 : i32
        %dma_start3A_328 = arith.constant 0 : i32
        %dma_start3A_329 = arith.constant 0 : i32
        %dma_start3A_330 = arith.constant 0 : i32
        %dma_start3A_331 = tpu.memref_slice %arg9[%dma_start3A_328, %dma_start3A_329, %dma_start3A_330] : memref<2x125x128xf32, #tpu.memory_space<vmem>> -> memref<1x125x128xf32, #tpu.memory_space<vmem>>
        %dma_start3A_332 = tpu.memref_squeeze %dma_start3A_331 : memref<1x125x128xf32, #tpu.memory_space<vmem>> -> memref<125x128xf32, #tpu.memory_space<vmem>>
        %dma_start3A_333 = arith.constant 0 : i32
        %dma_start3A_334 = arith.constant 0 : i32
        %dma_start3A_335 = tpu.memref_slice %arg7[%select_n3A_76, %dma_start3A_333, %dma_start3A_334] : memref<2x8x125xi32, #tpu.memory_space<vmem>> -> memref<1x8x125xi32, #tpu.memory_space<vmem>>
        %dma_start3A_336 = arith.constant 0 : i32
        %dma_start3A_337 = arith.constant 0 : i32
        %dma_start3A_338 = tpu.memref_slice %dma_start3A_335[%cond3A_294, %dma_start3A_336, %dma_start3A_337] : memref<1x8x125xi32, #tpu.memory_space<vmem>> -> memref<1x8x125xi32, #tpu.memory_space<vmem>>
        %dma_start3A_339 = tpu.memref_squeeze %dma_start3A_338 : memref<1x8x125xi32, #tpu.memory_space<vmem>> -> memref<8x125xi32, #tpu.memory_space<vmem>>
        %dma_start3A_340 = arith.constant 0 : i32
        %dma_start3A_341 = tpu.memref_slice %dma_start3A_339[%dma_start3A_327, %dma_start3A_340] : memref<8x125xi32, #tpu.memory_space<vmem>> -> memref<1x125xi32, #tpu.memory_space<vmem>>
        %dma_start3A_342 = tpu.memref_squeeze %dma_start3A_341 : memref<1x125xi32, #tpu.memory_space<vmem>> -> memref<125xi32, #tpu.memory_space<vmem>>
        %dma_start3A_343 = arith.constant 0 : i32
        %dma_start3A_344 = arith.constant 0 : i32
        %dma_start3A_345 = tpu.memref_slice %arg2[%dma_start3A_343, %dma_start3A_344] : memref<10000x128xf32, #tpu.memory_space<hbm>> -> memref<10000x128xf32, #tpu.memory_space<hbm>>
        tpu.enqueue_indirect_dma source(%dma_start3A_345 : memref<10000x128xf32, #tpu.memory_space<hbm>>) target(%dma_start3A_332 : memref<125x128xf32, #tpu.memory_space<vmem>>) offsets(%dma_start3A_342 : memref<125xi32, #tpu.memory_space<vmem>>) semaphore(%arg11 : memref<!tpu.dma_semaphore, #tpu.memory_space<semaphore_mem>>)
      } else {
      }
      %mul3A_297 = arith.constant 8 : i32
      %mul3A_298 = arith.muli %scan3A_49, %mul3A_297 : i32
      %add3A_299 = arith.constant 7 : i32
      %add3A_300 = arith.addi %mul3A_298, %add3A_299 : i32
      %dma_wait3A_301 = arith.constant 0 : i32
      %dma_wait3A_302 = arith.constant 0 : i32
      %dma_wait3A_303 = arith.constant 1 : i32
      %dma_wait3A_304 = arith.constant 0 : i32
      %dma_wait3A_305 = arith.constant 0 : i32
      %dma_wait3A_306 = tpu.memref_slice %arg9[%dma_wait3A_303, %dma_wait3A_304, %dma_wait3A_305] : memref<2x125x128xf32, #tpu.memory_space<vmem>> -> memref<1x125x128xf32, #tpu.memory_space<vmem>>
      %dma_wait3A_307 = tpu.memref_squeeze %dma_wait3A_306 : memref<1x125x128xf32, #tpu.memory_space<vmem>> -> memref<125x128xf32, #tpu.memory_space<vmem>>
      %dma_wait3A_308 = arith.constant 0 : i32
      %dma_wait3A_309 = arith.constant 0 : i32
      %dma_wait3A_310 = tpu.memref_slice %arg7[%dma_wait3A_301, %dma_wait3A_308, %dma_wait3A_309] : memref<2x8x125xi32, #tpu.memory_space<vmem>> -> memref<1x8x125xi32, #tpu.memory_space<vmem>>
      %dma_wait3A_311 = tpu.memref_squeeze %dma_wait3A_310 : memref<1x8x125xi32, #tpu.memory_space<vmem>> -> memref<8x125xi32, #tpu.memory_space<vmem>>
      %dma_wait3A_312 = arith.constant 0 : i32
      %dma_wait3A_313 = tpu.memref_slice %dma_wait3A_311[%dma_wait3A_302, %dma_wait3A_312] : memref<8x125xi32, #tpu.memory_space<vmem>> -> memref<1x125xi32, #tpu.memory_space<vmem>>
      %dma_wait3A_314 = tpu.memref_squeeze %dma_wait3A_313 : memref<1x125xi32, #tpu.memory_space<vmem>> -> memref<125xi32, #tpu.memory_space<vmem>>
      %dma_wait3A_315 = arith.constant 0 : i32
      %dma_wait3A_316 = arith.constant 0 : i32
      %dma_wait3A_317 = tpu.memref_slice %arg2[%dma_wait3A_315, %dma_wait3A_316] : memref<10000x128xf32, #tpu.memory_space<hbm>> -> memref<10000x128xf32, #tpu.memory_space<hbm>>
      tpu.wait_indirect_dma semaphore(%arg12 : memref<!tpu.dma_semaphore, #tpu.memory_space<semaphore_mem>>) src(%dma_wait3A_317 : memref<10000x128xf32, #tpu.memory_space<hbm>>) dst(%dma_wait3A_307 : memref<125x128xf32, #tpu.memory_space<vmem>>)
      %run_scoped3A_318 = arith.constant 1 : i32
      "tpu.region"() ({
        %run_scoped3A_327 = tpu.sem_alloc : memref<!tpu.dma_semaphore, #tpu.memory_space<semaphore_mem>>
        %dma_start3A_328 = arith.constant 0 : i32
        %dma_start3A_329 = arith.constant 0 : i32
        %dma_start3A_330 = tpu.memref_slice %arg9[%run_scoped3A_318, %dma_start3A_328, %dma_start3A_329] : memref<2x125x128xf32, #tpu.memory_space<vmem>> -> memref<1x125x128xf32, #tpu.memory_space<vmem>>
        %dma_start3A_331 = tpu.memref_squeeze %dma_start3A_330 : memref<1x125x128xf32, #tpu.memory_space<vmem>> -> memref<125x128xf32, #tpu.memory_space<vmem>>
        %dma_start3A_332 = arith.constant 0 : i32
        %dma_start3A_333 = tpu.memref_slice %arg8[%add3A_300, %dma_start3A_332] : memref<80x125xi32, #tpu.memory_space<vmem>> -> memref<1x125xi32, #tpu.memory_space<vmem>>
        %dma_start3A_334 = tpu.memref_squeeze %dma_start3A_333 : memref<1x125xi32, #tpu.memory_space<vmem>> -> memref<125xi32, #tpu.memory_space<vmem>>
        %dma_start3A_335 = arith.constant 0 : i32
        %dma_start3A_336 = arith.constant 0 : i32
        %dma_start3A_337 = tpu.memref_slice %arg10[%dma_start3A_335, %dma_start3A_336] : memref<10240x128xf32, #tpu.memory_space<vmem_shared>> -> memref<10240x128xf32, #tpu.memory_space<vmem_shared>>
        tpu.enqueue_indirect_dma source(%dma_start3A_331 : memref<125x128xf32, #tpu.memory_space<vmem>>) target(%dma_start3A_337 : memref<10240x128xf32, #tpu.memory_space<vmem_shared>>) offsets(%dma_start3A_334 : memref<125xi32, #tpu.memory_space<vmem>>) semaphore(%run_scoped3A_327 : memref<!tpu.dma_semaphore, #tpu.memory_space<semaphore_mem>>) {add = true}
        %dma_wait3A_338 = arith.constant 0 : i32
        %dma_wait3A_339 = arith.constant 0 : i32
        %dma_wait3A_340 = tpu.memref_slice %arg9[%run_scoped3A_318, %dma_wait3A_338, %dma_wait3A_339] : memref<2x125x128xf32, #tpu.memory_space<vmem>> -> memref<1x125x128xf32, #tpu.memory_space<vmem>>
        %dma_wait3A_341 = tpu.memref_squeeze %dma_wait3A_340 : memref<1x125x128xf32, #tpu.memory_space<vmem>> -> memref<125x128xf32, #tpu.memory_space<vmem>>
        %dma_wait3A_342 = arith.constant 0 : i32
        %dma_wait3A_343 = tpu.memref_slice %arg8[%add3A_300, %dma_wait3A_342] : memref<80x125xi32, #tpu.memory_space<vmem>> -> memref<1x125xi32, #tpu.memory_space<vmem>>
        %dma_wait3A_344 = tpu.memref_squeeze %dma_wait3A_343 : memref<1x125xi32, #tpu.memory_space<vmem>> -> memref<125xi32, #tpu.memory_space<vmem>>
        %dma_wait3A_345 = arith.constant 0 : i32
        %dma_wait3A_346 = arith.constant 0 : i32
        %dma_wait3A_347 = tpu.memref_slice %arg10[%dma_wait3A_345, %dma_wait3A_346] : memref<10240x128xf32, #tpu.memory_space<vmem_shared>> -> memref<10240x128xf32, #tpu.memory_space<vmem_shared>>
        tpu.wait_indirect_dma semaphore(%run_scoped3A_327 : memref<!tpu.dma_semaphore, #tpu.memory_space<semaphore_mem>>) src(%dma_wait3A_341 : memref<125x128xf32, #tpu.memory_space<vmem>>) dst(%dma_wait3A_347 : memref<10240x128xf32, #tpu.memory_space<vmem_shared>>)
        tpu.yield
      }) : () -> ()
      %add3A_319 = arith.constant 2 : i32
      %add3A_320 = arith.addi %add3A_300, %add3A_319 : i32
      %lt3A_321 = arith.constant 80 : i32
      %lt3A_322 = arith.cmpi slt, %add3A_320, %lt3A_321 : i32
      %convert_element_type3A_323 = arith.extui %lt3A_322 : i1 to i32
      %cond3A_324 = arith.constant 0 : i32
      %cond3A_325 = arith.constant 0 : i32
      %cond3A_326 = arith.cmpi ne, %convert_element_type3A_323, %cond3A_325 : i32
      scf.if %cond3A_326 {
        %dma_start3A_327 = arith.constant 1 : i32
        %dma_start3A_328 = arith.constant 1 : i32
        %dma_start3A_329 = arith.constant 0 : i32
        %dma_start3A_330 = arith.constant 0 : i32
        %dma_start3A_331 = tpu.memref_slice %arg9[%dma_start3A_328, %dma_start3A_329, %dma_start3A_330] : memref<2x125x128xf32, #tpu.memory_space<vmem>> -> memref<1x125x128xf32, #tpu.memory_space<vmem>>
        %dma_start3A_332 = tpu.memref_squeeze %dma_start3A_331 : memref<1x125x128xf32, #tpu.memory_space<vmem>> -> memref<125x128xf32, #tpu.memory_space<vmem>>
        %dma_start3A_333 = arith.constant 0 : i32
        %dma_start3A_334 = arith.constant 0 : i32
        %dma_start3A_335 = tpu.memref_slice %arg7[%select_n3A_76, %dma_start3A_333, %dma_start3A_334] : memref<2x8x125xi32, #tpu.memory_space<vmem>> -> memref<1x8x125xi32, #tpu.memory_space<vmem>>
        %dma_start3A_336 = arith.constant 0 : i32
        %dma_start3A_337 = arith.constant 0 : i32
        %dma_start3A_338 = tpu.memref_slice %dma_start3A_335[%cond3A_324, %dma_start3A_336, %dma_start3A_337] : memref<1x8x125xi32, #tpu.memory_space<vmem>> -> memref<1x8x125xi32, #tpu.memory_space<vmem>>
        %dma_start3A_339 = tpu.memref_squeeze %dma_start3A_338 : memref<1x8x125xi32, #tpu.memory_space<vmem>> -> memref<8x125xi32, #tpu.memory_space<vmem>>
        %dma_start3A_340 = arith.constant 0 : i32
        %dma_start3A_341 = tpu.memref_slice %dma_start3A_339[%dma_start3A_327, %dma_start3A_340] : memref<8x125xi32, #tpu.memory_space<vmem>> -> memref<1x125xi32, #tpu.memory_space<vmem>>
        %dma_start3A_342 = tpu.memref_squeeze %dma_start3A_341 : memref<1x125xi32, #tpu.memory_space<vmem>> -> memref<125xi32, #tpu.memory_space<vmem>>
        %dma_start3A_343 = arith.constant 0 : i32
        %dma_start3A_344 = arith.constant 0 : i32
        %dma_start3A_345 = tpu.memref_slice %arg2[%dma_start3A_343, %dma_start3A_344] : memref<10000x128xf32, #tpu.memory_space<hbm>> -> memref<10000x128xf32, #tpu.memory_space<hbm>>
        tpu.enqueue_indirect_dma source(%dma_start3A_345 : memref<10000x128xf32, #tpu.memory_space<hbm>>) target(%dma_start3A_332 : memref<125x128xf32, #tpu.memory_space<vmem>>) offsets(%dma_start3A_342 : memref<125xi32, #tpu.memory_space<vmem>>) semaphore(%arg12 : memref<!tpu.dma_semaphore, #tpu.memory_space<semaphore_mem>>)
      } else {
      }
    }
    %scan3A_44 = arith.constant 10 : i32
    %barrier3A_45 = arith.constant 0 : index
    tpu.barrier barrier_id(%barrier3A_45)
    %mul3A_46 = arith.constant 10240 : i32
    %mul3A_47 = arith.muli %arg0, %mul3A_46 : i32
    %add3A_48 = arith.addi %mul3A_47, %mul3A_0 : i32
    "tpu.region"() ({
      %run_scoped3A = tpu.sem_alloc : memref<!tpu.dma_semaphore, #tpu.memory_space<semaphore_mem>>
      %dma_start3A_49 = arith.constant 0 : i32
      %dma_start3A_50 = tpu.memref_slice %arg6[%add3A_48, %dma_start3A_49] : memref<20480x128xf32, #tpu.memory_space<hbm>> -> memref<640x128xf32, #tpu.memory_space<hbm>>
      %dma_start3A_51 = arith.constant 0 : i32
      %dma_start3A_52 = tpu.memref_slice %arg10[%mul3A_0, %dma_start3A_51] : memref<10240x128xf32, #tpu.memory_space<vmem_shared>> -> memref<640x128xf32, #tpu.memory_space<vmem_shared>>
      tpu.enqueue_dma source(%dma_start3A_52 : memref<640x128xf32, #tpu.memory_space<vmem_shared>>) target(%dma_start3A_50 : memref<640x128xf32, #tpu.memory_space<hbm>>) target_semaphore(%run_scoped3A : memref<!tpu.dma_semaphore, #tpu.memory_space<semaphore_mem>>)
      %dma_wait3A = arith.constant 0 : i32
      %dma_wait3A_53 = tpu.memref_slice %arg6[%add3A_48, %dma_wait3A] : memref<20480x128xf32, #tpu.memory_space<hbm>> -> memref<640x128xf32, #tpu.memory_space<hbm>>
      %dma_wait3A_54 = arith.constant 0 : i32
      %dma_wait3A_55 = tpu.memref_slice %arg10[%mul3A_0, %dma_wait3A_54] : memref<10240x128xf32, #tpu.memory_space<vmem_shared>> -> memref<640x128xf32, #tpu.memory_space<vmem_shared>>
      tpu.wait_dma2 semaphore(%run_scoped3A : memref<!tpu.dma_semaphore, #tpu.memory_space<semaphore_mem>>) src(%dma_wait3A_55 : memref<640x128xf32, #tpu.memory_space<vmem_shared>>) dst(%dma_wait3A_53 : memref<640x128xf32, #tpu.memory_space<hbm>>)
      tpu.yield
    }) : () -> ()
    return
  }
}

module attributes {stable_mosaic.version = 14 : i64} {
  func.func @_gru_mid_body(%arg0: i32, %arg1: memref<2000x128xf32, #tpu.memory_space<vmem>>, %arg2: memref<2000x128xf32, #tpu.memory_space<vmem>>, %arg3: memref<2000x128xf32, #tpu.memory_space<vmem>>, %arg4: memref<2000x128xf32, #tpu.memory_space<vmem>>, %arg5: memref<2000x128xf32, #tpu.memory_space<vmem>>, %arg6: memref<128x128xf32, #tpu.memory_space<vmem>>, %arg7: memref<128x384xf32, #tpu.memory_space<vmem>>, %arg8: memref<128x384xf32, #tpu.memory_space<vmem>>, %arg9: memref<1x384xf32, #tpu.memory_space<vmem>>, %arg10: memref<1x384xf32, #tpu.memory_space<vmem>>, %arg11: memref<2000x128xf32, #tpu.memory_space<vmem>>) attributes {dimension_semantics = [#tpu.dimension_semantics<arbitrary>], iteration_bounds = array<i64: 5>, scalar_prefetch = 0 : i64, scratch_operands = 0 : i64, tpu.core_type = #tpu.core_type<tc>, window_params = [{transform_indices = @transform_0, window_bounds = array<i64: 2000, 128>}, {transform_indices = @transform_1, window_bounds = array<i64: 2000, 128>}, {transform_indices = @transform_2, window_bounds = array<i64: 2000, 128>}, {transform_indices = @transform_3, window_bounds = array<i64: 2000, 128>}, {transform_indices = @transform_4, window_bounds = array<i64: 2000, 128>}, {pipeline_mode = #tpu.pipeline_mode<synchronous>, transform_indices = @transform_5, window_bounds = array<i64: 128, 128>}, {pipeline_mode = #tpu.pipeline_mode<synchronous>, transform_indices = @transform_6, window_bounds = array<i64: 128, 384>}, {pipeline_mode = #tpu.pipeline_mode<synchronous>, transform_indices = @transform_7, window_bounds = array<i64: 128, 384>}, {pipeline_mode = #tpu.pipeline_mode<synchronous>, transform_indices = @transform_8, window_bounds = array<i64: 1, 384>}, {pipeline_mode = #tpu.pipeline_mode<synchronous>, transform_indices = @transform_9, window_bounds = array<i64: 1, 384>}, {transform_indices = @transform_10, window_bounds = array<i64: 2000, 128>}]} {
    %get3A = arith.constant 0 : index
    %get3A_0 = arith.constant 0 : index
    %get3A_1 = vector.load %arg1[%get3A, %get3A_0] : memref<2000x128xf32, #tpu.memory_space<vmem>>, vector<2000x128xf32>
    %get3A_2 = arith.constant 0 : index
    %get3A_3 = arith.constant 0 : index
    %get3A_4 = vector.load %arg2[%get3A_2, %get3A_3] : memref<2000x128xf32, #tpu.memory_space<vmem>>, vector<2000x128xf32>
    %get3A_5 = arith.constant 0 : index
    %get3A_6 = arith.constant 0 : index
    %get3A_7 = vector.load %arg3[%get3A_5, %get3A_6] : memref<2000x128xf32, #tpu.memory_space<vmem>>, vector<2000x128xf32>
    %get3A_8 = arith.constant 0 : index
    %get3A_9 = arith.constant 0 : index
    %get3A_10 = vector.load %arg4[%get3A_8, %get3A_9] : memref<2000x128xf32, #tpu.memory_space<vmem>>, vector<2000x128xf32>
    %get3A_11 = arith.constant 0 : index
    %get3A_12 = arith.constant 0 : index
    %get3A_13 = vector.load %arg5[%get3A_11, %get3A_12] : memref<2000x128xf32, #tpu.memory_space<vmem>>, vector<2000x128xf32>
    %get3A_14 = arith.constant 0 : index
    %get3A_15 = arith.constant 0 : index
    %get3A_16 = vector.load %arg6[%get3A_14, %get3A_15] : memref<128x128xf32, #tpu.memory_space<vmem>>, vector<128x128xf32>
    %get3A_17 = arith.constant 0 : index
    %get3A_18 = arith.constant 0 : index
    %get3A_19 = vector.load %arg7[%get3A_17, %get3A_18] : memref<128x384xf32, #tpu.memory_space<vmem>>, vector<128x384xf32>
    %get3A_20 = arith.constant 0 : index
    %get3A_21 = arith.constant 0 : index
    %get3A_22 = vector.load %arg8[%get3A_20, %get3A_21] : memref<128x384xf32, #tpu.memory_space<vmem>>, vector<128x384xf32>
    %get3A_23 = arith.constant 0 : index
    %get3A_24 = arith.constant 0 : index
    %get3A_25 = vector.load %arg9[%get3A_23, %get3A_24] : memref<1x384xf32, #tpu.memory_space<vmem>>, vector<1x384xf32>
    %get3A_26 = arith.constant 0 : index
    %get3A_27 = arith.constant 0 : index
    %get3A_28 = vector.load %arg10[%get3A_26, %get3A_27] : memref<1x384xf32, #tpu.memory_space<vmem>>, vector<1x384xf32>
    %slice3A = vector.extract_strided_slice %get3A_10 {offsets = [0, 0], sizes = [2000, 1], strides = [1, 1]} : vector<2000x128xf32> to vector<2000x1xf32>
    %slice3A_29 = vector.extract_strided_slice %get3A_13 {offsets = [0, 0], sizes = [2000, 1], strides = [1, 1]} : vector<2000x128xf32> to vector<2000x1xf32>
    %add3A = arith.addf %slice3A, %slice3A_29 : vector<2000x1xf32>
    %max3A = arith.constant 1.000000e+00 : f32
    %max3A_30 = vector.broadcast %max3A : f32 to vector<2000x1xf32>
    %max3A_31 = arith.maximumf %add3A, %max3A_30 : vector<2000x1xf32>
    %add3A_32 = arith.addf %get3A_4, %get3A_7 : vector<2000x128xf32>
    %dot_general3A = arith.constant dense<0.000000e+00> : vector<2000x128xf32>
    %dot_general3A_33 = tpu.matmul %add3A_32, %get3A_16, %dot_general3A {dimension_numbers = #tpu.dot_dimension_numbers<[1], [0], [0], [1], [0, 0, 1, 1], [], []>, transpose_lhs_hint = false} : vector<2000x128xf32>, vector<128x128xf32>, vector<2000x128xf32> -> vector<2000x128xf32>
    %div3A = vector.broadcast %max3A_31 : vector<2000x1xf32> to vector<2000x128xf32>
    %div3A_34 = arith.divf %dot_general3A_33, %div3A : vector<2000x128xf32>
    %dot_general3A_35 = arith.constant dense<0.000000e+00> : vector<2000x384xf32>
    %dot_general3A_36 = tpu.matmul %div3A_34, %get3A_19, %dot_general3A_35 {dimension_numbers = #tpu.dot_dimension_numbers<[1], [0], [0], [1], [0, 0, 1, 1], [], []>, transpose_lhs_hint = false} : vector<2000x128xf32>, vector<128x384xf32>, vector<2000x384xf32> -> vector<2000x384xf32>
    %add3A_37 = vector.broadcast %get3A_25 : vector<1x384xf32> to vector<2000x384xf32>
    %add3A_38 = arith.addf %dot_general3A_36, %add3A_37 : vector<2000x384xf32>
    %dot_general3A_39 = arith.constant dense<0.000000e+00> : vector<2000x384xf32>
    %dot_general3A_40 = tpu.matmul %get3A_1, %get3A_22, %dot_general3A_39 {dimension_numbers = #tpu.dot_dimension_numbers<[1], [0], [0], [1], [0, 0, 1, 1], [], []>, transpose_lhs_hint = false} : vector<2000x128xf32>, vector<128x384xf32>, vector<2000x384xf32> -> vector<2000x384xf32>
    %add3A_41 = vector.broadcast %get3A_28 : vector<1x384xf32> to vector<2000x384xf32>
    %add3A_42 = arith.addf %dot_general3A_40, %add3A_41 : vector<2000x384xf32>
    %slice3A_43 = vector.extract_strided_slice %add3A_38 {offsets = [0, 0], sizes = [2000, 128], strides = [1, 1]} : vector<2000x384xf32> to vector<2000x128xf32>
    %slice3A_44 = vector.extract_strided_slice %add3A_42 {offsets = [0, 0], sizes = [2000, 128], strides = [1, 1]} : vector<2000x384xf32> to vector<2000x128xf32>
    %add3A_45 = arith.addf %slice3A_43, %slice3A_44 : vector<2000x128xf32>
    %logistic3A = arith.negf %add3A_45 : vector<2000x128xf32>
    %logistic3A_46 = math.exp %logistic3A : vector<2000x128xf32>
    %logistic3A_47 = arith.constant 1.000000e+00 : f32
    %logistic3A_48 = vector.broadcast %logistic3A_47 : f32 to vector<2000x128xf32>
    %logistic3A_49 = arith.addf %logistic3A_48, %logistic3A_46 : vector<2000x128xf32>
    %logistic3A_50 = arith.divf %logistic3A_48, %logistic3A_49 : vector<2000x128xf32>
    %slice3A_51 = vector.extract_strided_slice %add3A_38 {offsets = [0, 128], sizes = [2000, 128], strides = [1, 1]} : vector<2000x384xf32> to vector<2000x128xf32>
    %slice3A_52 = vector.extract_strided_slice %add3A_42 {offsets = [0, 128], sizes = [2000, 128], strides = [1, 1]} : vector<2000x384xf32> to vector<2000x128xf32>
    %add3A_53 = arith.addf %slice3A_51, %slice3A_52 : vector<2000x128xf32>
    %logistic3A_54 = arith.negf %add3A_53 : vector<2000x128xf32>
    %logistic3A_55 = math.exp %logistic3A_54 : vector<2000x128xf32>
    %logistic3A_56 = arith.constant 1.000000e+00 : f32
    %logistic3A_57 = vector.broadcast %logistic3A_56 : f32 to vector<2000x128xf32>
    %logistic3A_58 = arith.addf %logistic3A_57, %logistic3A_55 : vector<2000x128xf32>
    %logistic3A_59 = arith.divf %logistic3A_57, %logistic3A_58 : vector<2000x128xf32>
    %slice3A_60 = vector.extract_strided_slice %add3A_38 {offsets = [0, 256], sizes = [2000, 128], strides = [1, 1]} : vector<2000x384xf32> to vector<2000x128xf32>
    %slice3A_61 = vector.extract_strided_slice %add3A_42 {offsets = [0, 256], sizes = [2000, 128], strides = [1, 1]} : vector<2000x384xf32> to vector<2000x128xf32>
    %mul3A = arith.mulf %logistic3A_50, %slice3A_61 : vector<2000x128xf32>
    %add3A_62 = arith.addf %slice3A_60, %mul3A : vector<2000x128xf32>
    %tanh3A = math.tanh %add3A_62 : vector<2000x128xf32>
    %sub3A = arith.constant 1.000000e+00 : f32
    %sub3A_63 = vector.broadcast %sub3A : f32 to vector<2000x128xf32>
    %sub3A_64 = arith.subf %sub3A_63, %logistic3A_59 : vector<2000x128xf32>
    %mul3A_65 = arith.mulf %sub3A_64, %tanh3A : vector<2000x128xf32>
    %mul3A_66 = arith.mulf %logistic3A_59, %get3A_1 : vector<2000x128xf32>
    %add3A_67 = arith.addf %mul3A_65, %mul3A_66 : vector<2000x128xf32>
    %swap3A = arith.constant 0 : index
    %swap3A_68 = arith.constant 0 : index
    %swap3A_69 = vector.load %arg11[%swap3A, %swap3A_68] : memref<2000x128xf32, #tpu.memory_space<vmem>>, vector<2000x128xf32>
    tpu.vector_store %arg11[%swap3A, %swap3A_68], %add3A_67 {strides = array<i32>} : memref<2000x128xf32, #tpu.memory_space<vmem>>, vector<2000x128xf32>,
    return
  }
  func.func @transform_0(%arg0: i32) -> (i32, i32) {
    %c0_i32 = arith.constant 0 : i32
    %c0_i32_0 = arith.constant 0 : i32
    return %arg0, %c0_i32 : i32, i32
  }
  func.func @transform_1(%arg0: i32) -> (i32, i32) {
    %c0_i32 = arith.constant 0 : i32
    %c0_i32_0 = arith.constant 0 : i32
    return %arg0, %c0_i32 : i32, i32
  }
  func.func @transform_2(%arg0: i32) -> (i32, i32) {
    %c0_i32 = arith.constant 0 : i32
    %c0_i32_0 = arith.constant 0 : i32
    return %arg0, %c0_i32 : i32, i32
  }
  func.func @transform_3(%arg0: i32) -> (i32, i32) {
    %c0_i32 = arith.constant 0 : i32
    %c0_i32_0 = arith.constant 0 : i32
    return %arg0, %c0_i32 : i32, i32
  }
  func.func @transform_4(%arg0: i32) -> (i32, i32) {
    %c0_i32 = arith.constant 0 : i32
    %c0_i32_0 = arith.constant 0 : i32
    return %arg0, %c0_i32 : i32, i32
  }
  func.func @transform_5(%arg0: i32) -> (i32, i32) {
    %c0_i32 = arith.constant 0 : i32
    %c0_i32_0 = arith.constant 0 : i32
    %c0_i32_1 = arith.constant 0 : i32
    return %c0_i32, %c0_i32_0 : i32, i32
  }
  func.func @transform_6(%arg0: i32) -> (i32, i32) {
    %c0_i32 = arith.constant 0 : i32
    %c0_i32_0 = arith.constant 0 : i32
    %c0_i32_1 = arith.constant 0 : i32
    return %c0_i32, %c0_i32_0 : i32, i32
  }
  func.func @transform_7(%arg0: i32) -> (i32, i32) {
    %c0_i32 = arith.constant 0 : i32
    %c0_i32_0 = arith.constant 0 : i32
    %c0_i32_1 = arith.constant 0 : i32
    return %c0_i32, %c0_i32_0 : i32, i32
  }
  func.func @transform_8(%arg0: i32) -> (i32, i32) {
    %c0_i32 = arith.constant 0 : i32
    %c0_i32_0 = arith.constant 0 : i32
    %c0_i32_1 = arith.constant 0 : i32
    return %c0_i32, %c0_i32_0 : i32, i32
  }
  func.func @transform_9(%arg0: i32) -> (i32, i32) {
    %c0_i32 = arith.constant 0 : i32
    %c0_i32_0 = arith.constant 0 : i32
    %c0_i32_1 = arith.constant 0 : i32
    return %c0_i32, %c0_i32_0 : i32, i32
  }
  func.func @transform_10(%arg0: i32) -> (i32, i32) {
    %c0_i32 = arith.constant 0 : i32
    %c0_i32_0 = arith.constant 0 : i32
    return %arg0, %c0_i32 : i32, i32
  }
}

module attributes {stable_mosaic.version = 14 : i64} {
  func.func @_gru_pool_body(%arg0: i32, %arg1: memref<2000x128xf32, #tpu.memory_space<vmem>>, %arg2: memref<2000x128xf32, #tpu.memory_space<vmem>>, %arg3: memref<2000x128xf32, #tpu.memory_space<vmem>>, %arg4: memref<2000x128xf32, #tpu.memory_space<vmem>>, %arg5: memref<2000x128xf32, #tpu.memory_space<vmem>>, %arg6: memref<128x128xf32, #tpu.memory_space<vmem>>, %arg7: memref<128x384xf32, #tpu.memory_space<vmem>>, %arg8: memref<128x384xf32, #tpu.memory_space<vmem>>, %arg9: memref<1x384xf32, #tpu.memory_space<vmem>>, %arg10: memref<1x384xf32, #tpu.memory_space<vmem>>, %arg11: memref<1x1x2000xi32, #tpu.memory_space<vmem>>, %arg12: memref<128x64xf32, #tpu.memory_space<vmem>>, %arg13: memref<1x64xf32, #tpu.memory_space<vmem>>, %arg14: memref<1x64xf32, #tpu.memory_space<vmem>>, %arg15: memref<1x64xf32, #tpu.memory_space<vmem>>, %arg16: memref<64x32xf32, #tpu.memory_space<vmem>>, %arg17: memref<1x32xf32, #tpu.memory_space<vmem>>, %arg18: memref<1x32xf32, #tpu.memory_space<vmem>>, %arg19: memref<1x32xf32, #tpu.memory_space<vmem>>, %arg20: memref<32x10xf32, #tpu.memory_space<vmem>>, %arg21: memref<1x10xf32, #tpu.memory_space<vmem>>, %arg22: memref<64x10xf32, #tpu.memory_space<vmem>>, %arg23: memref<64x128xf32, #tpu.memory_space<vmem>>, %arg24: memref<64x128xf32, #tpu.memory_space<vmem>>) attributes {dimension_semantics = [#tpu.dimension_semantics<arbitrary>], iteration_bounds = array<i64: 5>, scalar_prefetch = 0 : i64, scratch_operands = 2 : i64, tpu.core_type = #tpu.core_type<tc>, window_params = [{transform_indices = @transform_0, window_bounds = array<i64: 2000, 128>}, {transform_indices = @transform_1, window_bounds = array<i64: 2000, 128>}, {transform_indices = @transform_2, window_bounds = array<i64: 2000, 128>}, {transform_indices = @transform_3, window_bounds = array<i64: 2000, 128>}, {transform_indices = @transform_4, window_bounds = array<i64: 2000, 128>}, {pipeline_mode = #tpu.pipeline_mode<synchronous>, transform_indices = @transform_5, window_bounds = array<i64: 128, 128>}, {pipeline_mode = #tpu.pipeline_mode<synchronous>, transform_indices = @transform_6, window_bounds = array<i64: 128, 384>}, {pipeline_mode = #tpu.pipeline_mode<synchronous>, transform_indices = @transform_7, window_bounds = array<i64: 128, 384>}, {pipeline_mode = #tpu.pipeline_mode<synchronous>, transform_indices = @transform_8, window_bounds = array<i64: 1, 384>}, {pipeline_mode = #tpu.pipeline_mode<synchronous>, transform_indices = @transform_9, window_bounds = array<i64: 1, 384>}, {transform_indices = @transform_10, window_bounds = array<i64: 1, 1, 2000>}, {pipeline_mode = #tpu.pipeline_mode<synchronous>, transform_indices = @transform_11, window_bounds = array<i64: 128, 64>}, {pipeline_mode = #tpu.pipeline_mode<synchronous>, transform_indices = @transform_12, window_bounds = array<i64: 1, 64>}, {pipeline_mode = #tpu.pipeline_mode<synchronous>, transform_indices = @transform_13, window_bounds = array<i64: 1, 64>}, {pipeline_mode = #tpu.pipeline_mode<synchronous>, transform_indices = @transform_14, window_bounds = array<i64: 1, 64>}, {pipeline_mode = #tpu.pipeline_mode<synchronous>, transform_indices = @transform_15, window_bounds = array<i64: 64, 32>}, {pipeline_mode = #tpu.pipeline_mode<synchronous>, transform_indices = @transform_16, window_bounds = array<i64: 1, 32>}, {pipeline_mode = #tpu.pipeline_mode<synchronous>, transform_indices = @transform_17, window_bounds = array<i64: 1, 32>}, {pipeline_mode = #tpu.pipeline_mode<synchronous>, transform_indices = @transform_18, window_bounds = array<i64: 1, 32>}, {pipeline_mode = #tpu.pipeline_mode<synchronous>, transform_indices = @transform_19, window_bounds = array<i64: 32, 10>}, {pipeline_mode = #tpu.pipeline_mode<synchronous>, transform_indices = @transform_20, window_bounds = array<i64: 1, 10>}, {pipeline_mode = #tpu.pipeline_mode<synchronous>, transform_indices = @transform_21, window_bounds = array<i64: 64, 10>}]} {
    %get3A = arith.constant 0 : index
    %get3A_0 = arith.constant 0 : index
    %get3A_1 = vector.load %arg1[%get3A, %get3A_0] : memref<2000x128xf32, #tpu.memory_space<vmem>>, vector<2000x128xf32>
    %get3A_2 = arith.constant 0 : index
    %get3A_3 = arith.constant 0 : index
    %get3A_4 = vector.load %arg2[%get3A_2, %get3A_3] : memref<2000x128xf32, #tpu.memory_space<vmem>>, vector<2000x128xf32>
    %get3A_5 = arith.constant 0 : index
    %get3A_6 = arith.constant 0 : index
    %get3A_7 = vector.load %arg3[%get3A_5, %get3A_6] : memref<2000x128xf32, #tpu.memory_space<vmem>>, vector<2000x128xf32>
    %get3A_8 = arith.constant 0 : index
    %get3A_9 = arith.constant 0 : index
    %get3A_10 = vector.load %arg4[%get3A_8, %get3A_9] : memref<2000x128xf32, #tpu.memory_space<vmem>>, vector<2000x128xf32>
    %get3A_11 = arith.constant 0 : index
    %get3A_12 = arith.constant 0 : index
    %get3A_13 = vector.load %arg5[%get3A_11, %get3A_12] : memref<2000x128xf32, #tpu.memory_space<vmem>>, vector<2000x128xf32>
    %get3A_14 = arith.constant 0 : index
    %get3A_15 = arith.constant 0 : index
    %get3A_16 = vector.load %arg6[%get3A_14, %get3A_15] : memref<128x128xf32, #tpu.memory_space<vmem>>, vector<128x128xf32>
    %get3A_17 = arith.constant 0 : index
    %get3A_18 = arith.constant 0 : index
    %get3A_19 = vector.load %arg7[%get3A_17, %get3A_18] : memref<128x384xf32, #tpu.memory_space<vmem>>, vector<128x384xf32>
    %get3A_20 = arith.constant 0 : index
    %get3A_21 = arith.constant 0 : index
    %get3A_22 = vector.load %arg8[%get3A_20, %get3A_21] : memref<128x384xf32, #tpu.memory_space<vmem>>, vector<128x384xf32>
    %get3A_23 = arith.constant 0 : index
    %get3A_24 = arith.constant 0 : index
    %get3A_25 = vector.load %arg9[%get3A_23, %get3A_24] : memref<1x384xf32, #tpu.memory_space<vmem>>, vector<1x384xf32>
    %get3A_26 = arith.constant 0 : index
    %get3A_27 = arith.constant 0 : index
    %get3A_28 = vector.load %arg10[%get3A_26, %get3A_27] : memref<1x384xf32, #tpu.memory_space<vmem>>, vector<1x384xf32>
    %slice3A = vector.extract_strided_slice %get3A_10 {offsets = [0, 0], sizes = [2000, 1], strides = [1, 1]} : vector<2000x128xf32> to vector<2000x1xf32>
    %slice3A_29 = vector.extract_strided_slice %get3A_13 {offsets = [0, 0], sizes = [2000, 1], strides = [1, 1]} : vector<2000x128xf32> to vector<2000x1xf32>
    %add3A = arith.addf %slice3A, %slice3A_29 : vector<2000x1xf32>
    %max3A = arith.constant 1.000000e+00 : f32
    %max3A_30 = vector.broadcast %max3A : f32 to vector<2000x1xf32>
    %max3A_31 = arith.maximumf %add3A, %max3A_30 : vector<2000x1xf32>
    %add3A_32 = arith.addf %get3A_4, %get3A_7 : vector<2000x128xf32>
    %dot_general3A = arith.constant dense<0.000000e+00> : vector<2000x128xf32>
    %dot_general3A_33 = tpu.matmul %add3A_32, %get3A_16, %dot_general3A {dimension_numbers = #tpu.dot_dimension_numbers<[1], [0], [0], [1], [0, 0, 1, 1], [], []>, transpose_lhs_hint = false} : vector<2000x128xf32>, vector<128x128xf32>, vector<2000x128xf32> -> vector<2000x128xf32>
    %div3A = vector.broadcast %max3A_31 : vector<2000x1xf32> to vector<2000x128xf32>
    %div3A_34 = arith.divf %dot_general3A_33, %div3A : vector<2000x128xf32>
    %dot_general3A_35 = arith.constant dense<0.000000e+00> : vector<2000x384xf32>
    %dot_general3A_36 = tpu.matmul %div3A_34, %get3A_19, %dot_general3A_35 {dimension_numbers = #tpu.dot_dimension_numbers<[1], [0], [0], [1], [0, 0, 1, 1], [], []>, transpose_lhs_hint = false} : vector<2000x128xf32>, vector<128x384xf32>, vector<2000x384xf32> -> vector<2000x384xf32>
    %add3A_37 = vector.broadcast %get3A_25 : vector<1x384xf32> to vector<2000x384xf32>
    %add3A_38 = arith.addf %dot_general3A_36, %add3A_37 : vector<2000x384xf32>
    %dot_general3A_39 = arith.constant dense<0.000000e+00> : vector<2000x384xf32>
    %dot_general3A_40 = tpu.matmul %get3A_1, %get3A_22, %dot_general3A_39 {dimension_numbers = #tpu.dot_dimension_numbers<[1], [0], [0], [1], [0, 0, 1, 1], [], []>, transpose_lhs_hint = false} : vector<2000x128xf32>, vector<128x384xf32>, vector<2000x384xf32> -> vector<2000x384xf32>
    %add3A_41 = vector.broadcast %get3A_28 : vector<1x384xf32> to vector<2000x384xf32>
    %add3A_42 = arith.addf %dot_general3A_40, %add3A_41 : vector<2000x384xf32>
    %slice3A_43 = vector.extract_strided_slice %add3A_38 {offsets = [0, 0], sizes = [2000, 128], strides = [1, 1]} : vector<2000x384xf32> to vector<2000x128xf32>
    %slice3A_44 = vector.extract_strided_slice %add3A_42 {offsets = [0, 0], sizes = [2000, 128], strides = [1, 1]} : vector<2000x384xf32> to vector<2000x128xf32>
    %add3A_45 = arith.addf %slice3A_43, %slice3A_44 : vector<2000x128xf32>
    %logistic3A = arith.negf %add3A_45 : vector<2000x128xf32>
    %logistic3A_46 = math.exp %logistic3A : vector<2000x128xf32>
    %logistic3A_47 = arith.constant 1.000000e+00 : f32
    %logistic3A_48 = vector.broadcast %logistic3A_47 : f32 to vector<2000x128xf32>
    %logistic3A_49 = arith.addf %logistic3A_48, %logistic3A_46 : vector<2000x128xf32>
    %logistic3A_50 = arith.divf %logistic3A_48, %logistic3A_49 : vector<2000x128xf32>
    %slice3A_51 = vector.extract_strided_slice %add3A_38 {offsets = [0, 128], sizes = [2000, 128], strides = [1, 1]} : vector<2000x384xf32> to vector<2000x128xf32>
    %slice3A_52 = vector.extract_strided_slice %add3A_42 {offsets = [0, 128], sizes = [2000, 128], strides = [1, 1]} : vector<2000x384xf32> to vector<2000x128xf32>
    %add3A_53 = arith.addf %slice3A_51, %slice3A_52 : vector<2000x128xf32>
    %logistic3A_54 = arith.negf %add3A_53 : vector<2000x128xf32>
    %logistic3A_55 = math.exp %logistic3A_54 : vector<2000x128xf32>
    %logistic3A_56 = arith.constant 1.000000e+00 : f32
    %logistic3A_57 = vector.broadcast %logistic3A_56 : f32 to vector<2000x128xf32>
    %logistic3A_58 = arith.addf %logistic3A_57, %logistic3A_55 : vector<2000x128xf32>
    %logistic3A_59 = arith.divf %logistic3A_57, %logistic3A_58 : vector<2000x128xf32>
    %slice3A_60 = vector.extract_strided_slice %add3A_38 {offsets = [0, 256], sizes = [2000, 128], strides = [1, 1]} : vector<2000x384xf32> to vector<2000x128xf32>
    %slice3A_61 = vector.extract_strided_slice %add3A_42 {offsets = [0, 256], sizes = [2000, 128], strides = [1, 1]} : vector<2000x384xf32> to vector<2000x128xf32>
    %mul3A = arith.mulf %logistic3A_50, %slice3A_61 : vector<2000x128xf32>
    %add3A_62 = arith.addf %slice3A_60, %mul3A : vector<2000x128xf32>
    %tanh3A = math.tanh %add3A_62 : vector<2000x128xf32>
    %sub3A = arith.constant 1.000000e+00 : f32
    %sub3A_63 = vector.broadcast %sub3A : f32 to vector<2000x128xf32>
    %sub3A_64 = arith.subf %sub3A_63, %logistic3A_59 : vector<2000x128xf32>
    %mul3A_65 = arith.mulf %sub3A_64, %tanh3A : vector<2000x128xf32>
    %mul3A_66 = arith.mulf %logistic3A_59, %get3A_1 : vector<2000x128xf32>
    %add3A_67 = arith.addf %mul3A_65, %mul3A_66 : vector<2000x128xf32>
    %max3A_68 = arith.constant 0.000000e+00 : f32
    %max3A_69 = vector.broadcast %max3A_68 : f32 to vector<2000x128xf32>
    %max3A_70 = arith.maximumf %add3A_67, %max3A_69 : vector<2000x128xf32>
    %get3A_71 = arith.constant 0 : index
    %get3A_72 = arith.constant 0 : index
    %get3A_73 = arith.constant 0 : index
    %get3A_74 = vector.load %arg11[%get3A_71, %get3A_72, %get3A_73] : memref<1x1x2000xi32, #tpu.memory_space<vmem>>, vector<1x1x2000xi32>
    %get3A_75 = vector.shape_cast %get3A_74 : vector<1x1x2000xi32> to vector<2000xi32>
    %broadcast_in_dim3A = vector.shape_cast %get3A_75 : vector<2000xi32> to vector<2000x1xi32>
    %iota3A = tpu.iota {dimensions = array<i32: 1>} : vector<2000x64xi32>
    %eq3A = vector.broadcast %broadcast_in_dim3A : vector<2000x1xi32> to vector<2000x64xi32>
    %eq3A_76 = arith.cmpi eq, %eq3A, %iota3A : vector<2000x64xi32>
    %convert_element_type3A = arith.extui %eq3A_76 : vector<2000x64xi1> to vector<2000x64xi32>
    %convert_element_type3A_77 = arith.sitofp %convert_element_type3A : vector<2000x64xi32> to vector<2000x64xf32>
    %dot_general3A_78 = arith.constant dense<0.000000e+00> : vector<64x128xf32>
    %dot_general3A_79 = tpu.matmul %convert_element_type3A_77, %max3A_70, %dot_general3A_78 {dimension_numbers = #tpu.dot_dimension_numbers<[0], [0], [1], [1], [0, 1, 1, 1], [], []>, transpose_lhs_hint = false} : vector<2000x64xf32>, vector<2000x128xf32>, vector<64x128xf32> -> vector<64x128xf32>
    %reduce_sum3A = arith.constant dense<0.000000e+00> : vector<64xf32>
    %reduce_sum3A_80 = vector.multi_reduction <add>, %convert_element_type3A_77, %reduce_sum3A [0] : vector<2000x64xf32> to vector<64xf32>
    %broadcast_in_dim3A_81 = vector.shape_cast %reduce_sum3A_80 : vector<64xf32> to vector<64x1xf32>
    %broadcast_in_dim3A_82 = arith.constant 1.000000e+00 : f32
    %broadcast_in_dim3A_83 = vector.broadcast %broadcast_in_dim3A_82 : f32 to vector<1x128xf32>
    %mul3A_84 = vector.broadcast %broadcast_in_dim3A_81 : vector<64x1xf32> to vector<64x128xf32>
    %mul3A_85 = vector.broadcast %broadcast_in_dim3A_83 : vector<1x128xf32> to vector<64x128xf32>
    %mul3A_86 = arith.mulf %mul3A_84, %mul3A_85 : vector<64x128xf32>
    %eq3A_87 = arith.constant 0 : i32
    %eq3A_88 = arith.cmpi eq, %arg0, %eq3A_87 : i32
    %convert_element_type3A_89 = arith.extui %eq3A_88 : i1 to i32
    %cond3A = arith.constant 0 : i32
    %cond3A_90 = arith.cmpi ne, %convert_element_type3A_89, %cond3A : i32
    scf.if %cond3A_90 {
      %broadcast_in_dim3A_109 = arith.constant 0.000000e+00 : f32
      %broadcast_in_dim3A_110 = vector.broadcast %broadcast_in_dim3A_109 : f32 to vector<64x128xf32>
      %swap3A_111 = arith.constant 0 : index
      %swap3A_112 = arith.constant 0 : index
      %swap3A_113 = vector.load %arg23[%swap3A_111, %swap3A_112] : memref<64x128xf32, #tpu.memory_space<vmem>>, vector<64x128xf32>
      tpu.vector_store %arg23[%swap3A_111, %swap3A_112], %broadcast_in_dim3A_110 {strides = array<i32>} : memref<64x128xf32, #tpu.memory_space<vmem>>, vector<64x128xf32>,
      %broadcast_in_dim3A_114 = arith.constant 0.000000e+00 : f32
      %broadcast_in_dim3A_115 = vector.broadcast %broadcast_in_dim3A_114 : f32 to vector<64x128xf32>
      %swap3A_116 = arith.constant 0 : index
      %swap3A_117 = arith.constant 0 : index
      %swap3A_118 = vector.load %arg24[%swap3A_116, %swap3A_117] : memref<64x128xf32, #tpu.memory_space<vmem>>, vector<64x128xf32>
      tpu.vector_store %arg24[%swap3A_116, %swap3A_117], %broadcast_in_dim3A_115 {strides = array<i32>} : memref<64x128xf32, #tpu.memory_space<vmem>>, vector<64x128xf32>,
    } else {
    }
    %get3A_91 = arith.constant 0 : index
    %get3A_92 = arith.constant 0 : index
    %get3A_93 = vector.load %arg23[%get3A_91, %get3A_92] : memref<64x128xf32, #tpu.memory_space<vmem>>, vector<64x128xf32>
    %add3A_94 = arith.addf %get3A_93, %dot_general3A_79 : vector<64x128xf32>
    %swap3A = arith.constant 0 : index
    %swap3A_95 = arith.constant 0 : index
    %swap3A_96 = vector.load %arg23[%swap3A, %swap3A_95] : memref<64x128xf32, #tpu.memory_space<vmem>>, vector<64x128xf32>
    tpu.vector_store %arg23[%swap3A, %swap3A_95], %add3A_94 {strides = array<i32>} : memref<64x128xf32, #tpu.memory_space<vmem>>, vector<64x128xf32>,
    %get3A_97 = arith.constant 0 : index
    %get3A_98 = arith.constant 0 : index
    %get3A_99 = vector.load %arg24[%get3A_97, %get3A_98] : memref<64x128xf32, #tpu.memory_space<vmem>>, vector<64x128xf32>
    %add3A_100 = arith.addf %get3A_99, %mul3A_86 : vector<64x128xf32>
    %swap3A_101 = arith.constant 0 : index
    %swap3A_102 = arith.constant 0 : index
    %swap3A_103 = vector.load %arg24[%swap3A_101, %swap3A_102] : memref<64x128xf32, #tpu.memory_space<vmem>>, vector<64x128xf32>
    tpu.vector_store %arg24[%swap3A_101, %swap3A_102], %add3A_100 {strides = array<i32>} : memref<64x128xf32, #tpu.memory_space<vmem>>, vector<64x128xf32>,
    %eq3A_104 = arith.constant 4 : i32
    %eq3A_105 = arith.cmpi eq, %arg0, %eq3A_104 : i32
    %convert_element_type3A_106 = arith.extui %eq3A_105 : i1 to i32
    %cond3A_107 = arith.constant 0 : i32
    %cond3A_108 = arith.cmpi ne, %convert_element_type3A_106, %cond3A_107 : i32
    scf.if %cond3A_108 {
      %get3A_109 = arith.constant 0 : index
      %get3A_110 = arith.constant 0 : index
      %get3A_111 = vector.load %arg23[%get3A_109, %get3A_110] : memref<64x128xf32, #tpu.memory_space<vmem>>, vector<64x128xf32>
      %get3A_112 = arith.constant 0 : index
      %get3A_113 = arith.constant 0 : index
      %get3A_114 = vector.load %arg24[%get3A_112, %get3A_113] : memref<64x128xf32, #tpu.memory_space<vmem>>, vector<64x128xf32>
      %max3A_115 = arith.constant 1.000000e+00 : f32
      %max3A_116 = vector.broadcast %max3A_115 : f32 to vector<64x128xf32>
      %max3A_117 = arith.maximumf %get3A_114, %max3A_116 : vector<64x128xf32>
      %div3A_118 = arith.divf %get3A_111, %max3A_117 : vector<64x128xf32>
      %get3A_119 = arith.constant 0 : index
      %get3A_120 = arith.constant 0 : index
      %get3A_121 = vector.load %arg12[%get3A_119, %get3A_120] : memref<128x64xf32, #tpu.memory_space<vmem>>, vector<128x64xf32>
      %dot_general3A_122 = arith.constant dense<0.000000e+00> : vector<64x64xf32>
      %dot_general3A_123 = tpu.matmul %div3A_118, %get3A_121, %dot_general3A_122 {dimension_numbers = #tpu.dot_dimension_numbers<[1], [0], [0], [1], [0, 0, 1, 1], [], []>, transpose_lhs_hint = false} : vector<64x128xf32>, vector<128x64xf32>, vector<64x64xf32> -> vector<64x64xf32>
      %get3A_124 = arith.constant 0 : index
      %get3A_125 = arith.constant 0 : index
      %get3A_126 = vector.load %arg13[%get3A_124, %get3A_125] : memref<1x64xf32, #tpu.memory_space<vmem>>, vector<1x64xf32>
      %add3A_127 = vector.broadcast %get3A_126 : vector<1x64xf32> to vector<64x64xf32>
      %add3A_128 = arith.addf %dot_general3A_123, %add3A_127 : vector<64x64xf32>
      %get3A_129 = arith.constant 0 : index
      %get3A_130 = arith.constant 0 : index
      %get3A_131 = vector.load %arg14[%get3A_129, %get3A_130] : memref<1x64xf32, #tpu.memory_space<vmem>>, vector<1x64xf32>
      %get3A_132 = arith.constant 0 : index
      %get3A_133 = arith.constant 0 : index
      %get3A_134 = vector.load %arg15[%get3A_132, %get3A_133] : memref<1x64xf32, #tpu.memory_space<vmem>>, vector<1x64xf32>
      %reduce_sum3A_135 = arith.constant dense<0.000000e+00> : vector<64xf32>
      %reduce_sum3A_136 = vector.multi_reduction <add>, %add3A_128, %reduce_sum3A_135 [0] : vector<64x64xf32> to vector<64xf32>
      %broadcast_in_dim3A_137 = vector.shape_cast %reduce_sum3A_136 : vector<64xf32> to vector<1x64xf32>
      %div3A_138 = arith.constant 6.400000e+01 : f32
      %div3A_139 = vector.broadcast %div3A_138 : f32 to vector<1x64xf32>
      %div3A_140 = arith.divf %broadcast_in_dim3A_137, %div3A_139 : vector<1x64xf32>
      %sub3A_141 = vector.broadcast %div3A_140 : vector<1x64xf32> to vector<64x64xf32>
      %sub3A_142 = arith.subf %add3A_128, %sub3A_141 : vector<64x64xf32>
      %sub3A_143 = vector.broadcast %div3A_140 : vector<1x64xf32> to vector<64x64xf32>
      %sub3A_144 = arith.subf %add3A_128, %sub3A_143 : vector<64x64xf32>
      %mul3A_145 = arith.mulf %sub3A_142, %sub3A_144 : vector<64x64xf32>
      %reduce_sum3A_146 = arith.constant dense<0.000000e+00> : vector<64xf32>
      %reduce_sum3A_147 = vector.multi_reduction <add>, %mul3A_145, %reduce_sum3A_146 [0] : vector<64x64xf32> to vector<64xf32>
      %broadcast_in_dim3A_148 = vector.shape_cast %reduce_sum3A_147 : vector<64xf32> to vector<1x64xf32>
      %div3A_149 = arith.constant 6.400000e+01 : f32
      %div3A_150 = vector.broadcast %div3A_149 : f32 to vector<1x64xf32>
      %div3A_151 = arith.divf %broadcast_in_dim3A_148, %div3A_150 : vector<1x64xf32>
      %sub3A_152 = vector.broadcast %div3A_140 : vector<1x64xf32> to vector<64x64xf32>
      %sub3A_153 = arith.subf %add3A_128, %sub3A_152 : vector<64x64xf32>
      %add3A_154 = arith.constant 9.99999974E-6 : f32
      %add3A_155 = vector.broadcast %add3A_154 : f32 to vector<1x64xf32>
      %add3A_156 = arith.addf %div3A_151, %add3A_155 : vector<1x64xf32>
      %sqrt3A = math.sqrt %add3A_156 : vector<1x64xf32>
      %div3A_157 = vector.broadcast %sqrt3A : vector<1x64xf32> to vector<64x64xf32>
      %div3A_158 = arith.divf %sub3A_153, %div3A_157 : vector<64x64xf32>
      %mul3A_159 = vector.broadcast %get3A_131 : vector<1x64xf32> to vector<64x64xf32>
      %mul3A_160 = arith.mulf %div3A_158, %mul3A_159 : vector<64x64xf32>
      %add3A_161 = vector.broadcast %get3A_134 : vector<1x64xf32> to vector<64x64xf32>
      %add3A_162 = arith.addf %mul3A_160, %add3A_161 : vector<64x64xf32>
      %max3A_163 = arith.constant 0.000000e+00 : f32
      %max3A_164 = vector.broadcast %max3A_163 : f32 to vector<64x64xf32>
      %max3A_165 = arith.maximumf %add3A_162, %max3A_164 : vector<64x64xf32>
      %get3A_166 = arith.constant 0 : index
      %get3A_167 = arith.constant 0 : index
      %get3A_168 = vector.load %arg16[%get3A_166, %get3A_167] : memref<64x32xf32, #tpu.memory_space<vmem>>, vector<64x32xf32>
      %dot_general3A_169 = arith.constant dense<0.000000e+00> : vector<64x32xf32>
      %dot_general3A_170 = tpu.matmul %max3A_165, %get3A_168, %dot_general3A_169 {dimension_numbers = #tpu.dot_dimension_numbers<[1], [0], [0], [1], [0, 0, 1, 1], [], []>, transpose_lhs_hint = false} : vector<64x64xf32>, vector<64x32xf32>, vector<64x32xf32> -> vector<64x32xf32>
      %get3A_171 = arith.constant 0 : index
      %get3A_172 = arith.constant 0 : index
      %get3A_173 = vector.load %arg17[%get3A_171, %get3A_172] : memref<1x32xf32, #tpu.memory_space<vmem>>, vector<1x32xf32>
      %add3A_174 = vector.broadcast %get3A_173 : vector<1x32xf32> to vector<64x32xf32>
      %add3A_175 = arith.addf %dot_general3A_170, %add3A_174 : vector<64x32xf32>
      %get3A_176 = arith.constant 0 : index
      %get3A_177 = arith.constant 0 : index
      %get3A_178 = vector.load %arg18[%get3A_176, %get3A_177] : memref<1x32xf32, #tpu.memory_space<vmem>>, vector<1x32xf32>
      %get3A_179 = arith.constant 0 : index
      %get3A_180 = arith.constant 0 : index
      %get3A_181 = vector.load %arg19[%get3A_179, %get3A_180] : memref<1x32xf32, #tpu.memory_space<vmem>>, vector<1x32xf32>
      %reduce_sum3A_182 = arith.constant dense<0.000000e+00> : vector<32xf32>
      %reduce_sum3A_183 = vector.multi_reduction <add>, %add3A_175, %reduce_sum3A_182 [0] : vector<64x32xf32> to vector<32xf32>
      %broadcast_in_dim3A_184 = vector.shape_cast %reduce_sum3A_183 : vector<32xf32> to vector<1x32xf32>
      %div3A_185 = arith.constant 6.400000e+01 : f32
      %div3A_186 = vector.broadcast %div3A_185 : f32 to vector<1x32xf32>
      %div3A_187 = arith.divf %broadcast_in_dim3A_184, %div3A_186 : vector<1x32xf32>
      %sub3A_188 = vector.broadcast %div3A_187 : vector<1x32xf32> to vector<64x32xf32>
      %sub3A_189 = arith.subf %add3A_175, %sub3A_188 : vector<64x32xf32>
      %sub3A_190 = vector.broadcast %div3A_187 : vector<1x32xf32> to vector<64x32xf32>
      %sub3A_191 = arith.subf %add3A_175, %sub3A_190 : vector<64x32xf32>
      %mul3A_192 = arith.mulf %sub3A_189, %sub3A_191 : vector<64x32xf32>
      %reduce_sum3A_193 = arith.constant dense<0.000000e+00> : vector<32xf32>
      %reduce_sum3A_194 = vector.multi_reduction <add>, %mul3A_192, %reduce_sum3A_193 [0] : vector<64x32xf32> to vector<32xf32>
      %broadcast_in_dim3A_195 = vector.shape_cast %reduce_sum3A_194 : vector<32xf32> to vector<1x32xf32>
      %div3A_196 = arith.constant 6.400000e+01 : f32
      %div3A_197 = vector.broadcast %div3A_196 : f32 to vector<1x32xf32>
      %div3A_198 = arith.divf %broadcast_in_dim3A_195, %div3A_197 : vector<1x32xf32>
      %sub3A_199 = vector.broadcast %div3A_187 : vector<1x32xf32> to vector<64x32xf32>
      %sub3A_200 = arith.subf %add3A_175, %sub3A_199 : vector<64x32xf32>
      %add3A_201 = arith.constant 9.99999974E-6 : f32
      %add3A_202 = vector.broadcast %add3A_201 : f32 to vector<1x32xf32>
      %add3A_203 = arith.addf %div3A_198, %add3A_202 : vector<1x32xf32>
      %sqrt3A_204 = math.sqrt %add3A_203 : vector<1x32xf32>
      %div3A_205 = vector.broadcast %sqrt3A_204 : vector<1x32xf32> to vector<64x32xf32>
      %div3A_206 = arith.divf %sub3A_200, %div3A_205 : vector<64x32xf32>
      %mul3A_207 = vector.broadcast %get3A_178 : vector<1x32xf32> to vector<64x32xf32>
      %mul3A_208 = arith.mulf %div3A_206, %mul3A_207 : vector<64x32xf32>
      %add3A_209 = vector.broadcast %get3A_181 : vector<1x32xf32> to vector<64x32xf32>
      %add3A_210 = arith.addf %mul3A_208, %add3A_209 : vector<64x32xf32>
      %max3A_211 = arith.constant 0.000000e+00 : f32
      %max3A_212 = vector.broadcast %max3A_211 : f32 to vector<64x32xf32>
      %max3A_213 = arith.maximumf %add3A_210, %max3A_212 : vector<64x32xf32>
      %get3A_214 = arith.constant 0 : index
      %get3A_215 = arith.constant 0 : index
      %get3A_216 = vector.load %arg20[%get3A_214, %get3A_215] : memref<32x10xf32, #tpu.memory_space<vmem>>, vector<32x10xf32>
      %dot_general3A_217 = arith.constant dense<0.000000e+00> : vector<64x10xf32>
      %dot_general3A_218 = tpu.matmul %max3A_213, %get3A_216, %dot_general3A_217 {dimension_numbers = #tpu.dot_dimension_numbers<[1], [0], [0], [1], [0, 0, 1, 1], [], []>, transpose_lhs_hint = false} : vector<64x32xf32>, vector<32x10xf32>, vector<64x10xf32> -> vector<64x10xf32>
      %get3A_219 = arith.constant 0 : index
      %get3A_220 = arith.constant 0 : index
      %get3A_221 = vector.load %arg21[%get3A_219, %get3A_220] : memref<1x10xf32, #tpu.memory_space<vmem>>, vector<1x10xf32>
      %add3A_222 = vector.broadcast %get3A_221 : vector<1x10xf32> to vector<64x10xf32>
      %add3A_223 = arith.addf %dot_general3A_218, %add3A_222 : vector<64x10xf32>
      %reduce_max3A = arith.constant dense<0xFF800000> : vector<64xf32>
      %reduce_max3A_224 = vector.multi_reduction <maximumf>, %add3A_223, %reduce_max3A [1] : vector<64x10xf32> to vector<64xf32>
      %broadcast_in_dim3A_225 = vector.shape_cast %reduce_max3A_224 : vector<64xf32> to vector<64x1xf32>
      %sub3A_226 = vector.broadcast %broadcast_in_dim3A_225 : vector<64x1xf32> to vector<64x10xf32>
      %sub3A_227 = arith.subf %add3A_223, %sub3A_226 : vector<64x10xf32>
      %exp3A = math.exp %sub3A_227 : vector<64x10xf32>
      %reduce_sum3A_228 = arith.constant dense<0.000000e+00> : vector<64xf32>
      %reduce_sum3A_229 = vector.multi_reduction <add>, %exp3A, %reduce_sum3A_228 [1] : vector<64x10xf32> to vector<64xf32>
      %broadcast_in_dim3A_230 = vector.shape_cast %reduce_sum3A_229 : vector<64xf32> to vector<64x1xf32>
      %log3A = math.log %broadcast_in_dim3A_230 : vector<64x1xf32>
      %add3A_231 = arith.addf %log3A, %broadcast_in_dim3A_225 : vector<64x1xf32>
      %sub3A_232 = vector.broadcast %add3A_231 : vector<64x1xf32> to vector<64x10xf32>
      %sub3A_233 = arith.subf %add3A_223, %sub3A_232 : vector<64x10xf32>
      %swap3A_234 = arith.constant 0 : index
      %swap3A_235 = arith.constant 0 : index
      %swap3A_236 = vector.load %arg22[%swap3A_234, %swap3A_235] : memref<64x10xf32, #tpu.memory_space<vmem>>, vector<64x10xf32>
      tpu.vector_store %arg22[%swap3A_234, %swap3A_235], %sub3A_233 {strides = array<i32>} : memref<64x10xf32, #tpu.memory_space<vmem>>, vector<64x10xf32>,
    } else {
    }
    return
  }
  func.func @transform_0(%arg0: i32) -> (i32, i32) {
    %c0_i32 = arith.constant 0 : i32
    %c0_i32_0 = arith.constant 0 : i32
    return %arg0, %c0_i32 : i32, i32
  }
  func.func @transform_1(%arg0: i32) -> (i32, i32) {
    %c0_i32 = arith.constant 0 : i32
    %c0_i32_0 = arith.constant 0 : i32
    return %arg0, %c0_i32 : i32, i32
  }
  func.func @transform_2(%arg0: i32) -> (i32, i32) {
    %c0_i32 = arith.constant 0 : i32
    %c0_i32_0 = arith.constant 0 : i32
    return %arg0, %c0_i32 : i32, i32
  }
  func.func @transform_3(%arg0: i32) -> (i32, i32) {
    %c0_i32 = arith.constant 0 : i32
    %c0_i32_0 = arith.constant 0 : i32
    return %arg0, %c0_i32 : i32, i32
  }
  func.func @transform_4(%arg0: i32) -> (i32, i32) {
    %c0_i32 = arith.constant 0 : i32
    %c0_i32_0 = arith.constant 0 : i32
    return %arg0, %c0_i32 : i32, i32
  }
  func.func @transform_5(%arg0: i32) -> (i32, i32) {
    %c0_i32 = arith.constant 0 : i32
    %c0_i32_0 = arith.constant 0 : i32
    %c0_i32_1 = arith.constant 0 : i32
    return %c0_i32, %c0_i32_0 : i32, i32
  }
  func.func @transform_6(%arg0: i32) -> (i32, i32) {
    %c0_i32 = arith.constant 0 : i32
    %c0_i32_0 = arith.constant 0 : i32
    %c0_i32_1 = arith.constant 0 : i32
    return %c0_i32, %c0_i32_0 : i32, i32
  }
  func.func @transform_7(%arg0: i32) -> (i32, i32) {
    %c0_i32 = arith.constant 0 : i32
    %c0_i32_0 = arith.constant 0 : i32
    %c0_i32_1 = arith.constant 0 : i32
    return %c0_i32, %c0_i32_0 : i32, i32
  }
  func.func @transform_8(%arg0: i32) -> (i32, i32) {
    %c0_i32 = arith.constant 0 : i32
    %c0_i32_0 = arith.constant 0 : i32
    %c0_i32_1 = arith.constant 0 : i32
    return %c0_i32, %c0_i32_0 : i32, i32
  }
  func.func @transform_9(%arg0: i32) -> (i32, i32) {
    %c0_i32 = arith.constant 0 : i32
    %c0_i32_0 = arith.constant 0 : i32
    %c0_i32_1 = arith.constant 0 : i32
    return %c0_i32, %c0_i32_0 : i32, i32
  }
  func.func @transform_10(%arg0: i32) -> (i32, i32, i32) {
    %c0_i32 = arith.constant 0 : i32
    %c0_i32_0 = arith.constant 0 : i32
    %c0_i32_1 = arith.constant 0 : i32
    return %arg0, %c0_i32, %c0_i32_0 : i32, i32, i32
  }
  func.func @transform_11(%arg0: i32) -> (i32, i32) {
    %c0_i32 = arith.constant 0 : i32
    %c0_i32_0 = arith.constant 0 : i32
    %c0_i32_1 = arith.constant 0 : i32
    return %c0_i32, %c0_i32_0 : i32, i32
  }
  func.func @transform_12(%arg0: i32) -> (i32, i32) {
    %c0_i32 = arith.constant 0 : i32
    %c0_i32_0 = arith.constant 0 : i32
    %c0_i32_1 = arith.constant 0 : i32
    return %c0_i32, %c0_i32_0 : i32, i32
  }
  func.func @transform_13(%arg0: i32) -> (i32, i32) {
    %c0_i32 = arith.constant 0 : i32
    %c0_i32_0 = arith.constant 0 : i32
    %c0_i32_1 = arith.constant 0 : i32
    return %c0_i32, %c0_i32_0 : i32, i32
  }
  func.func @transform_14(%arg0: i32) -> (i32, i32) {
    %c0_i32 = arith.constant 0 : i32
    %c0_i32_0 = arith.constant 0 : i32
    %c0_i32_1 = arith.constant 0 : i32
    return %c0_i32, %c0_i32_0 : i32, i32
  }
  func.func @transform_15(%arg0: i32) -> (i32, i32) {
    %c0_i32 = arith.constant 0 : i32
    %c0_i32_0 = arith.constant 0 : i32
    %c0_i32_1 = arith.constant 0 : i32
    return %c0_i32, %c0_i32_0 : i32, i32
  }
  func.func @transform_16(%arg0: i32) -> (i32, i32) {
    %c0_i32 = arith.constant 0 : i32
    %c0_i32_0 = arith.constant 0 : i32
    %c0_i32_1 = arith.constant 0 : i32
    return %c0_i32, %c0_i32_0 : i32, i32
  }
  func.func @transform_17(%arg0: i32) -> (i32, i32) {
    %c0_i32 = arith.constant 0 : i32
    %c0_i32_0 = arith.constant 0 : i32
    %c0_i32_1 = arith.constant 0 : i32
    return %c0_i32, %c0_i32_0 : i32, i32
  }
  func.func @transform_18(%arg0: i32) -> (i32, i32) {
    %c0_i32 = arith.constant 0 : i32
    %c0_i32_0 = arith.constant 0 : i32
    %c0_i32_1 = arith.constant 0 : i32
    return %c0_i32, %c0_i32_0 : i32, i32
  }
  func.func @transform_19(%arg0: i32) -> (i32, i32) {
    %c0_i32 = arith.constant 0 : i32
    %c0_i32_0 = arith.constant 0 : i32
    %c0_i32_1 = arith.constant 0 : i32
    return %c0_i32, %c0_i32_0 : i32, i32
  }
  func.func @transform_20(%arg0: i32) -> (i32, i32) {
    %c0_i32 = arith.constant 0 : i32
    %c0_i32_0 = arith.constant 0 : i32
    %c0_i32_1 = arith.constant 0 : i32
    return %c0_i32, %c0_i32_0 : i32, i32
  }
  func.func @transform_21(%arg0: i32) -> (i32, i32) {
    %c0_i32 = arith.constant 0 : i32
    %c0_i32_0 = arith.constant 0 : i32
    %c0_i32_1 = arith.constant 0 : i32
    return %c0_i32, %c0_i32_0 : i32, i32
  }
}

</mosaic_0001>

<sc_bundles>
// kernel: kernel.6.cloned.1.call-start
scs
__scs_entry_jumppad:
0x0: {  	(pc) =	sbr.rel $0x88, $3  }
0x1: {  	(tag) =	ssettag $0x0;
	lr =	simm.s32 $0x1  }
0x2: {  	[smem:$0x3F8F] =	sst lr;
	_ =	strace $0xD0000000  }
0x3: {  	_ = 	snop  }
0x4: {  	_ = 	snop  }
0x5: {  	_ = 	snop  }
0x6: {  	_ = 	snop  }
0x7: {  	_ = 	snop  }
__scs_overlays_trampoline_lowered:
0x8: {  	[smem:$0x3F9E] =	sst s0  }
0x9: {  	[smem:$0x3F9F] =	sst s1  }
0xa: {  	[smem:$0x3FA0] =	sst s2  }
0xb: {  	[smem:$0x3FA1] =	sst s3  }
0xc: {  	[smem:$0x3FA2] =	sst s4  }
0xd: {  	[smem:$0x3FA3] =	sst s5  }
0xe: {  	[smem:$0x3FA4] =	sst s6  }
0xf: {  	[smem:$0x3FA5] =	sst s7  }
0x10: {  	[smem:$0x3FA6] =	sst s8  }
0x11: {  	[smem:$0x3FA7] =	sst s9;
	s0 =	simm.s32 @!p0 $0x0  }
0x12: {  	s1 =	sld [smem:$0x3F8D];
	s0 =	simm.s32 @p0 $0x1  }
0x13: {  	[smem:$0x3FA8] =	sst s0;
	s0 =	simm.s32 @!p1 $0x0  }
0x14: {  	s2 =	sld [smem:$0x3F8C];
	s0 =	simm.s32 @p1 $0x1  }
0x15: {  	[smem:$0x3FA9] =	sst s0;
	s0 =	simm.s32 @!p2 $0x0  }
0x16: {  	s3 =	sld [smem:$0x3FDB];
	s0 =	simm.s32 @p2 $0x1  }
0x17: {  	s4 =	simm.s32 $0x1BF5;
	[smem:$0x3FAB] =	sst s0  }
0x18: {  	s0 =	sld [smem:$0x3F8E];
	_ =	swait.ge [sflag:s4], $0x0  }
0x19: {  	s7 =	sld [smem:$0x3F8F]  }
0x1a: {  	s8 =	sadd.s32 $0xFFFFE003, lr  }
0x1b: {  	s9 =	sadd.s32 $0xFFFFFEF7, lr;
	s5 =	simm.s32 $0xFFFFFFFF;
	p2 =	slt.u32 s8, $0xFFFFF086  }
0x1c: {  	p1 =	slt.u32 s9, $0xF7A;
	s5 =	simm.s32 @!p2 $0x0  }
0x1d: {  	s5 =	simm.s32 @p1 $0x1;
	p0 =	seq.s32 s7, s2  }
0x1e: {  	s7 =	smul.u32 @!p0 $0xF7A, s2;
	p2 =	seq.s32 @!p0 s5, $0x0  }
0x1f: {  	s9 =	smul.u32 $0xF7A, s1;
	s8 =	simm.s32 @!p0 $0x1BF5;
	p2 =	por !p2, p0  }
0x20: {  	[sflag:s8] =	ssyncset.s32 @!p0 $0xFFFFF086;
	s6 =	sadd.s32 @!p0 s3, s7;
	s7 =	simm.s32 @!p0 $0x108  }
0x21: {  	s3 =	sadd.s32 s3, s9;
	s6 =	sadd.s32 @!p0 $0x88, s6;
	s7 =	simm.s32 @p2 $0x1082  }
0x22: {  	[simem:s7], [sflag:s8] =	dma.local @!p0 [hbm:s6], $0xF7A  }
0x23: {  	s9 =	sor.u32 $0xD0000000, s2;
	s6 =	simm.s32 $0x108;
	_ =	swait.ge @!p0 [sflag:s8], $0x0  }
0x24: {  	s3 =	sadd.s32 $0x88, s3;
	s6 =	simm.s32 @!p1 $0x1082;
	[sflag:s4] =	ssyncset.s32 $0xFFFFF086  }
0x25: {  	[simem:s6], [sflag:s4] =	dma.local [hbm:s3], $0xF7A  }
0x26: {  	[smem:$0x3F8F] =	sst s1;
	(tag) =	ssettag s2;
	_ =	strace s9  }
0x27: {  	s1 =	sld [smem:$0x3F9F]  }
0x28: {  	s2 =	sld [smem:$0x3FA0]  }
0x29: {  	s4 =	sld [smem:$0x3FA2]  }
0x2a: {  	p0 =	seq.s32 s5, $0x0;
	s5 =	sld [smem:$0x3FA3]  }
0x2b: {  	s6 =	sld [smem:$0x3FA4]  }
0x2c: {  	s7 =	sld [smem:$0x3FA5]  }
0x2d: {  	s3 =	simm.s32 $0x108;
	s8 =	sld [smem:$0x3FA6]  }
0x2e: {  	s3 =	simm.s32 @!p0 $0x1082;
	s9 =	sld [smem:$0x3FA7]  }
0x2f: {  	lr =	sadd.s32 s0, s3;
	s0 =	sld [smem:$0x3F9E]  }
0x30: {  	s3 =	sld [smem:$0x3FA1]  }
0x31: {  	[smem:$0x3FAA] =	sst s10  }
0x32: {  	s10 =	sld [smem:$0x3FA8];
	_ =	sdelay $0x3  }
0x33: {  	p0 =	seq.s32 s10, $0x1;
	s10 =	sld [smem:$0x3FAA];
	_ =	sdelay $0x3  }
0x34: {  	[smem:$0x3FAA] =	sst s10  }
0x35: {  	s10 =	sld [smem:$0x3FA9];
	_ =	sdelay $0x3  }
0x36: {  	p1 =	seq.s32 s10, $0x1;
	s10 =	sld [smem:$0x3FAA];
	_ =	sdelay $0x3  }
0x37: {  	[smem:$0x3FAA] =	sst s10  }
0x38: {  	s10 =	sld [smem:$0x3FAB]  }
0x39: {  	_ = 	snop;
	(pc) =	sbr.ind lr, $3  }
0x3a: {  	_ = 	snop  }
0x3b: {  	_ = 	snop  }
0x3c: {  	p2 =	seq.s32 s10, $0x1;
	s10 =	sld [smem:$0x3FAA]  }
0x3d: {  	_ =	shalt  }
0x3e: {  	_ =	shalt  }
0x3f: {  	_ =	shalt  }
0x40: {  	_ =	shalt  }
0x41: {  	_ =	shalt  }
0x42: {  	_ =	shalt  }
0x43: {  	_ =	shalt  }
0x44: {  	_ =	shalt  }
0x45: {  	_ =	shalt  }
0x46: {  	_ =	shalt  }
0x47: {  	_ =	shalt  }
0x48: {  	_ =	shalt  }
0x49: {  	_ =	shalt  }
0x4a: {  	_ =	shalt  }
0x4b: {  	_ =	shalt  }
0x4c: {  	_ =	shalt  }
0x4d: {  	_ =	shalt  }
0x4e: {  	_ =	shalt  }
0x4f: {  	_ =	shalt  }
0x50: {  	_ =	shalt  }
0x51: {  	_ =	shalt  }
0x52: {  	_ =	shalt  }
0x53: {  	_ =	shalt  }
0x54: {  	_ =	shalt  }
0x55: {  	_ =	shalt  }
0x56: {  	_ =	shalt  }
0x57: {  	_ =	shalt  }
0x58: {  	_ =	shalt  }
0x59: {  	_ =	shalt  }
0x5a: {  	_ =	shalt  }
0x5b: {  	_ =	shalt  }
0x5c: {  	_ =	shalt  }
0x5d: {  	_ =	shalt  }
0x5e: {  	_ =	shalt  }
0x5f: {  	_ =	shalt  }
0x60: {  	_ =	shalt  }
0x61: {  	_ =	shalt  }
0x62: {  	_ =	shalt  }
0x63: {  	_ =	shalt  }
0x64: {  	_ =	shalt  }
0x65: {  	_ =	shalt  }
0x66: {  	_ =	shalt  }
0x67: {  	_ =	shalt  }
0x68: {  	_ =	shalt  }
0x69: {  	_ =	shalt  }
0x6a: {  	_ =	shalt  }
0x6b: {  	_ =	shalt  }
0x6c: {  	_ =	shalt  }
0x6d: {  	_ =	shalt  }
0x6e: {  	_ =	shalt  }
0x6f: {  	_ =	shalt  }
0x70: {  	_ =	shalt  }
0x71: {  	_ =	shalt  }
0x72: {  	_ =	shalt  }
0x73: {  	_ =	shalt  }
0x74: {  	_ =	shalt  }
0x75: {  	_ =	shalt  }
0x76: {  	_ =	shalt  }
0x77: {  	_ =	shalt  }
0x78: {  	_ =	shalt  }
0x79: {  	_ =	shalt  }
0x7a: {  	_ =	shalt  }
0x7b: {  	_ =	shalt  }
0x7c: {  	_ =	shalt  }
0x7d: {  	_ =	shalt  }
0x7e: {  	_ =	shalt  }
0x7f: {  	_ =	shalt  }
0x80: {  	_ =	shalt  }
0x81: {  	_ =	shalt  }
0x82: {  	_ =	shalt  }
0x83: {  	_ =	shalt  }
0x84: {  	_ =	shalt  }
0x85: {  	_ =	shalt  }
0x86: {  	_ =	shalt  }
0x87: {  	_ =	shalt  }
.Lfunc_end0:
.L_simem_size_0:
called_computation_lowered:
.L_overlay_start_0:
0x88: {  	s2 =	sld [smem:$0x3FD9]  }
0x89: {  	s3 =	sld [smem:$0x3FFE];
	_ =	sdelay $0x1  }
0x8a: {  	s1 =	srdreg.scid  }
0x8b: {  	s0 =	sand.u32 $0x1, s1  }
0x8c: {  	s17 =	sshll.u32 s0, $0xA;
	s2 =	sadd.s32 s3, s2  }
0x8d: {  	s2 =	sadd.s32 s2, s17  }
0x8e: {  	[smem:$0x3FB6] =	sst s2  }
0x8f: {  	_ = 	snop  }
0x90: {  	s2 =	sld [smem:$0x3FC9];
	(tm) =	ssettm $0x1  }
0x91: {  	s18 =	sld [smem:$0x3FFB];
	_ =	sdelay $0x3  }
0x92: {  	_ =	strace s18  }
0x93: {  	s3 =	sld [smem:$0x3FFC];
	_ =	sdelay $0x3  }
0x94: {  	_ =	strace s3  }
0x95: {  	s3 =	sld [smem:$0x3FFD];
	_ =	sdelay $0x3  }
0x96: {  	_ =	strace s3  }
0x97: {  	_ =	strace $0x8FFFFFFF  }
0x98: {  	s19 =	sld [smem:$0x3FDB];
	_ =	sdelay $0x1  }
0x99: {  	s4 =	simm.s32 $_scs_section_size  }
0x9a: {  	s5 =	simm.s32 $_size__tile_overlayer_lowered;
	s6 =	simm.s32 $_tile_overlayer_lowered  }
0x9b: {  	s22 =	simm.s32 $0x1BFF;
	s21 =	sshll.u32 s6, $0x1;
	s3 =	sadd.s32 s4, s19  }
0x9c: {  	s7 =	simm.s32 $0x0;
	s20 =	sshll.u32 s5, $0x1;
	s5 =	sadd.s32 s21, s3  }
0x9d: {  	[timem:s7], [sflag:s22] =	dma.local [hbm:s5], s20  }
0x9e: {  	_ =	swait.ge [sflag:s22], s20  }
0x9f: {  	s4 =	ssub.s32 $0x0, s20;
	[sflag:s22] =	ssyncset.done $0x0  }
0xa0: {  	[sflag:s22] =	ssyncadd.s32 s4;
	_ =	sdelay $0x1  }
0xa1: {  	s23 =	simm.s32 $0x1B8B  }
0xa2: {  	_ =	swait.ge [sflag:s23], $0x1  }
0xa3: {  	[sflag:s23] =	ssyncset.done $0x0  }
0xa4: {  	s25 =	simm.s32 $0x1B8E;
	s24 =	sld [smem:$0x3FFE];
	[sflag:s23] =	ssyncadd.s32 $0xFFFFFFFF  }
0xa5: {  	s26 =	simm.s32 $execute0_lowered;
	[smem:$0x3FD2] =	sst s25  }
0xa6: {  	s5 =	sshll.u32 s26, $0x1;
	_ =	strace $0x80000046;
	[dreg:$0x1] =	wrdreg $0xFFFFFFFF  }
0xa7: {  	s28 =	simm.s32 $_size_execute0_lowered;
	s3 =	sadd.s32 s3, s5;
	[dreg:$0x0] =	wrdreg $0x0  }
0xa8: {  	s5 =	sshll.u32 s28, $0x1;
	[dreg:$0x2] =	wrdreg s3  }
0xa9: {  	[dreg:$0x3] =	wrdreg s5  }
0xaa: {  	[dreg:$0x4] =	wrdreg $0xC0  }
0xab: {  	_ =	task [dreg:s7], $0x5FFFF  }
0xac: {  	[dreg:$0x1] =	wrdreg $0xFFFFFFFF  }
0xad: {  	[dreg:$0x0] =	wrdreg $0x60  }
0xae: {  	[dreg:$0x2] =	wrdreg s2  }
0xaf: {  	[dreg:$0x3] =	wrdreg s24  }
0xb0: {  	[dreg:$0x4] =	wrdreg $0xB0000  }
0xb1: {  	[dreg:$0x5] =	wrdreg $0x9  }
0xb2: {  	_ =	task.clear_ibuf [dreg:s7], $0x6FFFF;
	_ =	strace $0x90000046  }
0xb3: {  	s29 =	simm.s32 $0x9;
	_ =	strace $0x80000048  }
0xb4: {  	_ =	swait.ge [sflag:s29], $0x1  }
0xb5: {  	[sflag:s29] =	ssyncadd.s32 $0xFFFFFFFF  }
0xb6: {  	_ =	strace $0x90000048  }
0xb7: {  	_ =	sfence  }
0xb8: {  	s30 =	sld [smem:$0x0];
	_ =	sdelay $0x2  }
0xb9: {  	s31 =	sshll.u32 s1, $0xD;
	s1 =	sshrl.u32 s1, $0x2  }
0xba: {  	s3 =	sand.u32 $0x4000, s31;
	s1 =	sadd.s32 s1, s30  }
0xbb: {  	s0 =	sor.u32 s3, s0;
	s1 =	sshll.u32 s1, $0x11  }
0xbc: {  	s0 =	sor.u32 s1, s0  }
0xbd: {  	s0 =	sadd.s32 $0x8F2B, s0  }
0xbe: {  	[sflag:s0] =	ssyncadd.remote.s32 $0x1  }
0xbf: {  	_ =	sfence.sel $0xFFFF  }
0xc0: {  	[dreg:$0x0] =	wrdreg $0xFFFFFFFF;
	(pc) =	sbr.abs _section_cstart, $3  }
0xc1: {  	[dreg:$0x1] =	wrdreg $0xFFFFFFFF  }
0xc2: {  	_ =	task.clear_ibuf [dreg:s7], $0x2FFFF;
	_ =	strace $0x9FFFFFFF  }
0xc3: {  	(tm) =	ssettm $0x7FFFFFFF  }
tec
execute0_lowered:
.L_overlay_start_1:
0x0: {  	(tag) =	ssettag $0x1  }
0x1: {  	s2 =	rddreg [dreg:$0x0]  }
0x2: {  	s0 =	srdreg.scid;
	s7 =	rddreg [dreg:$0x1]  }
0x3: {  	s23 =	stileid.u32;
	s3 =	rddreg [dreg:$0x2]  }
0x4: {  	s4 =	simm.s32 $0x0;
	s17 =	simm.s32 $0x7D;
	s18 =	simm.s32 $0x3000  }
0x5: {  	s19 =	simm.s32 $0x80;
	s20 =	simm.s32 $0x7000;
	s5 =	smul.u32 $0x2800, s23  }
0x6: {  	s21 =	simm.s32 $0x1;
	s22 =	simm.s32 $0x2;
	s8 =	smul.u32 $0x280, s23  }
0x7: {  	s6 =	sand.u32 $0x1, s0;
	[smem:$0x7FF] =	sst s4;
	s24 =	smul.u32 $0x50000, s23  }
0x8: {  	s11 =	sadd.s32 $0x4400, s7;
	s29 =	sshll.u32 s23, $0x6;
	s30 =	smul.u32 $0x500, s23  }
0x9: {  	s1 =	sshll.u32 s6, $0x4;
	s10 =	smul.u32 $0x2800, s6;
	_ =	strace $0x80000047  }
0xa: {  	s14 =	ssub.s32 $0x2, s6;
	s28 =	smul.u32 $0x5000, s6;
	s1 =	sor.u32 s23, s1  }
0xb: {  	s13 =	sadd.s32 s5, s7;
	s5 =	sadd.s32 $0x40400, s7;
	s25 =	sshrl.u32 s14, $0x1  }
0xc: {  	s26 =	sshrl.u32 s24, $0x2;
	s23 =	simm.s32 $0x4;
	s24 =	simm.s32 $0x3  }
0xd: {  	s9 =	smul.u32 $0x500, s1;
	s8 =	sadd.s32 s8, s10;
	s14 =	ssub.s32 s14, s25  }
0xe: {  	s16 =	sadd.s32 s26, s3;
	s6 =	sadd.s32 $0x18400, s13;
	s31 =	sadd.s32 s28, s11  }
0xf: {  	s25 =	simm.s32 $0x0;
	s8 =	sshll.u32 s8, $0x4;
	s13 =	sadd.s32 s30, s31  }
0x10: {  	s12 =	sadd.s32 s9, s7;
	s15 =	sadd.s32 s8, s7;
	s7 =	sor.u32 $0x1C05, s29  }
0x11: {  	s9 =	sadd.s32 s11, s9;
	s13 =	sadd.s32 $0x80, s13;
	s8 =	sadd.s32 $0xE400, s12  }
0x12: {  	s10 =	sadd.s32 $0x40C00, s15;
	s11 =	sadd.s32 $0x90C00, s15;
	s12 =	smax.u32 s14, $0x1  }
0x13: {  	s14 =	sshrl.u32 s16, $0x3;
	s15 =	simm.s32 $0x5;
	s16 =	simm.s32 $0x800  }
.LBB2_1:
0x14: {  	[spmem:s14], [sflag:s7] =	dma.local [hbm:s6], $0x2800  }
0x15: {  	_ =	swait.ge [sflag:s15], $0x2800  }
0x16: {  	[sflag:s15] =	ssyncset.done $0x0  }
0x17: {  	[sflag:s15] =	ssyncadd.s32 $0xFFFFD800  }
0x18: {  	[tilespmem:s16], [sflag:$0x5] =	stream.linear.gather [hbm4b:s8+s4], $0x2800, $0x38;
	[tilespmem:$0x1F000] =	vst v63  }
0x19: {  	_ =	swait.ge [sflag:s15], $0x2800  }
0x1a: {  	[sflag:s15] =	ssyncset.done $0x0  }
0x1b: {  	[sflag:s15] =	ssyncadd.s32 $0xFFFFD800  }
0x1c: {  	[tilespmem:s4], [sflag:$0x5] =	stream.linear.gather [hbm4b:s9+s4], $0x400, $0x38;
	[tilespmem:$0x1F000] =	vst v63  }
0x1d: {  	_ =	swait.ge [sflag:s15], $0x400  }
0x1e: {  	[sflag:s15] =	ssyncset.done $0x0  }
0x1f: {  	[sflag:s15] =	ssyncadd.s32 $0xFFFFFC00  }
0x20: {  	[bflag:$0x0] =	sbarrier.arrive $0xFFFF  }
0x21: {  	[tilespmem:s18], [sflag:$0x1] =	stream.indirect.gather [hbm4b:s2+s17], $0x80, s4, s17, $0xb8;
	[tilespmem:$0x1F000] =	vst v63  }
0x22: {  	s26 =	simm.s32 $0x1;
	s28 =	simm.s32 $0x0;
	s29 =	smov.u32 s13  }
0x23: {  	[tilespmem:s20], [sflag:$0x2] =	stream.indirect.gather [hbm4b:s2+s17], $0x80, s19, s17, $0xb8;
	[tilespmem:$0x1F000] =	vst v63  }
.LBB2_2:
0x24: {  	s31 =	sand.u32 $0x1, s26;
	p0 =	seq.s32 s28, $0x9000  }
0x25: {  	s30 =	sshll.u32 @!p0 s31, $0xA;
	s1 =	simm.s32 @!p0 $0x0  }
0x26: {  	[tilespmem:s30], [sflag:$0x3] =	stream.linear.gather @!p0 [hbm4b:s29+s1], $0x400, $0x38;
	[tilespmem:$0x1F000] =	vst v63  }
0x27: {  	_ =	swait.ge [sflag:s21], $0x3E80  }
0x28: {  	s30 =	sshra.s32 s28, $0x2;
	[sflag:s21] =	ssyncset.done $0x0  }
0x29: {  	s0 =	sadd.s32 $0x800, s30;
	[sflag:s21] =	ssyncadd.s32 $0xFFFFC180  }
0x2a: {  	[spmem:s3] =	stream.indirect.scatter.add.f32 [tilespmem:s18], [sflag:$0x5], $0x80, s0, s17, $0xb8;
	[tilespmem:$0x1F000] =	vst v63  }
0x2b: {  	s0 =	sshrl.u32 s28, $0x2;
	_ =	swait.ge [sflag:s15], $0x3E80  }
0x2c: {  	s1 =	sand.u32 $0x400, s0;
	[sflag:s15] =	ssyncset.done $0x0  }
0x2d: {  	s0 =	sor.u32 $0x100, s1;
	[sflag:s15] =	ssyncadd.s32 $0xFFFFC180  }
0x2e: {  	[tilespmem:s18], [sflag:$0x1] =	stream.indirect.gather [hbm4b:s2+s17], $0x80, s0, s17, $0xb8;
	[tilespmem:$0x1F000] =	vst v63  }
0x2f: {  	_ =	swait.ge [sflag:s22], $0x3E80  }
0x30: {  	[sflag:s22] =	ssyncset.done $0x0  }
0x31: {  	s0 =	sadd.s32 $0x880, s30;
	[sflag:s22] =	ssyncadd.s32 $0xFFFFC180  }
0x32: {  	[spmem:s3] =	stream.indirect.scatter.add.f32 [tilespmem:s20], [sflag:$0x5], $0x80, s0, s17, $0xb8;
	[tilespmem:$0x1F000] =	vst v63  }
0x33: {  	_ =	swait.ge [sflag:s15], $0x3E80  }
0x34: {  	[sflag:s15] =	ssyncset.done $0x0  }
0x35: {  	s0 =	sor.u32 $0x180, s1;
	[sflag:s15] =	ssyncadd.s32 $0xFFFFC180  }
0x36: {  	[tilespmem:s20], [sflag:$0x2] =	stream.indirect.gather [hbm4b:s2+s17], $0x80, s0, s17, $0xb8;
	[tilespmem:$0x1F000] =	vst v63  }
0x37: {  	_ =	swait.ge [sflag:s21], $0x3E80  }
0x38: {  	[sflag:s21] =	ssyncset.done $0x0  }
0x39: {  	s0 =	sadd.s32 $0x900, s30;
	[sflag:s21] =	ssyncadd.s32 $0xFFFFC180  }
0x3a: {  	[spmem:s3] =	stream.indirect.scatter.add.f32 [tilespmem:s18], [sflag:$0x5], $0x80, s0, s17, $0xb8;
	[tilespmem:$0x1F000] =	vst v63  }
0x3b: {  	_ =	swait.ge [sflag:s15], $0x3E80  }
0x3c: {  	[sflag:s15] =	ssyncset.done $0x0  }
0x3d: {  	s0 =	sor.u32 $0x200, s1;
	[sflag:s15] =	ssyncadd.s32 $0xFFFFC180  }
0x3e: {  	[tilespmem:s18], [sflag:$0x1] =	stream.indirect.gather [hbm4b:s2+s17], $0x80, s0, s17, $0xb8;
	[tilespmem:$0x1F000] =	vst v63  }
0x3f: {  	_ =	swait.ge [sflag:s22], $0x3E80  }
0x40: {  	[sflag:s22] =	ssyncset.done $0x0  }
0x41: {  	s0 =	sadd.s32 $0x980, s30;
	[sflag:s22] =	ssyncadd.s32 $0xFFFFC180  }
0x42: {  	[spmem:s3] =	stream.indirect.scatter.add.f32 [tilespmem:s20], [sflag:$0x5], $0x80, s0, s17, $0xb8;
	[tilespmem:$0x1F000] =	vst v63  }
0x43: {  	_ =	swait.ge [sflag:s15], $0x3E80  }
0x44: {  	[sflag:s15] =	ssyncset.done $0x0  }
0x45: {  	s0 =	sor.u32 $0x280, s1;
	[sflag:s15] =	ssyncadd.s32 $0xFFFFC180  }
0x46: {  	[tilespmem:s20], [sflag:$0x2] =	stream.indirect.gather [hbm4b:s2+s17], $0x80, s0, s17, $0xb8;
	[tilespmem:$0x1F000] =	vst v63  }
0x47: {  	_ =	swait.ge [sflag:s21], $0x3E80  }
0x48: {  	[sflag:s21] =	ssyncset.done $0x0  }
0x49: {  	s0 =	sadd.s32 $0xA00, s30;
	[sflag:s21] =	ssyncadd.s32 $0xFFFFC180  }
0x4a: {  	[spmem:s3] =	stream.indirect.scatter.add.f32 [tilespmem:s18], [sflag:$0x5], $0x80, s0, s17, $0xb8;
	[tilespmem:$0x1F000] =	vst v63  }
0x4b: {  	_ =	swait.ge [sflag:s15], $0x3E80  }
0x4c: {  	[sflag:s15] =	ssyncset.done $0x0  }
0x4d: {  	s0 =	sor.u32 $0x300, s1;
	[sflag:s15] =	ssyncadd.s32 $0xFFFFC180  }
0x4e: {  	[tilespmem:s18], [sflag:$0x1] =	stream.indirect.gather [hbm4b:s2+s17], $0x80, s0, s17, $0xb8;
	[tilespmem:$0x1F000] =	vst v63  }
0x4f: {  	_ =	swait.ge [sflag:s22], $0x3E80  }
0x50: {  	[sflag:s22] =	ssyncset.done $0x0  }
0x51: {  	s0 =	sadd.s32 $0xA80, s30;
	[sflag:s22] =	ssyncadd.s32 $0xFFFFC180  }
0x52: {  	[spmem:s3] =	stream.indirect.scatter.add.f32 [tilespmem:s20], [sflag:$0x5], $0x80, s0, s17, $0xb8;
	[tilespmem:$0x1F000] =	vst v63  }
0x53: {  	_ =	swait.ge [sflag:s15], $0x3E80  }
0x54: {  	[sflag:s15] =	ssyncset.done $0x0  }
0x55: {  	s1 =	sor.u32 $0x380, s1;
	[sflag:s15] =	ssyncadd.s32 $0xFFFFC180  }
0x56: {  	[tilespmem:s20], [sflag:$0x2] =	stream.indirect.gather [hbm4b:s2+s17], $0x80, s1, s17, $0xb8;
	[tilespmem:$0x1F000] =	vst v63  }
0x57: {  	_ =	swait.ge [sflag:s21], $0x3E80  }
0x58: {  	p0 =	sne.s32 s28, $0x9000;
	[sflag:s21] =	ssyncset.done $0x0  }
.Ltmp0:
0x59: {  	s1 =	sadd.s32 $0xB00, s30;
	[sflag:s21] =	ssyncadd.s32 $0xFFFFC180;
	(pc) =	sbr.rel @!p0 .LBB2_3-.Ltmp0, $4  }
0x5a: {  	[spmem:s3] =	stream.indirect.scatter.add.f32 [tilespmem:s18], [sflag:$0x5], $0x80, s1, s17, $0xb8;
	[tilespmem:$0x1F000] =	vst v63  }
0x5b: {  	_ =	swait.ge [sflag:s15], $0x3E80  }
0x5c: {  	[sflag:s15] =	ssyncset.done $0x0  }
0x5d: {  	[sflag:s15] =	ssyncadd.s32 $0xFFFFC180  }
0x5e: {  	_ =	swait.ge [sflag:s24], $0x400  }
0x5f: {  	[sflag:s24] =	ssyncset.done $0x0  }
0x60: {  	s0 =	sshll.u32 s31, $0xA;
	[sflag:s24] =	ssyncadd.s32 $0xFFFFFC00  }
0x61: {  	[tilespmem:s18], [sflag:$0x1] =	stream.indirect.gather [hbm4b:s2+s17], $0x80, s0, s17, $0xb8;
	[tilespmem:$0x1F000] =	vst v63  }
0x62: {  	_ =	swait.ge [sflag:s22], $0x3E80  }
0x63: {  	s28 =	sadd.s32 $0x1000, s28;
	[sflag:s22] =	ssyncset.done $0x0  }
0x64: {  	s1 =	sadd.s32 $0xB80, s30;
	p0 =	sne.s32 s28, $0xA000;
	[sflag:s22] =	ssyncadd.s32 $0xFFFFC180  }
0x65: {  	[spmem:s3] =	stream.indirect.scatter.add.f32 [tilespmem:s20], [sflag:$0x5], $0x80, s1, s17, $0xb8;
	[tilespmem:$0x1F000] =	vst v63  }
.Ltmp1:
0x66: {  	_ = 	snop;
	(pc) =	sbr.rel @p0 .LBB2_2-.Ltmp1, $4  }
.Ltmp2:
0x67: {  	_ =	swait.ge [sflag:s15], $0x3E80;
	(pc) =	sbr.rel @!p0 .LBB2_5-.Ltmp2, $4  }
0x68: {  	s29 =	sadd.s32 $0x80, s29;
	[sflag:s15] =	ssyncset.done $0x0  }
0x69: {  	s26 =	sadd.s32 $0x1, s26;
	s0 =	sor.u32 $0x80, s0;
	[sflag:s15] =	ssyncadd.s32 $0xFFFFC180  }
0x6a: {  	[tilespmem:s20], [sflag:$0x2] =	stream.indirect.gather [hbm4b:s2+s17], $0x80, s0, s17, $0xb8;
	[tilespmem:$0x1F000] =	vst v63  }
0x6b: {  	_ = 	snop  }
.LBB2_3:
0x6c: {  	_ =	swait.ge [sflag:s22], $0x3E80  }
0x6d: {  	[sflag:s22] =	ssyncset.done $0x0  }
0x6e: {  	s0 =	sadd.s32 $0xB80, s30;
	[sflag:s22] =	ssyncadd.s32 $0xFFFFC180  }
0x6f: {  	[spmem:s3] =	stream.indirect.scatter.add.f32 [tilespmem:s20], [sflag:$0x5], $0x80, s0, s17, $0xb8;
	[tilespmem:$0x1F000] =	vst v63  }
0x70: {  	_ =	swait.ge [sflag:s15], $0x3E80  }
0x71: {  	[sflag:s15] =	ssyncset.done $0x0  }
0x72: {  	[sflag:s15] =	ssyncadd.s32 $0xFFFFC180  }
.LBB2_5:
0x73: {  	[bflag:$0x0] =	sbarrier.arrive $0xFFFF  }
0x74: {  	[hbm:s10], [sflag:s7] =	dma.local [spmem:s14], $0x2800  }
0x75: {  	_ =	swait.ge [sflag:s15], $0x2800  }
0x76: {  	[sflag:s15] =	ssyncset.done $0x0  }
0x77: {  	[sflag:s15] =	ssyncadd.s32 $0xFFFFD800  }
0x78: {  	[bflag:$0x0] =	sbarrier.arrive $0xFFFF  }
0x79: {  	[spmem:s14], [sflag:s7] =	dma.local [hbm:s6], $0x2800  }
0x7a: {  	_ =	swait.ge [sflag:s15], $0x2800  }
0x7b: {  	[sflag:s15] =	ssyncset.done $0x0  }
0x7c: {  	s0 =	simm.s32 $0x0;
	[sflag:s15] =	ssyncadd.s32 $0xFFFFD800  }
0x7d: {  	[tilespmem:s18], [sflag:$0x5] =	stream.linear.gather [hbm4b:s5+s0], $0x3E80, $0x38;
	[tilespmem:$0x1F000] =	vst v63  }
0x7e: {  	_ =	swait.ge [sflag:s15], $0x3E80  }
0x7f: {  	[sflag:s15] =	ssyncset.done $0x0  }
0x80: {  	p0 =	por $0x1, $0x1;
	[sflag:s15] =	ssyncadd.s32 $0xFFFFC180  }
0x81: {  	s26 =	simm.s32 $0x800;
	s29 =	simm.s32 @!p0 $0x4;
	[bflag:$0x0] =	sbarrier.arrive $0xFFFF  }
0x82: {  	[spmem:s3] =	stream.indirect.scatter.add.f32 [tilespmem:s18], [sflag:$0x4], $0x80, s26, s17, $0xb8;
	[tilespmem:$0x1F000] =	vst v63  }
0x83: {  	_ =	swait.ge @!p0 [sflag:s29], $0x3E80  }
0x84: {  	s28 =	simm.s32 $0x1;
	[sflag:s29] =	ssyncset.done @!p0 $0x0  }
.LBB2_6:
0x85: {  	[sflag:s29] =	ssyncadd.s32 @!p0 $0xFFFFC180  }
0x86: {  	s26 =	sadd.s32 $0x80, s26;
	s0 =	smov.u32 s28;
	s28 =	sadd.s32 $0x1, s28  }
0x87: {  	p1 =	sne.s32 s28, $0x50  }
0x88: {  	[spmem:s3] =	stream.indirect.scatter.add.f32 [tilespmem:s18], [sflag:$0x4], $0x80, s26, s17, $0xb8;
	[tilespmem:$0x1F000] =	vst v63  }
.Ltmp3:
0x89: {  	_ = 	snop;
	(pc) =	sbr.rel @p1 .LBB2_6-.Ltmp3, $4  }
0x8a: {  	p0 =	slt.u32 s0, $0x10  }
0x8b: {  	s29 =	simm.s32 @!p0 $0x4  }
0x8c: {  	_ =	swait.ge @!p0 [sflag:s29], $0x3E80  }
0x8d: {  	[sflag:s29] =	ssyncset.done @!p0 $0x0  }
0x8e: {  	[sflag:s29] =	ssyncadd.s32 @!p0 $0xFFFFC180  }
0x8f: {  	_ =	swait.ge [sflag:s23], $0x3E80  }
0x90: {  	[sflag:s23] =	ssyncset.done $0x0  }
0x91: {  	[sflag:s23] =	ssyncadd.s32 $0xFFFFC180  }
0x92: {  	_ =	swait.ge [sflag:s23], $0x3E80  }
0x93: {  	[sflag:s23] =	ssyncset.done $0x0  }
0x94: {  	[sflag:s23] =	ssyncadd.s32 $0xFFFFC180  }
0x95: {  	_ =	swait.ge [sflag:s23], $0x3E80  }
0x96: {  	[sflag:s23] =	ssyncset.done $0x0  }
0x97: {  	[sflag:s23] =	ssyncadd.s32 $0xFFFFC180  }
0x98: {  	_ =	swait.ge [sflag:s23], $0x3E80  }
0x99: {  	[sflag:s23] =	ssyncset.done $0x0  }
0x9a: {  	[sflag:s23] =	ssyncadd.s32 $0xFFFFC180  }
0x9b: {  	_ =	swait.ge [sflag:s23], $0x3E80  }
0x9c: {  	[sflag:s23] =	ssyncset.done $0x0  }
0x9d: {  	[sflag:s23] =	ssyncadd.s32 $0xFFFFC180  }
0x9e: {  	_ =	swait.ge [sflag:s23], $0x3E80  }
0x9f: {  	[sflag:s23] =	ssyncset.done $0x0  }
0xa0: {  	[sflag:s23] =	ssyncadd.s32 $0xFFFFC180  }
0xa1: {  	_ =	swait.ge [sflag:s23], $0x3E80  }
0xa2: {  	[sflag:s23] =	ssyncset.done $0x0  }
0xa3: {  	[sflag:s23] =	ssyncadd.s32 $0xFFFFC180  }
0xa4: {  	_ =	swait.ge [sflag:s23], $0x3E80  }
0xa5: {  	[sflag:s23] =	ssyncset.done $0x0  }
0xa6: {  	[sflag:s23] =	ssyncadd.s32 $0xFFFFC180  }
0xa7: {  	_ =	swait.ge [sflag:s23], $0x3E80  }
0xa8: {  	[sflag:s23] =	ssyncset.done $0x0  }
0xa9: {  	[sflag:s23] =	ssyncadd.s32 $0xFFFFC180  }
0xaa: {  	_ =	swait.ge [sflag:s23], $0x3E80  }
0xab: {  	[sflag:s23] =	ssyncset.done $0x0  }
0xac: {  	[sflag:s23] =	ssyncadd.s32 $0xFFFFC180  }
0xad: {  	_ =	swait.ge [sflag:s23], $0x3E80  }
0xae: {  	[sflag:s23] =	ssyncset.done $0x0  }
0xaf: {  	[sflag:s23] =	ssyncadd.s32 $0xFFFFC180  }
0xb0: {  	_ =	swait.ge [sflag:s23], $0x3E80  }
0xb1: {  	[sflag:s23] =	ssyncset.done $0x0  }
0xb2: {  	[sflag:s23] =	ssyncadd.s32 $0xFFFFC180  }
0xb3: {  	_ =	swait.ge [sflag:s23], $0x3E80  }
0xb4: {  	[sflag:s23] =	ssyncset.done $0x0  }
0xb5: {  	[sflag:s23] =	ssyncadd.s32 $0xFFFFC180  }
0xb6: {  	_ =	swait.ge [sflag:s23], $0x3E80  }
0xb7: {  	[sflag:s23] =	ssyncset.done $0x0  }
0xb8: {  	[sflag:s23] =	ssyncadd.s32 $0xFFFFC180  }
0xb9: {  	_ =	swait.ge [sflag:s23], $0x3E80  }
0xba: {  	[sflag:s23] =	ssyncset.done $0x0  }
0xbb: {  	[sflag:s23] =	ssyncadd.s32 $0xFFFFC180  }
0xbc: {  	_ =	swait.ge [sflag:s23], $0x3E80  }
0xbd: {  	s25 =	sadd.s32 $0x1, s25;
	[sflag:s23] =	ssyncset.done $0x0  }
0xbe: {  	p0 =	sne.s32 s25, s12;
	[sflag:s23] =	ssyncadd.s32 $0xFFFFC180  }
.Ltmp4:
0xbf: {  	[bflag:$0x0] =	sbarrier.arrive $0xFFFF;
	(pc) =	sbr.rel @p0 .LBB2_1-.Ltmp4, $4  }
0xc0: {  	[hbm:s11], [sflag:s7] =	dma.local [spmem:s14], $0x2800  }
0xc1: {  	_ =	swait.ge [sflag:s15], $0x2800  }
0xc2: {  	[sflag:s15] =	ssyncset.done $0x0  }
0xc3: {  	[sflag:s15] =	ssyncadd.s32 $0xFFFFD800  }
0xc4: {  	_ =	sfence.sel $0x180000  }
0xc5: {  	[bflag:$0x0] =	sbarrier.arrive $0xFFFF  }
0xc6: {  	_ =	strace $0x90000047  }
0xc7: {  	s0 =	stileid.u32;
	[bflag:$0x2] =	sbarrier.arrive $0xFFFF  }
0xc8: {  	p0 =	sne.s32 s0, $0x0;
	s0 =	rddreg [dreg:$0x3]  }
0xc9: {  	s0 =	sadd.s32 @!p0 $0x100000, s0  }
0xca: {  	[sflag:s0] =	ssyncadd.tile.s32 @!p0 $0x1;
	_ =	shalt  }
.Lfunc_end2:
_tile_overlayer_lowered:
.L_overlay_start_2:
0xcb: {  	(tag) =	ssettag $0x2  }
0xcc: {  	s0 =	rddreg [dreg:$0x0];
	s2 =	stileid.u32  }
0xcd: {  	s1 =	rddreg [dreg:$0x1];
	p0 =	sne.s32 s2, $0x0  }
0xce: {  	s3 =	rddreg [dreg:$0x2];
	[bflag:$0x3] =	sbarrier.arrive $0xFFFF;
	s2 =	simm.s32 @!p0 $0x1C05  }
0xcf: {  	[timem:s3], [sflag:s2] =	dma.local @!p0 [hbm:s0], s1  }
0xd0: {  	s0 =	simm.s32 @!p0 $0x5  }
0xd1: {  	_ =	swait.ge @!p0 [sflag:s0], s1  }
0xd2: {  	s1 =	ssub.s32 @!p0 $0x0, s1;
	[sflag:s0] =	ssyncset.done @!p0 $0x0  }
0xd3: {  	[sflag:s0] =	ssyncadd.s32 @!p0 s1  }
0xd4: {  	[bflag:$0x3] =	sbarrier.arrive $0xFFFF  }
0xd5: {  	_ =	shalt  }

// kernel: kernel.9.cloned.1.call-start
scs
__scs_entry_jumppad:
0x0: {  	(pc) =	sbr.rel $0x88, $3  }
0x1: {  	(tag) =	ssettag $0x0;
	lr =	simm.s32 $0x1  }
0x2: {  	[smem:$0x3F8F] =	sst lr;
	_ =	strace $0xD0000000  }
0x3: {  	_ = 	snop  }
0x4: {  	_ = 	snop  }
0x5: {  	_ = 	snop  }
0x6: {  	_ = 	snop  }
0x7: {  	_ = 	snop  }
__scs_overlays_trampoline_lowered:
0x8: {  	[smem:$0x3F9E] =	sst s0  }
0x9: {  	[smem:$0x3F9F] =	sst s1  }
0xa: {  	[smem:$0x3FA0] =	sst s2  }
0xb: {  	[smem:$0x3FA1] =	sst s3  }
0xc: {  	[smem:$0x3FA2] =	sst s4  }
0xd: {  	[smem:$0x3FA3] =	sst s5  }
0xe: {  	[smem:$0x3FA4] =	sst s6  }
0xf: {  	[smem:$0x3FA5] =	sst s7  }
0x10: {  	[smem:$0x3FA6] =	sst s8  }
0x11: {  	[smem:$0x3FA7] =	sst s9;
	s0 =	simm.s32 @!p0 $0x0  }
0x12: {  	s1 =	sld [smem:$0x3F8D];
	s0 =	simm.s32 @p0 $0x1  }
0x13: {  	[smem:$0x3FA8] =	sst s0;
	s0 =	simm.s32 @!p1 $0x0  }
0x14: {  	s2 =	sld [smem:$0x3F8C];
	s0 =	simm.s32 @p1 $0x1  }
0x15: {  	[smem:$0x3FA9] =	sst s0;
	s0 =	simm.s32 @!p2 $0x0  }
0x16: {  	s3 =	sld [smem:$0x3FDB];
	s0 =	simm.s32 @p2 $0x1  }
0x17: {  	s4 =	simm.s32 $0x1BF5;
	[smem:$0x3FAB] =	sst s0  }
0x18: {  	s0 =	sld [smem:$0x3F8E];
	_ =	swait.ge [sflag:s4], $0x0  }
0x19: {  	s7 =	sld [smem:$0x3F8F]  }
0x1a: {  	s8 =	sadd.s32 $0xFFFFE003, lr  }
0x1b: {  	s9 =	sadd.s32 $0xFFFFFEF7, lr;
	s5 =	simm.s32 $0xFFFFFFFF;
	p2 =	slt.u32 s8, $0xFFFFF086  }
0x1c: {  	p1 =	slt.u32 s9, $0xF7A;
	s5 =	simm.s32 @!p2 $0x0  }
0x1d: {  	s5 =	simm.s32 @p1 $0x1;
	p0 =	seq.s32 s7, s2  }
0x1e: {  	s7 =	smul.u32 @!p0 $0xF7A, s2;
	p2 =	seq.s32 @!p0 s5, $0x0  }
0x1f: {  	s9 =	smul.u32 $0xF7A, s1;
	s8 =	simm.s32 @!p0 $0x1BF5;
	p2 =	por !p2, p0  }
0x20: {  	[sflag:s8] =	ssyncset.s32 @!p0 $0xFFFFF086;
	s6 =	sadd.s32 @!p0 s3, s7;
	s7 =	simm.s32 @!p0 $0x108  }
0x21: {  	s3 =	sadd.s32 s3, s9;
	s6 =	sadd.s32 @!p0 $0x88, s6;
	s7 =	simm.s32 @p2 $0x1082  }
0x22: {  	[simem:s7], [sflag:s8] =	dma.local @!p0 [hbm:s6], $0xF7A  }
0x23: {  	s9 =	sor.u32 $0xD0000000, s2;
	s6 =	simm.s32 $0x108;
	_ =	swait.ge @!p0 [sflag:s8], $0x0  }
0x24: {  	s3 =	sadd.s32 $0x88, s3;
	s6 =	simm.s32 @!p1 $0x1082;
	[sflag:s4] =	ssyncset.s32 $0xFFFFF086  }
0x25: {  	[simem:s6], [sflag:s4] =	dma.local [hbm:s3], $0xF7A  }
0x26: {  	[smem:$0x3F8F] =	sst s1;
	(tag) =	ssettag s2;
	_ =	strace s9  }
0x27: {  	s1 =	sld [smem:$0x3F9F]  }
0x28: {  	s2 =	sld [smem:$0x3FA0]  }
0x29: {  	s4 =	sld [smem:$0x3FA2]  }
0x2a: {  	p0 =	seq.s32 s5, $0x0;
	s5 =	sld [smem:$0x3FA3]  }
0x2b: {  	s6 =	sld [smem:$0x3FA4]  }
0x2c: {  	s7 =	sld [smem:$0x3FA5]  }
0x2d: {  	s3 =	simm.s32 $0x108;
	s8 =	sld [smem:$0x3FA6]  }
0x2e: {  	s3 =	simm.s32 @!p0 $0x1082;
	s9 =	sld [smem:$0x3FA7]  }
0x2f: {  	lr =	sadd.s32 s0, s3;
	s0 =	sld [smem:$0x3F9E]  }
0x30: {  	s3 =	sld [smem:$0x3FA1]  }
0x31: {  	[smem:$0x3FAA] =	sst s10  }
0x32: {  	s10 =	sld [smem:$0x3FA8];
	_ =	sdelay $0x3  }
0x33: {  	p0 =	seq.s32 s10, $0x1;
	s10 =	sld [smem:$0x3FAA];
	_ =	sdelay $0x3  }
0x34: {  	[smem:$0x3FAA] =	sst s10  }
0x35: {  	s10 =	sld [smem:$0x3FA9];
	_ =	sdelay $0x3  }
0x36: {  	p1 =	seq.s32 s10, $0x1;
	s10 =	sld [smem:$0x3FAA];
	_ =	sdelay $0x3  }
0x37: {  	[smem:$0x3FAA] =	sst s10  }
0x38: {  	s10 =	sld [smem:$0x3FAB]  }
0x39: {  	_ = 	snop;
	(pc) =	sbr.ind lr, $3  }
0x3a: {  	_ = 	snop  }
0x3b: {  	_ = 	snop  }
0x3c: {  	p2 =	seq.s32 s10, $0x1;
	s10 =	sld [smem:$0x3FAA]  }
0x3d: {  	_ =	shalt  }
0x3e: {  	_ =	shalt  }
0x3f: {  	_ =	shalt  }
0x40: {  	_ =	shalt  }
0x41: {  	_ =	shalt  }
0x42: {  	_ =	shalt  }
0x43: {  	_ =	shalt  }
0x44: {  	_ =	shalt  }
0x45: {  	_ =	shalt  }
0x46: {  	_ =	shalt  }
0x47: {  	_ =	shalt  }
0x48: {  	_ =	shalt  }
0x49: {  	_ =	shalt  }
0x4a: {  	_ =	shalt  }
0x4b: {  	_ =	shalt  }
0x4c: {  	_ =	shalt  }
0x4d: {  	_ =	shalt  }
0x4e: {  	_ =	shalt  }
0x4f: {  	_ =	shalt  }
0x50: {  	_ =	shalt  }
0x51: {  	_ =	shalt  }
0x52: {  	_ =	shalt  }
0x53: {  	_ =	shalt  }
0x54: {  	_ =	shalt  }
0x55: {  	_ =	shalt  }
0x56: {  	_ =	shalt  }
0x57: {  	_ =	shalt  }
0x58: {  	_ =	shalt  }
0x59: {  	_ =	shalt  }
0x5a: {  	_ =	shalt  }
0x5b: {  	_ =	shalt  }
0x5c: {  	_ =	shalt  }
0x5d: {  	_ =	shalt  }
0x5e: {  	_ =	shalt  }
0x5f: {  	_ =	shalt  }
0x60: {  	_ =	shalt  }
0x61: {  	_ =	shalt  }
0x62: {  	_ =	shalt  }
0x63: {  	_ =	shalt  }
0x64: {  	_ =	shalt  }
0x65: {  	_ =	shalt  }
0x66: {  	_ =	shalt  }
0x67: {  	_ =	shalt  }
0x68: {  	_ =	shalt  }
0x69: {  	_ =	shalt  }
0x6a: {  	_ =	shalt  }
0x6b: {  	_ =	shalt  }
0x6c: {  	_ =	shalt  }
0x6d: {  	_ =	shalt  }
0x6e: {  	_ =	shalt  }
0x6f: {  	_ =	shalt  }
0x70: {  	_ =	shalt  }
0x71: {  	_ =	shalt  }
0x72: {  	_ =	shalt  }
0x73: {  	_ =	shalt  }
0x74: {  	_ =	shalt  }
0x75: {  	_ =	shalt  }
0x76: {  	_ =	shalt  }
0x77: {  	_ =	shalt  }
0x78: {  	_ =	shalt  }
0x79: {  	_ =	shalt  }
0x7a: {  	_ =	shalt  }
0x7b: {  	_ =	shalt  }
0x7c: {  	_ =	shalt  }
0x7d: {  	_ =	shalt  }
0x7e: {  	_ =	shalt  }
0x7f: {  	_ =	shalt  }
0x80: {  	_ =	shalt  }
0x81: {  	_ =	shalt  }
0x82: {  	_ =	shalt  }
0x83: {  	_ =	shalt  }
0x84: {  	_ =	shalt  }
0x85: {  	_ =	shalt  }
0x86: {  	_ =	shalt  }
0x87: {  	_ =	shalt  }
.Lfunc_end0:
.L_simem_size_0:
called_computation.1_lowered:
.L_overlay_start_0:
0x88: {  	s2 =	sld [smem:$0x3FD9]  }
0x89: {  	s3 =	sld [smem:$0x3FFE];
	_ =	sdelay $0x1  }
0x8a: {  	s1 =	srdreg.scid  }
0x8b: {  	s0 =	sand.u32 $0x1, s1  }
0x8c: {  	s16 =	sshll.u32 s0, $0xA;
	s2 =	sadd.s32 s3, s2  }
0x8d: {  	s2 =	sadd.s32 s2, s16  }
0x8e: {  	[smem:$0x3FB6] =	sst s2  }
0x8f: {  	_ = 	snop  }
0x90: {  	(tm) =	ssettm $0x1  }
0x91: {  	s17 =	sld [smem:$0x3FFB];
	_ =	sdelay $0x3  }
0x92: {  	_ =	strace s17  }
0x93: {  	s2 =	sld [smem:$0x3FFC];
	_ =	sdelay $0x3  }
0x94: {  	_ =	strace s2  }
0x95: {  	s2 =	sld [smem:$0x3FFD];
	_ =	sdelay $0x3  }
0x96: {  	_ =	strace s2  }
0x97: {  	_ =	strace $0x8FFFFFFF  }
0x98: {  	s18 =	sld [smem:$0x3FDB];
	_ =	sdelay $0x1  }
0x99: {  	s19 =	simm.s32 $_scs_section_size  }
0x9a: {  	s4 =	simm.s32 $_size__tile_overlayer_lowered;
	s5 =	simm.s32 $_tile_overlayer_lowered  }
0x9b: {  	s22 =	simm.s32 $0x1BFF;
	s21 =	sshll.u32 s5, $0x1;
	s2 =	sadd.s32 s19, s18  }
0x9c: {  	s6 =	simm.s32 $0x0;
	s20 =	sshll.u32 s4, $0x1;
	s4 =	sadd.s32 s21, s2  }
0x9d: {  	[timem:s6], [sflag:s22] =	dma.local [hbm:s4], s20  }
0x9e: {  	_ =	swait.ge [sflag:s22], s20  }
0x9f: {  	s3 =	ssub.s32 $0x0, s20;
	[sflag:s22] =	ssyncset.done $0x0  }
0xa0: {  	[sflag:s22] =	ssyncadd.s32 s3;
	_ =	sdelay $0x1  }
0xa1: {  	s23 =	simm.s32 $0x1B8B  }
0xa2: {  	_ =	swait.ge [sflag:s23], $0x1  }
0xa3: {  	[sflag:s23] =	ssyncset.done $0x0  }
0xa4: {  	s25 =	simm.s32 $0x1B8E;
	s24 =	sld [smem:$0x3FFE];
	[sflag:s23] =	ssyncadd.s32 $0xFFFFFFFF  }
0xa5: {  	s26 =	simm.s32 $execute0_lowered;
	[smem:$0x3FD2] =	sst s25  }
0xa6: {  	s4 =	sshll.u32 s26, $0x1;
	_ =	strace $0x80000049;
	[dreg:$0x1] =	wrdreg $0xFFFFFFFF  }
0xa7: {  	s28 =	simm.s32 $_size_execute0_lowered;
	s2 =	sadd.s32 s2, s4;
	[dreg:$0x0] =	wrdreg $0x0  }
0xa8: {  	s4 =	sshll.u32 s28, $0x1;
	[dreg:$0x2] =	wrdreg s2  }
0xa9: {  	[dreg:$0x3] =	wrdreg s4  }
0xaa: {  	[dreg:$0x4] =	wrdreg $0xC0  }
0xab: {  	_ =	task [dreg:s6], $0x5FFFF  }
0xac: {  	[dreg:$0x1] =	wrdreg $0xFFFFFFFF  }
0xad: {  	[dreg:$0x0] =	wrdreg $0x60  }
0xae: {  	[dreg:$0x2] =	wrdreg s24  }
0xaf: {  	[dreg:$0x3] =	wrdreg $0xB0000  }
0xb0: {  	[dreg:$0x4] =	wrdreg $0x9  }
0xb1: {  	_ =	task.clear_ibuf [dreg:s6], $0x5FFFF;
	_ =	strace $0x90000049  }
0xb2: {  	s29 =	simm.s32 $0x9;
	_ =	strace $0x8000004B  }
0xb3: {  	_ =	swait.ge [sflag:s29], $0x1  }
0xb4: {  	[sflag:s29] =	ssyncadd.s32 $0xFFFFFFFF  }
0xb5: {  	_ =	strace $0x9000004B  }
0xb6: {  	_ =	sfence  }
0xb7: {  	s30 =	sld [smem:$0x0];
	_ =	sdelay $0x2  }
0xb8: {  	s31 =	sshll.u32 s1, $0xD;
	s1 =	sshrl.u32 s1, $0x2  }
0xb9: {  	s3 =	sand.u32 $0x4000, s31;
	s1 =	sadd.s32 s1, s30  }
0xba: {  	s0 =	sor.u32 s3, s0;
	s1 =	sshll.u32 s1, $0x11  }
0xbb: {  	s0 =	sor.u32 s1, s0  }
0xbc: {  	s0 =	sadd.s32 $0x8F2B, s0  }
0xbd: {  	[sflag:s0] =	ssyncadd.remote.s32 $0x1  }
0xbe: {  	_ =	sfence.sel $0xFFFF  }
0xbf: {  	[dreg:$0x0] =	wrdreg $0xFFFFFFFF;
	(pc) =	sbr.abs _section_cstart, $3  }
0xc0: {  	[dreg:$0x1] =	wrdreg $0xFFFFFFFF  }
0xc1: {  	_ =	task.clear_ibuf [dreg:s6], $0x2FFFF;
	_ =	strace $0x9FFFFFFF  }
0xc2: {  	(tm) =	ssettm $0x7FFFFFFF  }
0xc3: {  	_ =	shalt  }
tec
execute0_lowered:
.L_overlay_start_1:
0x0: {  	(tag) =	ssettag $0x1  }
0x1: {  	s0 =	srdreg.scid;
	s5 =	rddreg [dreg:$0x0]  }
0x2: {  	s2 =	rddreg [dreg:$0x1];
	s1 =	stileid.u32;
	s3 =	simm.s32 $0x0  }
0x3: {  	s16 =	simm.s32 $0x3000;
	s17 =	simm.s32 $0x80;
	s18 =	simm.s32 $0x7000  }
0x4: {  	s19 =	simm.s32 $0x1;
	s20 =	simm.s32 $0x2;
	s21 =	simm.s32 $0x3  }
0x5: {  	s6 =	sand.u32 $0x1, s0;
	s0 =	rddreg [dreg:$0x2];
	s7 =	smul.u32 $0x2800, s1  }
0x6: {  	s22 =	simm.s32 $0x0;
	[smem:$0x7FF] =	sst s3;
	s13 =	smul.u32 $0x50000, s1  }
0x7: {  	s9 =	sadd.s32 $0x4400, s5;
	s28 =	sshll.u32 s1, $0x6;
	s30 =	smul.u32 $0x500, s1  }
0x8: {  	s4 =	sshll.u32 s6, $0x4;
	_ =	strace $0x8000004A;
	s10 =	smul.u32 $0x28000, s6  }
0x9: {  	s12 =	ssub.s32 $0x2, s6;
	s29 =	smul.u32 $0x5000, s6;
	s6 =	sor.u32 $0x1C04, s28  }
0xa: {  	s4 =	sor.u32 s1, s4;
	s14 =	sadd.s32 s7, s5;
	s24 =	sshrl.u32 s12, $0x1  }
0xb: {  	s25 =	sshrl.u32 s13, $0x2;
	s13 =	simm.s32 $0x4;
	s8 =	smul.u32 $0x500, s4  }
0xc: {  	s4 =	sadd.s32 $0x68400, s5;
	s7 =	sadd.s32 s7, s10;
	s10 =	ssub.s32 s12, s24  }
.Ltmp0:
0xd: {  	s26 =	sadd.s32 s25, s2;
	s31 =	sadd.s32 s29, s9;
	(pc) =	sbr.rel .LBB2_1-.Ltmp0, $4  }
0xe: {  	s15 =	sadd.s32 s7, s5;
	s10 =	smax.u32 s10, $0x1;
	s12 =	sshrl.u32 s26, $0x3  }
0xf: {  	s11 =	sadd.s32 s8, s5;
	s5 =	sadd.s32 $0x18400, s14;
	s8 =	sadd.s32 s9, s8  }
0x10: {  	s9 =	sadd.s32 $0x8F600, s15;
	s7 =	sadd.s32 $0xE400, s11;
	s11 =	sadd.s32 s30, s31  }
0x11: {  	s14 =	simm.s32 $0x800;
	s15 =	simm.s32 $0x7D;
	s11 =	sadd.s32 $0x80, s11  }
.LBB2_3:
0x12: {  	_ =	swait.ge [sflag:s20], $0x3E80  }
0x13: {  	[sflag:s20] =	ssyncset.done $0x0  }
0x14: {  	s23 =	sadd.s32 $0xB80, s26;
	[sflag:s20] =	ssyncadd.s32 $0xFFFFC180  }
0x15: {  	[spmem:s2] =	stream.indirect.scatter.add.f32 [tilespmem:s18], [sflag:$0x4], $0x80, s23, s15, $0xb8;
	[tilespmem:$0x1F000] =	vst v63  }
0x16: {  	_ =	swait.ge [sflag:s13], $0x3E80  }
0x17: {  	[sflag:s13] =	ssyncset.done $0x0  }
0x18: {  	[sflag:s13] =	ssyncadd.s32 $0xFFFFC180  }
.LBB2_5:
0x19: {  	s22 =	sadd.s32 $0x1, s22  }
0x1a: {  	p0 =	sne.s32 s22, s10  }
.Ltmp1:
0x1b: {  	[bflag:$0x0] =	sbarrier.arrive $0xFFFF;
	(pc) =	sbr.rel @!p0 .LBB2_6-.Ltmp1, $4  }
0x1c: {  	[hbm:s9], [sflag:s6] =	dma.local [spmem:s12], $0x2800  }
0x1d: {  	_ =	swait.ge [sflag:s13], $0x2800  }
0x1e: {  	[sflag:s13] =	ssyncset.done $0x0  }
0x1f: {  	[sflag:s13] =	ssyncadd.s32 $0xFFFFD800  }
.LBB2_1:
0x20: {  	[spmem:s12], [sflag:s6] =	dma.local [hbm:s5], $0x2800  }
0x21: {  	_ =	swait.ge [sflag:s13], $0x2800  }
0x22: {  	[sflag:s13] =	ssyncset.done $0x0  }
0x23: {  	[sflag:s13] =	ssyncadd.s32 $0xFFFFD800  }
0x24: {  	[tilespmem:s14], [sflag:$0x4] =	stream.linear.gather [hbm4b:s7+s3], $0x2800, $0x38;
	[tilespmem:$0x1F000] =	vst v63  }
0x25: {  	_ =	swait.ge [sflag:s13], $0x2800  }
0x26: {  	[sflag:s13] =	ssyncset.done $0x0  }
0x27: {  	[sflag:s13] =	ssyncadd.s32 $0xFFFFD800  }
0x28: {  	[tilespmem:s3], [sflag:$0x4] =	stream.linear.gather [hbm4b:s8+s3], $0x400, $0x38;
	[tilespmem:$0x1F000] =	vst v63  }
0x29: {  	_ =	swait.ge [sflag:s13], $0x400  }
0x2a: {  	[sflag:s13] =	ssyncset.done $0x0  }
0x2b: {  	[sflag:s13] =	ssyncadd.s32 $0xFFFFFC00  }
0x2c: {  	[bflag:$0x0] =	sbarrier.arrive $0xFFFF  }
0x2d: {  	[tilespmem:s16], [sflag:$0x1] =	stream.indirect.gather [hbm4b:s4+s15], $0x80, s3, s15, $0xb8;
	[tilespmem:$0x1F000] =	vst v63  }
0x2e: {  	s23 =	simm.s32 $0x1;
	s24 =	simm.s32 $0x0;
	s25 =	smov.u32 s11  }
0x2f: {  	[tilespmem:s18], [sflag:$0x2] =	stream.indirect.gather [hbm4b:s4+s15], $0x80, s17, s15, $0xb8;
	[tilespmem:$0x1F000] =	vst v63  }
.LBB2_2:
0x30: {  	s28 =	sand.u32 $0x1, s23;
	p0 =	seq.s32 s24, $0x9000  }
0x31: {  	s26 =	sshll.u32 @!p0 s28, $0xA;
	s29 =	simm.s32 @!p0 $0x0  }
0x32: {  	[tilespmem:s26], [sflag:$0x3] =	stream.linear.gather @!p0 [hbm4b:s25+s29], $0x400, $0x38;
	[tilespmem:$0x1F000] =	vst v63  }
0x33: {  	_ =	swait.ge [sflag:s19], $0x3E80  }
0x34: {  	s26 =	sshra.s32 s24, $0x2;
	[sflag:s19] =	ssyncset.done $0x0  }
0x35: {  	s31 =	sadd.s32 $0x800, s26;
	[sflag:s19] =	ssyncadd.s32 $0xFFFFC180  }
0x36: {  	[spmem:s2] =	stream.indirect.scatter.add.f32 [tilespmem:s16], [sflag:$0x4], $0x80, s31, s15, $0xb8;
	[tilespmem:$0x1F000] =	vst v63  }
0x37: {  	s30 =	sshrl.u32 s24, $0x2;
	_ =	swait.ge [sflag:s13], $0x3E80  }
0x38: {  	s29 =	sand.u32 $0x400, s30;
	[sflag:s13] =	ssyncset.done $0x0  }
0x39: {  	s30 =	sor.u32 $0x100, s29;
	[sflag:s13] =	ssyncadd.s32 $0xFFFFC180  }
0x3a: {  	[tilespmem:s16], [sflag:$0x1] =	stream.indirect.gather [hbm4b:s4+s15], $0x80, s30, s15, $0xb8;
	[tilespmem:$0x1F000] =	vst v63  }
0x3b: {  	_ =	swait.ge [sflag:s20], $0x3E80  }
0x3c: {  	[sflag:s20] =	ssyncset.done $0x0  }
0x3d: {  	s31 =	sadd.s32 $0x880, s26;
	[sflag:s20] =	ssyncadd.s32 $0xFFFFC180  }
0x3e: {  	[spmem:s2] =	stream.indirect.scatter.add.f32 [tilespmem:s18], [sflag:$0x4], $0x80, s31, s15, $0xb8;
	[tilespmem:$0x1F000] =	vst v63  }
0x3f: {  	_ =	swait.ge [sflag:s13], $0x3E80  }
0x40: {  	[sflag:s13] =	ssyncset.done $0x0  }
0x41: {  	s31 =	sor.u32 $0x180, s29;
	[sflag:s13] =	ssyncadd.s32 $0xFFFFC180  }
0x42: {  	[tilespmem:s18], [sflag:$0x2] =	stream.indirect.gather [hbm4b:s4+s15], $0x80, s31, s15, $0xb8;
	[tilespmem:$0x1F000] =	vst v63  }
0x43: {  	_ =	swait.ge [sflag:s19], $0x3E80  }
0x44: {  	[sflag:s19] =	ssyncset.done $0x0  }
0x45: {  	s31 =	sadd.s32 $0x900, s26;
	[sflag:s19] =	ssyncadd.s32 $0xFFFFC180  }
0x46: {  	[spmem:s2] =	stream.indirect.scatter.add.f32 [tilespmem:s16], [sflag:$0x4], $0x80, s31, s15, $0xb8;
	[tilespmem:$0x1F000] =	vst v63  }
0x47: {  	_ =	swait.ge [sflag:s13], $0x3E80  }
0x48: {  	[sflag:s13] =	ssyncset.done $0x0  }
0x49: {  	s31 =	sor.u32 $0x200, s29;
	[sflag:s13] =	ssyncadd.s32 $0xFFFFC180  }
0x4a: {  	[tilespmem:s16], [sflag:$0x1] =	stream.indirect.gather [hbm4b:s4+s15], $0x80, s31, s15, $0xb8;
	[tilespmem:$0x1F000] =	vst v63  }
0x4b: {  	_ =	swait.ge [sflag:s20], $0x3E80  }
0x4c: {  	[sflag:s20] =	ssyncset.done $0x0  }
0x4d: {  	s31 =	sadd.s32 $0x980, s26;
	[sflag:s20] =	ssyncadd.s32 $0xFFFFC180  }
0x4e: {  	[spmem:s2] =	stream.indirect.scatter.add.f32 [tilespmem:s18], [sflag:$0x4], $0x80, s31, s15, $0xb8;
	[tilespmem:$0x1F000] =	vst v63  }
0x4f: {  	_ =	swait.ge [sflag:s13], $0x3E80  }
0x50: {  	[sflag:s13] =	ssyncset.done $0x0  }
0x51: {  	s31 =	sor.u32 $0x280, s29;
	[sflag:s13] =	ssyncadd.s32 $0xFFFFC180  }
0x52: {  	[tilespmem:s18], [sflag:$0x2] =	stream.indirect.gather [hbm4b:s4+s15], $0x80, s31, s15, $0xb8;
	[tilespmem:$0x1F000] =	vst v63  }
0x53: {  	_ =	swait.ge [sflag:s19], $0x3E80  }
0x54: {  	[sflag:s19] =	ssyncset.done $0x0  }
0x55: {  	s31 =	sadd.s32 $0xA00, s26;
	[sflag:s19] =	ssyncadd.s32 $0xFFFFC180  }
0x56: {  	[spmem:s2] =	stream.indirect.scatter.add.f32 [tilespmem:s16], [sflag:$0x4], $0x80, s31, s15, $0xb8;
	[tilespmem:$0x1F000] =	vst v63  }
0x57: {  	_ =	swait.ge [sflag:s13], $0x3E80  }
0x58: {  	[sflag:s13] =	ssyncset.done $0x0  }
0x59: {  	s31 =	sor.u32 $0x300, s29;
	[sflag:s13] =	ssyncadd.s32 $0xFFFFC180  }
0x5a: {  	[tilespmem:s16], [sflag:$0x1] =	stream.indirect.gather [hbm4b:s4+s15], $0x80, s31, s15, $0xb8;
	[tilespmem:$0x1F000] =	vst v63  }
0x5b: {  	_ =	swait.ge [sflag:s20], $0x3E80  }
0x5c: {  	[sflag:s20] =	ssyncset.done $0x0  }
0x5d: {  	s31 =	sadd.s32 $0xA80, s26;
	[sflag:s20] =	ssyncadd.s32 $0xFFFFC180  }
0x5e: {  	[spmem:s2] =	stream.indirect.scatter.add.f32 [tilespmem:s18], [sflag:$0x4], $0x80, s31, s15, $0xb8;
	[tilespmem:$0x1F000] =	vst v63  }
0x5f: {  	_ =	swait.ge [sflag:s13], $0x3E80  }
0x60: {  	[sflag:s13] =	ssyncset.done $0x0  }
0x61: {  	s29 =	sor.u32 $0x380, s29;
	[sflag:s13] =	ssyncadd.s32 $0xFFFFC180  }
0x62: {  	[tilespmem:s18], [sflag:$0x2] =	stream.indirect.gather [hbm4b:s4+s15], $0x80, s29, s15, $0xb8;
	[tilespmem:$0x1F000] =	vst v63  }
0x63: {  	_ =	swait.ge [sflag:s19], $0x3E80  }
0x64: {  	p0 =	sne.s32 s24, $0x9000;
	[sflag:s19] =	ssyncset.done $0x0  }
.Ltmp2:
0x65: {  	s31 =	sadd.s32 $0xB00, s26;
	[sflag:s19] =	ssyncadd.s32 $0xFFFFC180;
	(pc) =	sbr.rel @!p0 .LBB2_3-.Ltmp2, $4  }
0x66: {  	[spmem:s2] =	stream.indirect.scatter.add.f32 [tilespmem:s16], [sflag:$0x4], $0x80, s31, s15, $0xb8;
	[tilespmem:$0x1F000] =	vst v63  }
0x67: {  	_ =	swait.ge [sflag:s13], $0x3E80  }
0x68: {  	[sflag:s13] =	ssyncset.done $0x0  }
0x69: {  	[sflag:s13] =	ssyncadd.s32 $0xFFFFC180  }
0x6a: {  	_ =	swait.ge [sflag:s21], $0x400  }
0x6b: {  	[sflag:s21] =	ssyncset.done $0x0  }
0x6c: {  	s28 =	sshll.u32 s28, $0xA;
	[sflag:s21] =	ssyncadd.s32 $0xFFFFFC00  }
0x6d: {  	[tilespmem:s16], [sflag:$0x1] =	stream.indirect.gather [hbm4b:s4+s15], $0x80, s28, s15, $0xb8;
	[tilespmem:$0x1F000] =	vst v63  }
0x6e: {  	_ =	swait.ge [sflag:s20], $0x3E80  }
0x6f: {  	s24 =	sadd.s32 $0x1000, s24;
	[sflag:s20] =	ssyncset.done $0x0  }
0x70: {  	s26 =	sadd.s32 $0xB80, s26;
	p0 =	sne.s32 s24, $0xA000;
	[sflag:s20] =	ssyncadd.s32 $0xFFFFC180  }
0x71: {  	[spmem:s2] =	stream.indirect.scatter.add.f32 [tilespmem:s18], [sflag:$0x4], $0x80, s26, s15, $0xb8;
	[tilespmem:$0x1F000] =	vst v63  }
.Ltmp3:
0x72: {  	_ = 	snop;
	(pc) =	sbr.rel @p0 .LBB2_2-.Ltmp3, $4  }
.Ltmp4:
0x73: {  	_ =	swait.ge [sflag:s13], $0x3E80;
	(pc) =	sbr.rel @!p0 .LBB2_5-.Ltmp4, $4  }
0x74: {  	s25 =	sadd.s32 $0x80, s25;
	[sflag:s13] =	ssyncset.done $0x0  }
0x75: {  	s23 =	sadd.s32 $0x1, s23;
	s31 =	sor.u32 $0x80, s28;
	[sflag:s13] =	ssyncadd.s32 $0xFFFFC180  }
0x76: {  	[tilespmem:s18], [sflag:$0x2] =	stream.indirect.gather [hbm4b:s4+s15], $0x80, s31, s15, $0xb8;
	[tilespmem:$0x1F000] =	vst v63  }
0x77: {  	_ = 	snop  }
.LBB2_6:
0x78: {  	_ =	sfence.sel $0x180000  }
0x79: {  	[bflag:$0x0] =	sbarrier.arrive $0xFFFF  }
0x7a: {  	p0 =	sne.s32 s1, $0x0;
	_ =	strace $0x9000004A  }
0x7b: {  	s0 =	sadd.s32 @!p0 $0x100000, s0;
	[bflag:$0x2] =	sbarrier.arrive $0xFFFF  }
0x7c: {  	[sflag:s0] =	ssyncadd.tile.s32 @!p0 $0x1;
	_ =	shalt  }
.Lfunc_end2:
_tile_overlayer_lowered:
.L_overlay_start_2:
0x7d: {  	(tag) =	ssettag $0x2  }
0x7e: {  	s0 =	rddreg [dreg:$0x0];
	s2 =	stileid.u32  }
0x7f: {  	s1 =	rddreg [dreg:$0x1];
	p0 =	sne.s32 s2, $0x0  }
0x80: {  	s3 =	rddreg [dreg:$0x2];
	[bflag:$0x3] =	sbarrier.arrive $0xFFFF;
	s2 =	simm.s32 @!p0 $0x1C04  }
0x81: {  	[timem:s3], [sflag:s2] =	dma.local @!p0 [hbm:s0], s1  }
0x82: {  	s0 =	simm.s32 @!p0 $0x4  }
0x83: {  	_ =	swait.ge @!p0 [sflag:s0], s1  }
0x84: {  	s1 =	ssub.s32 @!p0 $0x0, s1;
	[sflag:s0] =	ssyncset.done @!p0 $0x0  }
0x85: {  	[sflag:s0] =	ssyncadd.s32 @!p0 s1  }
0x86: {  	[bflag:$0x3] =	sbarrier.arrive $0xFFFF  }
0x87: {  	_ =	shalt  }

</sc_bundles>
